<compile_context>
chip_gen: v7x
topology: tpu7x:2x2x1
jax: 0.10.2.dev20260603
libtpu: 0.0.44.dev20260713+nightly
codegen_flags: <defaults>
</compile_context>

<pallas_src>
import functools

import jax
import jax.numpy as jnp
from jax import lax
from jax.experimental import pallas as pl
from jax.experimental.pallas import tpu as pltpu
from jax.experimental.pallas import tpu_sc as plsc

NUM_CORES = 2
NUM_SUBCORES = 16
NUM_WORKERS = NUM_CORES * NUM_SUBCORES
LANES = 16
CHUNK = 128
STAGE = 8
NBUF = 2


def _sc_accumulate(feat_pad, src3, dst3, zrows, zdeg, *, n_pad, n_chunks, d):
    rows_per_tile = n_pad // NUM_SUBCORES
    mesh = plsc.VectorSubcoreMesh(core_axis_name="c", subcore_axis_name="s")

    @functools.partial(
        pl.kernel,
        out_type=[
            jax.ShapeDtypeStruct((NUM_CORES, n_pad, d), jnp.float32),
            jax.ShapeDtypeStruct((NUM_WORKERS, n_pad), jnp.float32),
        ],
        mesh=mesh,
        compiler_params=pltpu.CompilerParams(needs_layout_passes=False),
        scratch_types=[
            pltpu.VMEM((STAGE, CHUNK), jnp.int32),
            pltpu.VMEM((STAGE, CHUNK), jnp.int32),
            pltpu.VMEM((NBUF, CHUNK, 128), jnp.float32),
            pltpu.VMEM((n_pad,), jnp.float32),
            pltpu.VMEM_SHARED((n_pad, 128), jnp.float32),
            pltpu.SemaphoreType.DMA,
            pltpu.SemaphoreType.DMA,
            pltpu.SemaphoreType.DMA,
        ],
    )
    def sc_kernel(feat_hbm, src_hbm, dst_hbm, zrows_hbm, zdeg_hbm, agg_out,
                  deg_out, sidx_v, didx_v, rows_v, deg_v, agg_sh, gsem, gsem2,
                  ssem):
        c = lax.axis_index("c")
        s = lax.axis_index("s")
        gw = c * NUM_SUBCORES + s
        base = s * rows_per_tile
        pltpu.sync_copy(zdeg_hbm, deg_v)
        pltpu.sync_copy(zrows_hbm, rows_v.at[0])
        zcopies = [
            pltpu.async_copy(rows_v.at[0], agg_sh.at[pl.ds(base + k, CHUNK)],
                             ssem)
            for k in range(0, rows_per_tile, CHUNK)
        ]
        for zc in zcopies:
            zc.wait()
        plsc.subcore_barrier()

        ones16 = jnp.full((LANES,), 1.0, jnp.float32)

        def group_body(g, carry):
            off = pl.multiple_of(g * STAGE, STAGE)
            pltpu.sync_copy(src_hbm.at[gw, pl.ds(off, STAGE)], sidx_v)
            pltpu.sync_copy(dst_hbm.at[gw, pl.ds(off, STAGE)], didx_v)
            half = CHUNK // 2

            def start_gather(j, b):
                return (
                    pltpu.async_copy(feat_hbm.at[sidx_v.at[j, pl.ds(0, half)]],
                                     rows_v.at[b, pl.ds(0, half)], gsem),
                    pltpu.async_copy(
                        feat_hbm.at[sidx_v.at[j, pl.ds(half, half)]],
                        rows_v.at[b, pl.ds(half, half)], gsem2),
                )

            gathers = [None] * NBUF
            scatters = [None] * NBUF
            for j in range(min(NBUF, STAGE)):
                gathers[j] = start_gather(j, j)
            for j in range(STAGE):
                b = j % NBUF
                gathers[b][0].wait()
                gathers[b][1].wait()
                scatters[b] = pltpu.async_copy(
                    rows_v.at[b], agg_sh.at[didx_v.at[j]], ssem, add=True)
                for i in range(CHUNK // LANES):
                    idx16 = didx_v[j, pl.ds(i * LANES, LANES)]
                    plsc.addupdate_scatter(deg_v, [idx16], ones16)
                if j + NBUF < STAGE:
                    scatters[b].wait()
                    gathers[b] = start_gather(j + NBUF, b)
            for j in range(max(0, STAGE - NBUF), STAGE):
                scatters[j % NBUF].wait()
            return carry

        lax.fori_loop(0, n_chunks // STAGE, group_body, 0)
        plsc.subcore_barrier()
        dsem = gsem
        deg_copy = pltpu.async_copy(deg_v, deg_out.at[gw], ssem)
        n_drain = rows_per_tile // CHUNK
        loads = [None] * n_drain
        stores = [None] * n_drain
        for k in range(min(NBUF, n_drain)):
            loads[k] = pltpu.async_copy(
                agg_sh.at[pl.ds(base + k * CHUNK, CHUNK)], rows_v.at[k], dsem)
        for k in range(n_drain):
            b = k % NBUF
            loads[k].wait()
            stores[k] = pltpu.async_copy(
                rows_v.at[b], agg_out.at[c, pl.ds(base + k * CHUNK, CHUNK)],
                ssem)
            if k + NBUF < n_drain:
                stores[k].wait()
                loads[k + NBUF] = pltpu.async_copy(
                    agg_sh.at[pl.ds(base + (k + NBUF) * CHUNK, CHUNK)],
                    rows_v.at[b], dsem)
        for k in range(max(0, n_drain - NBUF), n_drain):
            stores[k].wait()
        deg_copy.wait()

    return sc_kernel(feat_pad, src3, dst3, zrows, zdeg)


def _tc_finalize_body(agg_ref, deg_ref, feat_ref, w_ref, b_ref, ones_ref,
                      o_ref):
    agg = agg_ref[0] + agg_ref[1]
    deg = lax.dot_general(deg_ref[...], ones_ref[...],
                          dimension_numbers=(((0,), (0,)), ((), ())),
                          preferred_element_type=jnp.float32)
    h = (agg + feat_ref[...]) * lax.rsqrt(jnp.maximum(deg, 1.0))
    o_ref[...] = lax.dot_general(
        h, w_ref[...], dimension_numbers=(((1,), (1,)), ((), ())),
        preferred_element_type=jnp.float32) + b_ref[...]


def _tc_finalize(agg_part, deg_part, features, W, b2, ones32, *, block_rows):
    n, d = features.shape
    grid = n // block_rows
    return pl.pallas_call(
        _tc_finalize_body,
        grid=(grid,),
        in_specs=[
            pl.BlockSpec((NUM_CORES, block_rows, d), lambda i: (0, i, 0)),
            pl.BlockSpec((NUM_WORKERS, block_rows), lambda i: (0, i)),
            pl.BlockSpec((block_rows, d), lambda i: (i, 0)),
            pl.BlockSpec(W.shape, lambda i: (0, 0)),
            pl.BlockSpec(b2.shape, lambda i: (0, 0)),
            pl.BlockSpec(ones32.shape, lambda i: (0, 0)),
        ],
        out_specs=pl.BlockSpec((block_rows, d), lambda i: (i, 0)),
        out_shape=jax.ShapeDtypeStruct((n, d), jnp.float32),
    )(agg_part, deg_part, features, W, b2, ones32)


def kernel(features, edge_index, W, b):
    n, d = features.shape
    e = edge_index.shape[1]

    align = NUM_SUBCORES * CHUNK
    n_pad = ((n + 1 + align - 1) // align) * align
    per_worker = NUM_WORKERS * CHUNK
    n_chunks = (e + per_worker - 1) // per_worker
    n_chunks = ((n_chunks + STAGE - 1) // STAGE) * STAGE
    e_pad = NUM_WORKERS * CHUNK * n_chunks

    src = jnp.full((e_pad,), n, jnp.int32).at[:e].set(edge_index[0])
    dst = jnp.full((e_pad,), n, jnp.int32).at[:e].set(edge_index[1])
    src3 = src.reshape(NUM_WORKERS, n_chunks, CHUNK)
    dst3 = dst.reshape(NUM_WORKERS, n_chunks, CHUNK)
    feat_pad = jnp.zeros((n_pad, d), jnp.float32).at[:n].set(features)
    zrows = jnp.zeros((CHUNK, d), jnp.float32)
    zdeg = jnp.zeros((n_pad,), jnp.float32)
    ones32 = jnp.ones((NUM_WORKERS, 1), jnp.float32)

    agg_part, deg_part = _sc_accumulate(
        feat_pad, src3, dst3, zrows, zdeg, n_pad=n_pad, n_chunks=n_chunks,
        d=d)

    out_pad = _tc_finalize(agg_part, deg_part, feat_pad, W, b.reshape(1, d),
                           ones32, block_rows=1024)
    return out_pad[:n]

# --- scband reference (transcript-rebuilt; emitter-appended) ---
"""Pipeline reference for scband-graph-conv-84499186582211 (READ-ONLY COPY).

The authoritative reference and input builder live on the scoring server;
editing this copy changes nothing except your own understanding.
"""

import jax, jax.numpy as jnp
import numpy as np

N = 10000
E = 320000
D_IN = 128
D_OUT = 128


def setup_inputs(seed: int = 0) -> dict:
    key = jax.random.key(seed)
    k1, k2, k3, k4 = jax.random.split(key, 4)
    features = jax.random.normal(k1, (N, D_IN), dtype=jnp.float32)
    edge_index = jax.random.randint(k2, (2, E), 0, N, dtype=jnp.int32)
    # nn.Linear(in_feats, out_feats): weight [out, in], bias [out]
    W = jax.random.normal(k3, (D_OUT, D_IN), dtype=jnp.float32) * 0.05
    b = jax.random.normal(k4, (D_OUT,), dtype=jnp.float32) * 0.05
    return {"features": features, "edge_index": edge_index, "W": W, "b": b}


def reference(features, edge_index, W, b):
    # DGL convention: edge (u, v) = (src, dst); copy_u sends src feature 'h',
    # fn.sum aggregates messages at dst.
    src = edge_index[0]
    dst = edge_index[1]
    # gather src features, scatter-add into dst nodes
    messages = jnp.take(features, src, axis=0)
    agg = jax.ops.segment_sum(messages, dst, num_segments=N)
    # h = aggregated + self features (residual)
    h = agg + features
    # in_degrees = number of incoming edges per node (count over dst)
    in_deg = jnp.bincount(dst, length=N).astype(jnp.float32)
    norm = jnp.power(jnp.clip(in_deg, 1.0, None), -0.5)[:, None]
    h = h * norm
    # linear layer
    return h @ W.T + b

if __name__ == "__main__":
    import jax
    _d = setup_inputs()
    print(jax.jit(kernel)(*tuple(_d.values())))

</pallas_src>

<mosaic_0001>
#map = affine_map<(d0, d1) -> (0, 0)>
#map1 = affine_map<(d0, d1) -> (0, 0, 0)>
#map2 = affine_map<(d0, d1) -> (0)>
module attributes {stable_mosaic.version = 14 : i64} {
  func.func @sc_kernel(%arg0: i32, %arg1: i32, %arg2: memref<10240x128xf32, #tpu.memory_space<hbm>>, %arg3: memref<32x80x128xi32, #tpu.memory_space<hbm>>, %arg4: memref<32x80x128xi32, #tpu.memory_space<hbm>>, %arg5: memref<128x128xf32, #tpu.memory_space<hbm>>, %arg6: memref<10240xf32, #tpu.memory_space<hbm>>, %arg7: memref<2x10240x128xf32, #tpu.memory_space<hbm>>, %arg8: memref<32x10240xf32, #tpu.memory_space<hbm>>, %arg9: memref<8x128xi32, #tpu.memory_space<vmem>>, %arg10: memref<8x128xi32, #tpu.memory_space<vmem>>, %arg11: memref<2x128x128xf32, #tpu.memory_space<vmem>>, %arg12: memref<10240xf32, #tpu.memory_space<vmem>>, %arg13: memref<10240x128xf32, #tpu.memory_space<vmem_shared>>, %arg14: memref<!tpu.dma_semaphore, #tpu.memory_space<semaphore_mem>>, %arg15: memref<!tpu.dma_semaphore, #tpu.memory_space<semaphore_mem>>, %arg16: memref<!tpu.dma_semaphore, #tpu.memory_space<semaphore_mem>>) attributes {dimension_semantics = [#tpu.dimension_semantics<core_parallel>, #tpu.dimension_semantics<subcore_parallel>], iteration_bounds = array<i64: 2, 16>, scalar_prefetch = 0 : i64, scratch_operands = 8 : i64, tpu.core_type = #tpu.core_type<sc_vector_subcore>, window_params = [{transform_indices = #map}, {transform_indices = #map1}, {transform_indices = #map1}, {transform_indices = #map}, {transform_indices = #map2}, {transform_indices = #map1}, {transform_indices = #map}]} {
    %mul3A = arith.constant 16 : i32
    %mul3A_0 = arith.muli %arg0, %mul3A : i32
    %add3A = arith.addi %mul3A_0, %arg1 : i32
    %mul3A_1 = arith.constant 640 : i32
    %mul3A_2 = arith.muli %arg1, %mul3A_1 : i32
    "tpu.region"() ({
      %run_scoped3A_460 = tpu.sem_alloc : memref<!tpu.dma_semaphore, #tpu.memory_space<semaphore_mem>>
      tpu.enqueue_dma source(%arg6 : memref<10240xf32, #tpu.memory_space<hbm>>) target(%arg12 : memref<10240xf32, #tpu.memory_space<vmem>>) target_semaphore(%run_scoped3A_460 : memref<!tpu.dma_semaphore, #tpu.memory_space<semaphore_mem>>)
      tpu.wait_dma2 semaphore(%run_scoped3A_460 : memref<!tpu.dma_semaphore, #tpu.memory_space<semaphore_mem>>) src(%arg6 : memref<10240xf32, #tpu.memory_space<hbm>>) dst(%arg12 : memref<10240xf32, #tpu.memory_space<vmem>>)
      tpu.yield
    }) : () -> ()
    %run_scoped3A = arith.constant 0 : i32
    "tpu.region"() ({
      %run_scoped3A_460 = tpu.sem_alloc : memref<!tpu.dma_semaphore, #tpu.memory_space<semaphore_mem>>
      %dma_start3A_461 = arith.constant 0 : i32
      %dma_start3A_462 = arith.constant 0 : i32
      %dma_start3A_463 = tpu.memref_slice %arg11[%run_scoped3A, %dma_start3A_461, %dma_start3A_462] : memref<2x128x128xf32, #tpu.memory_space<vmem>> -> memref<1x128x128xf32, #tpu.memory_space<vmem>>
      %dma_start3A_464 = tpu.memref_squeeze %dma_start3A_463 : memref<1x128x128xf32, #tpu.memory_space<vmem>> -> memref<128x128xf32, #tpu.memory_space<vmem>>
      %dma_start3A_465 = arith.constant 0 : i32
      %dma_start3A_466 = arith.constant 0 : i32
      %dma_start3A_467 = tpu.memref_slice %arg11[%run_scoped3A, %dma_start3A_465, %dma_start3A_466] : memref<2x128x128xf32, #tpu.memory_space<vmem>> -> memref<1x128x128xf32, #tpu.memory_space<vmem>>
      %dma_start3A_468 = tpu.memref_squeeze %dma_start3A_467 : memref<1x128x128xf32, #tpu.memory_space<vmem>> -> memref<128x128xf32, #tpu.memory_space<vmem>>
      tpu.enqueue_dma source(%arg5 : memref<128x128xf32, #tpu.memory_space<hbm>>) target(%dma_start3A_468 : memref<128x128xf32, #tpu.memory_space<vmem>>) target_semaphore(%run_scoped3A_460 : memref<!tpu.dma_semaphore, #tpu.memory_space<semaphore_mem>>)
      %dma_wait3A_469 = arith.constant 0 : i32
      %dma_wait3A_470 = arith.constant 0 : i32
      %dma_wait3A_471 = tpu.memref_slice %arg11[%run_scoped3A, %dma_wait3A_469, %dma_wait3A_470] : memref<2x128x128xf32, #tpu.memory_space<vmem>> -> memref<1x128x128xf32, #tpu.memory_space<vmem>>
      %dma_wait3A_472 = tpu.memref_squeeze %dma_wait3A_471 : memref<1x128x128xf32, #tpu.memory_space<vmem>> -> memref<128x128xf32, #tpu.memory_space<vmem>>
      %dma_wait3A_473 = arith.constant 0 : i32
      %dma_wait3A_474 = arith.constant 0 : i32
      %dma_wait3A_475 = tpu.memref_slice %arg11[%run_scoped3A, %dma_wait3A_473, %dma_wait3A_474] : memref<2x128x128xf32, #tpu.memory_space<vmem>> -> memref<1x128x128xf32, #tpu.memory_space<vmem>>
      %dma_wait3A_476 = tpu.memref_squeeze %dma_wait3A_475 : memref<1x128x128xf32, #tpu.memory_space<vmem>> -> memref<128x128xf32, #tpu.memory_space<vmem>>
      tpu.wait_dma2 semaphore(%run_scoped3A_460 : memref<!tpu.dma_semaphore, #tpu.memory_space<semaphore_mem>>) src(%arg5 : memref<128x128xf32, #tpu.memory_space<hbm>>) dst(%dma_wait3A_476 : memref<128x128xf32, #tpu.memory_space<vmem>>)
      tpu.yield
    }) : () -> ()
    %add3A_3 = arith.constant 0 : i32
    %add3A_4 = arith.addi %mul3A_2, %add3A_3 : i32
    %dma_start3A = arith.constant 0 : i32
    %dma_start3A_5 = arith.constant 0 : i32
    %dma_start3A_6 = arith.constant 0 : i32
    %dma_start3A_7 = tpu.memref_slice %arg11[%dma_start3A, %dma_start3A_5, %dma_start3A_6] : memref<2x128x128xf32, #tpu.memory_space<vmem>> -> memref<1x128x128xf32, #tpu.memory_space<vmem>>
    %dma_start3A_8 = tpu.memref_squeeze %dma_start3A_7 : memref<1x128x128xf32, #tpu.memory_space<vmem>> -> memref<128x128xf32, #tpu.memory_space<vmem>>
    %dma_start3A_9 = arith.constant 0 : i32
    %dma_start3A_10 = tpu.memref_slice %arg13[%add3A_4, %dma_start3A_9] : memref<10240x128xf32, #tpu.memory_space<vmem_shared>> -> memref<128x128xf32, #tpu.memory_space<vmem_shared>>
    %dma_start3A_11 = arith.constant 0 : i32
    %dma_start3A_12 = tpu.memref_slice %arg13[%add3A_4, %dma_start3A_11] : memref<10240x128xf32, #tpu.memory_space<vmem_shared>> -> memref<128x128xf32, #tpu.memory_space<vmem_shared>>
    %dma_start3A_13 = arith.constant 0 : i32
    %dma_start3A_14 = arith.constant 0 : i32
    %dma_start3A_15 = tpu.memref_slice %arg11[%dma_start3A, %dma_start3A_13, %dma_start3A_14] : memref<2x128x128xf32, #tpu.memory_space<vmem>> -> memref<1x128x128xf32, #tpu.memory_space<vmem>>
    %dma_start3A_16 = tpu.memref_squeeze %dma_start3A_15 : memref<1x128x128xf32, #tpu.memory_space<vmem>> -> memref<128x128xf32, #tpu.memory_space<vmem>>
    tpu.enqueue_dma source(%dma_start3A_16 : memref<128x128xf32, #tpu.memory_space<vmem>>) target(%dma_start3A_12 : memref<128x128xf32, #tpu.memory_space<vmem_shared>>) target_semaphore(%arg16 : memref<!tpu.dma_semaphore, #tpu.memory_space<semaphore_mem>>)
    %add3A_17 = arith.constant 128 : i32
    %add3A_18 = arith.addi %mul3A_2, %add3A_17 : i32
    %dma_start3A_19 = arith.constant 0 : i32
    %dma_start3A_20 = arith.constant 0 : i32
    %dma_start3A_21 = arith.constant 0 : i32
    %dma_start3A_22 = tpu.memref_slice %arg11[%dma_start3A_19, %dma_start3A_20, %dma_start3A_21] : memref<2x128x128xf32, #tpu.memory_space<vmem>> -> memref<1x128x128xf32, #tpu.memory_space<vmem>>
    %dma_start3A_23 = tpu.memref_squeeze %dma_start3A_22 : memref<1x128x128xf32, #tpu.memory_space<vmem>> -> memref<128x128xf32, #tpu.memory_space<vmem>>
    %dma_start3A_24 = arith.constant 0 : i32
    %dma_start3A_25 = tpu.memref_slice %arg13[%add3A_18, %dma_start3A_24] : memref<10240x128xf32, #tpu.memory_space<vmem_shared>> -> memref<128x128xf32, #tpu.memory_space<vmem_shared>>
    %dma_start3A_26 = arith.constant 0 : i32
    %dma_start3A_27 = tpu.memref_slice %arg13[%add3A_18, %dma_start3A_26] : memref<10240x128xf32, #tpu.memory_space<vmem_shared>> -> memref<128x128xf32, #tpu.memory_space<vmem_shared>>
    %dma_start3A_28 = arith.constant 0 : i32
    %dma_start3A_29 = arith.constant 0 : i32
    %dma_start3A_30 = tpu.memref_slice %arg11[%dma_start3A_19, %dma_start3A_28, %dma_start3A_29] : memref<2x128x128xf32, #tpu.memory_space<vmem>> -> memref<1x128x128xf32, #tpu.memory_space<vmem>>
    %dma_start3A_31 = tpu.memref_squeeze %dma_start3A_30 : memref<1x128x128xf32, #tpu.memory_space<vmem>> -> memref<128x128xf32, #tpu.memory_space<vmem>>
    tpu.enqueue_dma source(%dma_start3A_31 : memref<128x128xf32, #tpu.memory_space<vmem>>) target(%dma_start3A_27 : memref<128x128xf32, #tpu.memory_space<vmem_shared>>) target_semaphore(%arg16 : memref<!tpu.dma_semaphore, #tpu.memory_space<semaphore_mem>>)
    %add3A_32 = arith.constant 256 : i32
    %add3A_33 = arith.addi %mul3A_2, %add3A_32 : i32
    %dma_start3A_34 = arith.constant 0 : i32
    %dma_start3A_35 = arith.constant 0 : i32
    %dma_start3A_36 = arith.constant 0 : i32
    %dma_start3A_37 = tpu.memref_slice %arg11[%dma_start3A_34, %dma_start3A_35, %dma_start3A_36] : memref<2x128x128xf32, #tpu.memory_space<vmem>> -> memref<1x128x128xf32, #tpu.memory_space<vmem>>
    %dma_start3A_38 = tpu.memref_squeeze %dma_start3A_37 : memref<1x128x128xf32, #tpu.memory_space<vmem>> -> memref<128x128xf32, #tpu.memory_space<vmem>>
    %dma_start3A_39 = arith.constant 0 : i32
    %dma_start3A_40 = tpu.memref_slice %arg13[%add3A_33, %dma_start3A_39] : memref<10240x128xf32, #tpu.memory_space<vmem_shared>> -> memref<128x128xf32, #tpu.memory_space<vmem_shared>>
    %dma_start3A_41 = arith.constant 0 : i32
    %dma_start3A_42 = tpu.memref_slice %arg13[%add3A_33, %dma_start3A_41] : memref<10240x128xf32, #tpu.memory_space<vmem_shared>> -> memref<128x128xf32, #tpu.memory_space<vmem_shared>>
    %dma_start3A_43 = arith.constant 0 : i32
    %dma_start3A_44 = arith.constant 0 : i32
    %dma_start3A_45 = tpu.memref_slice %arg11[%dma_start3A_34, %dma_start3A_43, %dma_start3A_44] : memref<2x128x128xf32, #tpu.memory_space<vmem>> -> memref<1x128x128xf32, #tpu.memory_space<vmem>>
    %dma_start3A_46 = tpu.memref_squeeze %dma_start3A_45 : memref<1x128x128xf32, #tpu.memory_space<vmem>> -> memref<128x128xf32, #tpu.memory_space<vmem>>
    tpu.enqueue_dma source(%dma_start3A_46 : memref<128x128xf32, #tpu.memory_space<vmem>>) target(%dma_start3A_42 : memref<128x128xf32, #tpu.memory_space<vmem_shared>>) target_semaphore(%arg16 : memref<!tpu.dma_semaphore, #tpu.memory_space<semaphore_mem>>)
    %add3A_47 = arith.constant 384 : i32
    %add3A_48 = arith.addi %mul3A_2, %add3A_47 : i32
    %dma_start3A_49 = arith.constant 0 : i32
    %dma_start3A_50 = arith.constant 0 : i32
    %dma_start3A_51 = arith.constant 0 : i32
    %dma_start3A_52 = tpu.memref_slice %arg11[%dma_start3A_49, %dma_start3A_50, %dma_start3A_51] : memref<2x128x128xf32, #tpu.memory_space<vmem>> -> memref<1x128x128xf32, #tpu.memory_space<vmem>>
    %dma_start3A_53 = tpu.memref_squeeze %dma_start3A_52 : memref<1x128x128xf32, #tpu.memory_space<vmem>> -> memref<128x128xf32, #tpu.memory_space<vmem>>
    %dma_start3A_54 = arith.constant 0 : i32
    %dma_start3A_55 = tpu.memref_slice %arg13[%add3A_48, %dma_start3A_54] : memref<10240x128xf32, #tpu.memory_space<vmem_shared>> -> memref<128x128xf32, #tpu.memory_space<vmem_shared>>
    %dma_start3A_56 = arith.constant 0 : i32
    %dma_start3A_57 = tpu.memref_slice %arg13[%add3A_48, %dma_start3A_56] : memref<10240x128xf32, #tpu.memory_space<vmem_shared>> -> memref<128x128xf32, #tpu.memory_space<vmem_shared>>
    %dma_start3A_58 = arith.constant 0 : i32
    %dma_start3A_59 = arith.constant 0 : i32
    %dma_start3A_60 = tpu.memref_slice %arg11[%dma_start3A_49, %dma_start3A_58, %dma_start3A_59] : memref<2x128x128xf32, #tpu.memory_space<vmem>> -> memref<1x128x128xf32, #tpu.memory_space<vmem>>
    %dma_start3A_61 = tpu.memref_squeeze %dma_start3A_60 : memref<1x128x128xf32, #tpu.memory_space<vmem>> -> memref<128x128xf32, #tpu.memory_space<vmem>>
    tpu.enqueue_dma source(%dma_start3A_61 : memref<128x128xf32, #tpu.memory_space<vmem>>) target(%dma_start3A_57 : memref<128x128xf32, #tpu.memory_space<vmem_shared>>) target_semaphore(%arg16 : memref<!tpu.dma_semaphore, #tpu.memory_space<semaphore_mem>>)
    %add3A_62 = arith.constant 512 : i32
    %add3A_63 = arith.addi %mul3A_2, %add3A_62 : i32
    %dma_start3A_64 = arith.constant 0 : i32
    %dma_start3A_65 = arith.constant 0 : i32
    %dma_start3A_66 = arith.constant 0 : i32
    %dma_start3A_67 = tpu.memref_slice %arg11[%dma_start3A_64, %dma_start3A_65, %dma_start3A_66] : memref<2x128x128xf32, #tpu.memory_space<vmem>> -> memref<1x128x128xf32, #tpu.memory_space<vmem>>
    %dma_start3A_68 = tpu.memref_squeeze %dma_start3A_67 : memref<1x128x128xf32, #tpu.memory_space<vmem>> -> memref<128x128xf32, #tpu.memory_space<vmem>>
    %dma_start3A_69 = arith.constant 0 : i32
    %dma_start3A_70 = tpu.memref_slice %arg13[%add3A_63, %dma_start3A_69] : memref<10240x128xf32, #tpu.memory_space<vmem_shared>> -> memref<128x128xf32, #tpu.memory_space<vmem_shared>>
    %dma_start3A_71 = arith.constant 0 : i32
    %dma_start3A_72 = tpu.memref_slice %arg13[%add3A_63, %dma_start3A_71] : memref<10240x128xf32, #tpu.memory_space<vmem_shared>> -> memref<128x128xf32, #tpu.memory_space<vmem_shared>>
    %dma_start3A_73 = arith.constant 0 : i32
    %dma_start3A_74 = arith.constant 0 : i32
    %dma_start3A_75 = tpu.memref_slice %arg11[%dma_start3A_64, %dma_start3A_73, %dma_start3A_74] : memref<2x128x128xf32, #tpu.memory_space<vmem>> -> memref<1x128x128xf32, #tpu.memory_space<vmem>>
    %dma_start3A_76 = tpu.memref_squeeze %dma_start3A_75 : memref<1x128x128xf32, #tpu.memory_space<vmem>> -> memref<128x128xf32, #tpu.memory_space<vmem>>
    tpu.enqueue_dma source(%dma_start3A_76 : memref<128x128xf32, #tpu.memory_space<vmem>>) target(%dma_start3A_72 : memref<128x128xf32, #tpu.memory_space<vmem_shared>>) target_semaphore(%arg16 : memref<!tpu.dma_semaphore, #tpu.memory_space<semaphore_mem>>)
    %dma_wait3A = arith.constant 0 : i32
    %dma_wait3A_77 = arith.constant 0 : i32
    %dma_wait3A_78 = arith.constant 0 : i32
    %dma_wait3A_79 = tpu.memref_slice %arg11[%dma_wait3A, %dma_wait3A_77, %dma_wait3A_78] : memref<2x128x128xf32, #tpu.memory_space<vmem>> -> memref<1x128x128xf32, #tpu.memory_space<vmem>>
    %dma_wait3A_80 = tpu.memref_squeeze %dma_wait3A_79 : memref<1x128x128xf32, #tpu.memory_space<vmem>> -> memref<128x128xf32, #tpu.memory_space<vmem>>
    %dma_wait3A_81 = arith.constant 0 : i32
    %dma_wait3A_82 = tpu.memref_slice %arg13[%add3A_4, %dma_wait3A_81] : memref<10240x128xf32, #tpu.memory_space<vmem_shared>> -> memref<128x128xf32, #tpu.memory_space<vmem_shared>>
    %dma_wait3A_83 = arith.constant 0 : i32
    %dma_wait3A_84 = tpu.memref_slice %arg13[%add3A_4, %dma_wait3A_83] : memref<10240x128xf32, #tpu.memory_space<vmem_shared>> -> memref<128x128xf32, #tpu.memory_space<vmem_shared>>
    %dma_wait3A_85 = arith.constant 0 : i32
    %dma_wait3A_86 = arith.constant 0 : i32
    %dma_wait3A_87 = tpu.memref_slice %arg11[%dma_wait3A, %dma_wait3A_85, %dma_wait3A_86] : memref<2x128x128xf32, #tpu.memory_space<vmem>> -> memref<1x128x128xf32, #tpu.memory_space<vmem>>
    %dma_wait3A_88 = tpu.memref_squeeze %dma_wait3A_87 : memref<1x128x128xf32, #tpu.memory_space<vmem>> -> memref<128x128xf32, #tpu.memory_space<vmem>>
    tpu.wait_dma2 semaphore(%arg16 : memref<!tpu.dma_semaphore, #tpu.memory_space<semaphore_mem>>) src(%dma_wait3A_88 : memref<128x128xf32, #tpu.memory_space<vmem>>) dst(%dma_wait3A_84 : memref<128x128xf32, #tpu.memory_space<vmem_shared>>)
    %dma_wait3A_89 = arith.constant 0 : i32
    %dma_wait3A_90 = arith.constant 0 : i32
    %dma_wait3A_91 = arith.constant 0 : i32
    %dma_wait3A_92 = tpu.memref_slice %arg11[%dma_wait3A_89, %dma_wait3A_90, %dma_wait3A_91] : memref<2x128x128xf32, #tpu.memory_space<vmem>> -> memref<1x128x128xf32, #tpu.memory_space<vmem>>
    %dma_wait3A_93 = tpu.memref_squeeze %dma_wait3A_92 : memref<1x128x128xf32, #tpu.memory_space<vmem>> -> memref<128x128xf32, #tpu.memory_space<vmem>>
    %dma_wait3A_94 = arith.constant 0 : i32
    %dma_wait3A_95 = tpu.memref_slice %arg13[%add3A_18, %dma_wait3A_94] : memref<10240x128xf32, #tpu.memory_space<vmem_shared>> -> memref<128x128xf32, #tpu.memory_space<vmem_shared>>
    %dma_wait3A_96 = arith.constant 0 : i32
    %dma_wait3A_97 = tpu.memref_slice %arg13[%add3A_18, %dma_wait3A_96] : memref<10240x128xf32, #tpu.memory_space<vmem_shared>> -> memref<128x128xf32, #tpu.memory_space<vmem_shared>>
    %dma_wait3A_98 = arith.constant 0 : i32
    %dma_wait3A_99 = arith.constant 0 : i32
    %dma_wait3A_100 = tpu.memref_slice %arg11[%dma_wait3A_89, %dma_wait3A_98, %dma_wait3A_99] : memref<2x128x128xf32, #tpu.memory_space<vmem>> -> memref<1x128x128xf32, #tpu.memory_space<vmem>>
    %dma_wait3A_101 = tpu.memref_squeeze %dma_wait3A_100 : memref<1x128x128xf32, #tpu.memory_space<vmem>> -> memref<128x128xf32, #tpu.memory_space<vmem>>
    tpu.wait_dma2 semaphore(%arg16 : memref<!tpu.dma_semaphore, #tpu.memory_space<semaphore_mem>>) src(%dma_wait3A_101 : memref<128x128xf32, #tpu.memory_space<vmem>>) dst(%dma_wait3A_97 : memref<128x128xf32, #tpu.memory_space<vmem_shared>>)
    %dma_wait3A_102 = arith.constant 0 : i32
    %dma_wait3A_103 = arith.constant 0 : i32
    %dma_wait3A_104 = arith.constant 0 : i32
    %dma_wait3A_105 = tpu.memref_slice %arg11[%dma_wait3A_102, %dma_wait3A_103, %dma_wait3A_104] : memref<2x128x128xf32, #tpu.memory_space<vmem>> -> memref<1x128x128xf32, #tpu.memory_space<vmem>>
    %dma_wait3A_106 = tpu.memref_squeeze %dma_wait3A_105 : memref<1x128x128xf32, #tpu.memory_space<vmem>> -> memref<128x128xf32, #tpu.memory_space<vmem>>
    %dma_wait3A_107 = arith.constant 0 : i32
    %dma_wait3A_108 = tpu.memref_slice %arg13[%add3A_33, %dma_wait3A_107] : memref<10240x128xf32, #tpu.memory_space<vmem_shared>> -> memref<128x128xf32, #tpu.memory_space<vmem_shared>>
    %dma_wait3A_109 = arith.constant 0 : i32
    %dma_wait3A_110 = tpu.memref_slice %arg13[%add3A_33, %dma_wait3A_109] : memref<10240x128xf32, #tpu.memory_space<vmem_shared>> -> memref<128x128xf32, #tpu.memory_space<vmem_shared>>
    %dma_wait3A_111 = arith.constant 0 : i32
    %dma_wait3A_112 = arith.constant 0 : i32
    %dma_wait3A_113 = tpu.memref_slice %arg11[%dma_wait3A_102, %dma_wait3A_111, %dma_wait3A_112] : memref<2x128x128xf32, #tpu.memory_space<vmem>> -> memref<1x128x128xf32, #tpu.memory_space<vmem>>
    %dma_wait3A_114 = tpu.memref_squeeze %dma_wait3A_113 : memref<1x128x128xf32, #tpu.memory_space<vmem>> -> memref<128x128xf32, #tpu.memory_space<vmem>>
    tpu.wait_dma2 semaphore(%arg16 : memref<!tpu.dma_semaphore, #tpu.memory_space<semaphore_mem>>) src(%dma_wait3A_114 : memref<128x128xf32, #tpu.memory_space<vmem>>) dst(%dma_wait3A_110 : memref<128x128xf32, #tpu.memory_space<vmem_shared>>)
    %dma_wait3A_115 = arith.constant 0 : i32
    %dma_wait3A_116 = arith.constant 0 : i32
    %dma_wait3A_117 = arith.constant 0 : i32
    %dma_wait3A_118 = tpu.memref_slice %arg11[%dma_wait3A_115, %dma_wait3A_116, %dma_wait3A_117] : memref<2x128x128xf32, #tpu.memory_space<vmem>> -> memref<1x128x128xf32, #tpu.memory_space<vmem>>
    %dma_wait3A_119 = tpu.memref_squeeze %dma_wait3A_118 : memref<1x128x128xf32, #tpu.memory_space<vmem>> -> memref<128x128xf32, #tpu.memory_space<vmem>>
    %dma_wait3A_120 = arith.constant 0 : i32
    %dma_wait3A_121 = tpu.memref_slice %arg13[%add3A_48, %dma_wait3A_120] : memref<10240x128xf32, #tpu.memory_space<vmem_shared>> -> memref<128x128xf32, #tpu.memory_space<vmem_shared>>
    %dma_wait3A_122 = arith.constant 0 : i32
    %dma_wait3A_123 = tpu.memref_slice %arg13[%add3A_48, %dma_wait3A_122] : memref<10240x128xf32, #tpu.memory_space<vmem_shared>> -> memref<128x128xf32, #tpu.memory_space<vmem_shared>>
    %dma_wait3A_124 = arith.constant 0 : i32
    %dma_wait3A_125 = arith.constant 0 : i32
    %dma_wait3A_126 = tpu.memref_slice %arg11[%dma_wait3A_115, %dma_wait3A_124, %dma_wait3A_125] : memref<2x128x128xf32, #tpu.memory_space<vmem>> -> memref<1x128x128xf32, #tpu.memory_space<vmem>>
    %dma_wait3A_127 = tpu.memref_squeeze %dma_wait3A_126 : memref<1x128x128xf32, #tpu.memory_space<vmem>> -> memref<128x128xf32, #tpu.memory_space<vmem>>
    tpu.wait_dma2 semaphore(%arg16 : memref<!tpu.dma_semaphore, #tpu.memory_space<semaphore_mem>>) src(%dma_wait3A_127 : memref<128x128xf32, #tpu.memory_space<vmem>>) dst(%dma_wait3A_123 : memref<128x128xf32, #tpu.memory_space<vmem_shared>>)
    %dma_wait3A_128 = arith.constant 0 : i32
    %dma_wait3A_129 = arith.constant 0 : i32
    %dma_wait3A_130 = arith.constant 0 : i32
    %dma_wait3A_131 = tpu.memref_slice %arg11[%dma_wait3A_128, %dma_wait3A_129, %dma_wait3A_130] : memref<2x128x128xf32, #tpu.memory_space<vmem>> -> memref<1x128x128xf32, #tpu.memory_space<vmem>>
    %dma_wait3A_132 = tpu.memref_squeeze %dma_wait3A_131 : memref<1x128x128xf32, #tpu.memory_space<vmem>> -> memref<128x128xf32, #tpu.memory_space<vmem>>
    %dma_wait3A_133 = arith.constant 0 : i32
    %dma_wait3A_134 = tpu.memref_slice %arg13[%add3A_63, %dma_wait3A_133] : memref<10240x128xf32, #tpu.memory_space<vmem_shared>> -> memref<128x128xf32, #tpu.memory_space<vmem_shared>>
    %dma_wait3A_135 = arith.constant 0 : i32
    %dma_wait3A_136 = tpu.memref_slice %arg13[%add3A_63, %dma_wait3A_135] : memref<10240x128xf32, #tpu.memory_space<vmem_shared>> -> memref<128x128xf32, #tpu.memory_space<vmem_shared>>
    %dma_wait3A_137 = arith.constant 0 : i32
    %dma_wait3A_138 = arith.constant 0 : i32
    %dma_wait3A_139 = tpu.memref_slice %arg11[%dma_wait3A_128, %dma_wait3A_137, %dma_wait3A_138] : memref<2x128x128xf32, #tpu.memory_space<vmem>> -> memref<1x128x128xf32, #tpu.memory_space<vmem>>
    %dma_wait3A_140 = tpu.memref_squeeze %dma_wait3A_139 : memref<1x128x128xf32, #tpu.memory_space<vmem>> -> memref<128x128xf32, #tpu.memory_space<vmem>>
    tpu.wait_dma2 semaphore(%arg16 : memref<!tpu.dma_semaphore, #tpu.memory_space<semaphore_mem>>) src(%dma_wait3A_140 : memref<128x128xf32, #tpu.memory_space<vmem>>) dst(%dma_wait3A_136 : memref<128x128xf32, #tpu.memory_space<vmem_shared>>)
    %barrier3A = arith.constant 0 : index
    tpu.barrier barrier_id(%barrier3A)
    %broadcast_in_dim3A = arith.constant 1.000000e+00 : f32
    %broadcast_in_dim3A_141 = vector.broadcast %broadcast_in_dim3A : f32 to vector<16xf32>
    %scan3A = arith.constant 0 : i32
    %scan3A_142 = arith.constant 0 : i32
    %scan3A_143 = arith.constant 10 : i32
    %scan3A_144 = arith.addi %scan3A_142, %scan3A_143 : i32
    %scan3A_145 = arith.constant 1 : i32
    scf.for %scan3A_460 = %scan3A_142 to %scan3A_144 step %scan3A_145  : i32 {
      %mul3A_461 = arith.constant 8 : i32
      %mul3A_462 = arith.muli %scan3A_460, %mul3A_461 : i32
      %multiple_of3A = tpu.assume_multiple %mul3A_462, 8 : i32
      "tpu.region"() ({
        %run_scoped3A_1294 = tpu.sem_alloc : memref<!tpu.dma_semaphore, #tpu.memory_space<semaphore_mem>>
        %dma_start3A_1295 = arith.constant 0 : i32
        %dma_start3A_1296 = tpu.memref_slice %arg3[%add3A, %multiple_of3A, %dma_start3A_1295] : memref<32x80x128xi32, #tpu.memory_space<hbm>> -> memref<1x8x128xi32, #tpu.memory_space<hbm>>
        %dma_start3A_1297 = tpu.memref_squeeze %dma_start3A_1296 : memref<1x8x128xi32, #tpu.memory_space<hbm>> -> memref<8x128xi32, #tpu.memory_space<hbm>>
        %dma_start3A_1298 = arith.constant 0 : i32
        %dma_start3A_1299 = tpu.memref_slice %arg3[%add3A, %multiple_of3A, %dma_start3A_1298] : memref<32x80x128xi32, #tpu.memory_space<hbm>> -> memref<1x8x128xi32, #tpu.memory_space<hbm>>
        %dma_start3A_1300 = tpu.memref_squeeze %dma_start3A_1299 : memref<1x8x128xi32, #tpu.memory_space<hbm>> -> memref<8x128xi32, #tpu.memory_space<hbm>>
        tpu.enqueue_dma source(%dma_start3A_1300 : memref<8x128xi32, #tpu.memory_space<hbm>>) target(%arg9 : memref<8x128xi32, #tpu.memory_space<vmem>>) target_semaphore(%run_scoped3A_1294 : memref<!tpu.dma_semaphore, #tpu.memory_space<semaphore_mem>>)
        %dma_wait3A_1301 = arith.constant 0 : i32
        %dma_wait3A_1302 = tpu.memref_slice %arg3[%add3A, %multiple_of3A, %dma_wait3A_1301] : memref<32x80x128xi32, #tpu.memory_space<hbm>> -> memref<1x8x128xi32, #tpu.memory_space<hbm>>
        %dma_wait3A_1303 = tpu.memref_squeeze %dma_wait3A_1302 : memref<1x8x128xi32, #tpu.memory_space<hbm>> -> memref<8x128xi32, #tpu.memory_space<hbm>>
        %dma_wait3A_1304 = arith.constant 0 : i32
        %dma_wait3A_1305 = tpu.memref_slice %arg3[%add3A, %multiple_of3A, %dma_wait3A_1304] : memref<32x80x128xi32, #tpu.memory_space<hbm>> -> memref<1x8x128xi32, #tpu.memory_space<hbm>>
        %dma_wait3A_1306 = tpu.memref_squeeze %dma_wait3A_1305 : memref<1x8x128xi32, #tpu.memory_space<hbm>> -> memref<8x128xi32, #tpu.memory_space<hbm>>
        tpu.wait_dma2 semaphore(%run_scoped3A_1294 : memref<!tpu.dma_semaphore, #tpu.memory_space<semaphore_mem>>) src(%dma_wait3A_1306 : memref<8x128xi32, #tpu.memory_space<hbm>>) dst(%arg9 : memref<8x128xi32, #tpu.memory_space<vmem>>)
        tpu.yield
      }) : () -> ()
      "tpu.region"() ({
        %run_scoped3A_1294 = tpu.sem_alloc : memref<!tpu.dma_semaphore, #tpu.memory_space<semaphore_mem>>
        %dma_start3A_1295 = arith.constant 0 : i32
        %dma_start3A_1296 = tpu.memref_slice %arg4[%add3A, %multiple_of3A, %dma_start3A_1295] : memref<32x80x128xi32, #tpu.memory_space<hbm>> -> memref<1x8x128xi32, #tpu.memory_space<hbm>>
        %dma_start3A_1297 = tpu.memref_squeeze %dma_start3A_1296 : memref<1x8x128xi32, #tpu.memory_space<hbm>> -> memref<8x128xi32, #tpu.memory_space<hbm>>
        %dma_start3A_1298 = arith.constant 0 : i32
        %dma_start3A_1299 = tpu.memref_slice %arg4[%add3A, %multiple_of3A, %dma_start3A_1298] : memref<32x80x128xi32, #tpu.memory_space<hbm>> -> memref<1x8x128xi32, #tpu.memory_space<hbm>>
        %dma_start3A_1300 = tpu.memref_squeeze %dma_start3A_1299 : memref<1x8x128xi32, #tpu.memory_space<hbm>> -> memref<8x128xi32, #tpu.memory_space<hbm>>
        tpu.enqueue_dma source(%dma_start3A_1300 : memref<8x128xi32, #tpu.memory_space<hbm>>) target(%arg10 : memref<8x128xi32, #tpu.memory_space<vmem>>) target_semaphore(%run_scoped3A_1294 : memref<!tpu.dma_semaphore, #tpu.memory_space<semaphore_mem>>)
        %dma_wait3A_1301 = arith.constant 0 : i32
        %dma_wait3A_1302 = tpu.memref_slice %arg4[%add3A, %multiple_of3A, %dma_wait3A_1301] : memref<32x80x128xi32, #tpu.memory_space<hbm>> -> memref<1x8x128xi32, #tpu.memory_space<hbm>>
        %dma_wait3A_1303 = tpu.memref_squeeze %dma_wait3A_1302 : memref<1x8x128xi32, #tpu.memory_space<hbm>> -> memref<8x128xi32, #tpu.memory_space<hbm>>
        %dma_wait3A_1304 = arith.constant 0 : i32
        %dma_wait3A_1305 = tpu.memref_slice %arg4[%add3A, %multiple_of3A, %dma_wait3A_1304] : memref<32x80x128xi32, #tpu.memory_space<hbm>> -> memref<1x8x128xi32, #tpu.memory_space<hbm>>
        %dma_wait3A_1306 = tpu.memref_squeeze %dma_wait3A_1305 : memref<1x8x128xi32, #tpu.memory_space<hbm>> -> memref<8x128xi32, #tpu.memory_space<hbm>>
        tpu.wait_dma2 semaphore(%run_scoped3A_1294 : memref<!tpu.dma_semaphore, #tpu.memory_space<semaphore_mem>>) src(%dma_wait3A_1306 : memref<8x128xi32, #tpu.memory_space<hbm>>) dst(%arg10 : memref<8x128xi32, #tpu.memory_space<vmem>>)
        tpu.yield
      }) : () -> ()
      %dma_start3A_463 = arith.constant 0 : i32
      %dma_start3A_464 = arith.constant 0 : i32
      %dma_start3A_465 = arith.constant 0 : i32
      %dma_start3A_466 = arith.constant 0 : i32
      %dma_start3A_467 = tpu.memref_slice %arg11[%dma_start3A_464, %dma_start3A_465, %dma_start3A_466] : memref<2x128x128xf32, #tpu.memory_space<vmem>> -> memref<1x64x128xf32, #tpu.memory_space<vmem>>
      %dma_start3A_468 = tpu.memref_squeeze %dma_start3A_467 : memref<1x64x128xf32, #tpu.memory_space<vmem>> -> memref<64x128xf32, #tpu.memory_space<vmem>>
      %dma_start3A_469 = arith.constant 0 : i32
      %dma_start3A_470 = tpu.memref_slice %arg9[%dma_start3A_463, %dma_start3A_469] : memref<8x128xi32, #tpu.memory_space<vmem>> -> memref<1x64xi32, #tpu.memory_space<vmem>>
      %dma_start3A_471 = tpu.memref_squeeze %dma_start3A_470 : memref<1x64xi32, #tpu.memory_space<vmem>> -> memref<64xi32, #tpu.memory_space<vmem>>
      %dma_start3A_472 = arith.constant 0 : i32
      %dma_start3A_473 = arith.constant 0 : i32
      %dma_start3A_474 = tpu.memref_slice %arg2[%dma_start3A_472, %dma_start3A_473] : memref<10240x128xf32, #tpu.memory_space<hbm>> -> memref<10240x128xf32, #tpu.memory_space<hbm>>
      tpu.enqueue_indirect_dma source(%dma_start3A_474 : memref<10240x128xf32, #tpu.memory_space<hbm>>) target(%dma_start3A_468 : memref<64x128xf32, #tpu.memory_space<vmem>>) offsets(%dma_start3A_471 : memref<64xi32, #tpu.memory_space<vmem>>) semaphore(%arg14 : memref<!tpu.dma_semaphore, #tpu.memory_space<semaphore_mem>>)
      %dma_start3A_475 = arith.constant 0 : i32
      %dma_start3A_476 = arith.constant 0 : i32
      %dma_start3A_477 = arith.constant 64 : i32
      %dma_start3A_478 = arith.constant 0 : i32
      %dma_start3A_479 = tpu.memref_slice %arg11[%dma_start3A_476, %dma_start3A_477, %dma_start3A_478] : memref<2x128x128xf32, #tpu.memory_space<vmem>> -> memref<1x64x128xf32, #tpu.memory_space<vmem>>
      %dma_start3A_480 = tpu.memref_squeeze %dma_start3A_479 : memref<1x64x128xf32, #tpu.memory_space<vmem>> -> memref<64x128xf32, #tpu.memory_space<vmem>>
      %dma_start3A_481 = arith.constant 64 : i32
      %dma_start3A_482 = tpu.memref_slice %arg9[%dma_start3A_475, %dma_start3A_481] : memref<8x128xi32, #tpu.memory_space<vmem>> -> memref<1x64xi32, #tpu.memory_space<vmem>>
      %dma_start3A_483 = tpu.memref_squeeze %dma_start3A_482 : memref<1x64xi32, #tpu.memory_space<vmem>> -> memref<64xi32, #tpu.memory_space<vmem>>
      %dma_start3A_484 = arith.constant 0 : i32
      %dma_start3A_485 = arith.constant 0 : i32
      %dma_start3A_486 = tpu.memref_slice %arg2[%dma_start3A_484, %dma_start3A_485] : memref<10240x128xf32, #tpu.memory_space<hbm>> -> memref<10240x128xf32, #tpu.memory_space<hbm>>
      tpu.enqueue_indirect_dma source(%dma_start3A_486 : memref<10240x128xf32, #tpu.memory_space<hbm>>) target(%dma_start3A_480 : memref<64x128xf32, #tpu.memory_space<vmem>>) offsets(%dma_start3A_483 : memref<64xi32, #tpu.memory_space<vmem>>) semaphore(%arg15 : memref<!tpu.dma_semaphore, #tpu.memory_space<semaphore_mem>>)
      %dma_start3A_487 = arith.constant 1 : i32
      %dma_start3A_488 = arith.constant 1 : i32
      %dma_start3A_489 = arith.constant 0 : i32
      %dma_start3A_490 = arith.constant 0 : i32
      %dma_start3A_491 = tpu.memref_slice %arg11[%dma_start3A_488, %dma_start3A_489, %dma_start3A_490] : memref<2x128x128xf32, #tpu.memory_space<vmem>> -> memref<1x64x128xf32, #tpu.memory_space<vmem>>
      %dma_start3A_492 = tpu.memref_squeeze %dma_start3A_491 : memref<1x64x128xf32, #tpu.memory_space<vmem>> -> memref<64x128xf32, #tpu.memory_space<vmem>>
      %dma_start3A_493 = arith.constant 0 : i32
      %dma_start3A_494 = tpu.memref_slice %arg9[%dma_start3A_487, %dma_start3A_493] : memref<8x128xi32, #tpu.memory_space<vmem>> -> memref<1x64xi32, #tpu.memory_space<vmem>>
      %dma_start3A_495 = tpu.memref_squeeze %dma_start3A_494 : memref<1x64xi32, #tpu.memory_space<vmem>> -> memref<64xi32, #tpu.memory_space<vmem>>
      %dma_start3A_496 = arith.constant 0 : i32
      %dma_start3A_497 = arith.constant 0 : i32
      %dma_start3A_498 = tpu.memref_slice %arg2[%dma_start3A_496, %dma_start3A_497] : memref<10240x128xf32, #tpu.memory_space<hbm>> -> memref<10240x128xf32, #tpu.memory_space<hbm>>
      tpu.enqueue_indirect_dma source(%dma_start3A_498 : memref<10240x128xf32, #tpu.memory_space<hbm>>) target(%dma_start3A_492 : memref<64x128xf32, #tpu.memory_space<vmem>>) offsets(%dma_start3A_495 : memref<64xi32, #tpu.memory_space<vmem>>) semaphore(%arg14 : memref<!tpu.dma_semaphore, #tpu.memory_space<semaphore_mem>>)
      %dma_start3A_499 = arith.constant 1 : i32
      %dma_start3A_500 = arith.constant 1 : i32
      %dma_start3A_501 = arith.constant 64 : i32
      %dma_start3A_502 = arith.constant 0 : i32
      %dma_start3A_503 = tpu.memref_slice %arg11[%dma_start3A_500, %dma_start3A_501, %dma_start3A_502] : memref<2x128x128xf32, #tpu.memory_space<vmem>> -> memref<1x64x128xf32, #tpu.memory_space<vmem>>
      %dma_start3A_504 = tpu.memref_squeeze %dma_start3A_503 : memref<1x64x128xf32, #tpu.memory_space<vmem>> -> memref<64x128xf32, #tpu.memory_space<vmem>>
      %dma_start3A_505 = arith.constant 64 : i32
      %dma_start3A_506 = tpu.memref_slice %arg9[%dma_start3A_499, %dma_start3A_505] : memref<8x128xi32, #tpu.memory_space<vmem>> -> memref<1x64xi32, #tpu.memory_space<vmem>>
      %dma_start3A_507 = tpu.memref_squeeze %dma_start3A_506 : memref<1x64xi32, #tpu.memory_space<vmem>> -> memref<64xi32, #tpu.memory_space<vmem>>
      %dma_start3A_508 = arith.constant 0 : i32
      %dma_start3A_509 = arith.constant 0 : i32
      %dma_start3A_510 = tpu.memref_slice %arg2[%dma_start3A_508, %dma_start3A_509] : memref<10240x128xf32, #tpu.memory_space<hbm>> -> memref<10240x128xf32, #tpu.memory_space<hbm>>
      tpu.enqueue_indirect_dma source(%dma_start3A_510 : memref<10240x128xf32, #tpu.memory_space<hbm>>) target(%dma_start3A_504 : memref<64x128xf32, #tpu.memory_space<vmem>>) offsets(%dma_start3A_507 : memref<64xi32, #tpu.memory_space<vmem>>) semaphore(%arg15 : memref<!tpu.dma_semaphore, #tpu.memory_space<semaphore_mem>>)
      %dma_wait3A_511 = arith.constant 0 : i32
      %dma_wait3A_512 = arith.constant 0 : i32
      %dma_wait3A_513 = arith.constant 0 : i32
      %dma_wait3A_514 = arith.constant 0 : i32
      %dma_wait3A_515 = tpu.memref_slice %arg11[%dma_wait3A_512, %dma_wait3A_513, %dma_wait3A_514] : memref<2x128x128xf32, #tpu.memory_space<vmem>> -> memref<1x64x128xf32, #tpu.memory_space<vmem>>
      %dma_wait3A_516 = tpu.memref_squeeze %dma_wait3A_515 : memref<1x64x128xf32, #tpu.memory_space<vmem>> -> memref<64x128xf32, #tpu.memory_space<vmem>>
      %dma_wait3A_517 = arith.constant 0 : i32
      %dma_wait3A_518 = tpu.memref_slice %arg9[%dma_wait3A_511, %dma_wait3A_517] : memref<8x128xi32, #tpu.memory_space<vmem>> -> memref<1x64xi32, #tpu.memory_space<vmem>>
      %dma_wait3A_519 = tpu.memref_squeeze %dma_wait3A_518 : memref<1x64xi32, #tpu.memory_space<vmem>> -> memref<64xi32, #tpu.memory_space<vmem>>
      %dma_wait3A_520 = arith.constant 0 : i32
      %dma_wait3A_521 = arith.constant 0 : i32
      %dma_wait3A_522 = tpu.memref_slice %arg2[%dma_wait3A_520, %dma_wait3A_521] : memref<10240x128xf32, #tpu.memory_space<hbm>> -> memref<10240x128xf32, #tpu.memory_space<hbm>>
      tpu.wait_indirect_dma semaphore(%arg14 : memref<!tpu.dma_semaphore, #tpu.memory_space<semaphore_mem>>) src(%dma_wait3A_522 : memref<10240x128xf32, #tpu.memory_space<hbm>>) dst(%dma_wait3A_516 : memref<64x128xf32, #tpu.memory_space<vmem>>)
      %dma_wait3A_523 = arith.constant 0 : i32
      %dma_wait3A_524 = arith.constant 0 : i32
      %dma_wait3A_525 = arith.constant 64 : i32
      %dma_wait3A_526 = arith.constant 0 : i32
      %dma_wait3A_527 = tpu.memref_slice %arg11[%dma_wait3A_524, %dma_wait3A_525, %dma_wait3A_526] : memref<2x128x128xf32, #tpu.memory_space<vmem>> -> memref<1x64x128xf32, #tpu.memory_space<vmem>>
      %dma_wait3A_528 = tpu.memref_squeeze %dma_wait3A_527 : memref<1x64x128xf32, #tpu.memory_space<vmem>> -> memref<64x128xf32, #tpu.memory_space<vmem>>
      %dma_wait3A_529 = arith.constant 64 : i32
      %dma_wait3A_530 = tpu.memref_slice %arg9[%dma_wait3A_523, %dma_wait3A_529] : memref<8x128xi32, #tpu.memory_space<vmem>> -> memref<1x64xi32, #tpu.memory_space<vmem>>
      %dma_wait3A_531 = tpu.memref_squeeze %dma_wait3A_530 : memref<1x64xi32, #tpu.memory_space<vmem>> -> memref<64xi32, #tpu.memory_space<vmem>>
      %dma_wait3A_532 = arith.constant 0 : i32
      %dma_wait3A_533 = arith.constant 0 : i32
      %dma_wait3A_534 = tpu.memref_slice %arg2[%dma_wait3A_532, %dma_wait3A_533] : memref<10240x128xf32, #tpu.memory_space<hbm>> -> memref<10240x128xf32, #tpu.memory_space<hbm>>
      tpu.wait_indirect_dma semaphore(%arg15 : memref<!tpu.dma_semaphore, #tpu.memory_space<semaphore_mem>>) src(%dma_wait3A_534 : memref<10240x128xf32, #tpu.memory_space<hbm>>) dst(%dma_wait3A_528 : memref<64x128xf32, #tpu.memory_space<vmem>>)
      %dma_start3A_535 = arith.constant 0 : i32
      %dma_start3A_536 = arith.constant 0 : i32
      %dma_start3A_537 = arith.constant 0 : i32
      %dma_start3A_538 = arith.constant 0 : i32
      %dma_start3A_539 = tpu.memref_slice %arg11[%dma_start3A_535, %dma_start3A_537, %dma_start3A_538] : memref<2x128x128xf32, #tpu.memory_space<vmem>> -> memref<1x128x128xf32, #tpu.memory_space<vmem>>
      %dma_start3A_540 = tpu.memref_squeeze %dma_start3A_539 : memref<1x128x128xf32, #tpu.memory_space<vmem>> -> memref<128x128xf32, #tpu.memory_space<vmem>>
      %dma_start3A_541 = arith.constant 0 : i32
      %dma_start3A_542 = tpu.memref_slice %arg10[%dma_start3A_536, %dma_start3A_541] : memref<8x128xi32, #tpu.memory_space<vmem>> -> memref<1x128xi32, #tpu.memory_space<vmem>>
      %dma_start3A_543 = tpu.memref_squeeze %dma_start3A_542 : memref<1x128xi32, #tpu.memory_space<vmem>> -> memref<128xi32, #tpu.memory_space<vmem>>
      %dma_start3A_544 = arith.constant 0 : i32
      %dma_start3A_545 = arith.constant 0 : i32
      %dma_start3A_546 = tpu.memref_slice %arg13[%dma_start3A_544, %dma_start3A_545] : memref<10240x128xf32, #tpu.memory_space<vmem_shared>> -> memref<10240x128xf32, #tpu.memory_space<vmem_shared>>
      tpu.enqueue_indirect_dma source(%dma_start3A_540 : memref<128x128xf32, #tpu.memory_space<vmem>>) target(%dma_start3A_546 : memref<10240x128xf32, #tpu.memory_space<vmem_shared>>) offsets(%dma_start3A_543 : memref<128xi32, #tpu.memory_space<vmem>>) semaphore(%arg16 : memref<!tpu.dma_semaphore, #tpu.memory_space<semaphore_mem>>) {add = true}
      %get3A = arith.constant 0 : i32
      %get3A_547 = arith.index_cast %get3A : i32 to index
      %get3A_548 = arith.constant 0 : index
      %get3A_549 = tpu.vector_load %arg10[%get3A_547, %get3A_548] {strides = array<i32>} : memref<8x128xi32, #tpu.memory_space<vmem>>, vector<16xi32>,
      tpu.vector_store_idx %arg12[%get3A_549], %broadcast_in_dim3A_141 {add = true} : memref<10240xf32, #tpu.memory_space<vmem>>[vector<16xi32>], vector<16xf32>,
      %get3A_550 = arith.constant 0 : i32
      %get3A_551 = arith.index_cast %get3A_550 : i32 to index
      %get3A_552 = arith.constant 16 : index
      %get3A_553 = tpu.vector_load %arg10[%get3A_551, %get3A_552] {strides = array<i32>} : memref<8x128xi32, #tpu.memory_space<vmem>>, vector<16xi32>,
      tpu.vector_store_idx %arg12[%get3A_553], %broadcast_in_dim3A_141 {add = true} : memref<10240xf32, #tpu.memory_space<vmem>>[vector<16xi32>], vector<16xf32>,
      %get3A_554 = arith.constant 0 : i32
      %get3A_555 = arith.index_cast %get3A_554 : i32 to index
      %get3A_556 = arith.constant 32 : index
      %get3A_557 = tpu.vector_load %arg10[%get3A_555, %get3A_556] {strides = array<i32>} : memref<8x128xi32, #tpu.memory_space<vmem>>, vector<16xi32>,
      tpu.vector_store_idx %arg12[%get3A_557], %broadcast_in_dim3A_141 {add = true} : memref<10240xf32, #tpu.memory_space<vmem>>[vector<16xi32>], vector<16xf32>,
      %get3A_558 = arith.constant 0 : i32
      %get3A_559 = arith.index_cast %get3A_558 : i32 to index
      %get3A_560 = arith.constant 48 : index
      %get3A_561 = tpu.vector_load %arg10[%get3A_559, %get3A_560] {strides = array<i32>} : memref<8x128xi32, #tpu.memory_space<vmem>>, vector<16xi32>,
      tpu.vector_store_idx %arg12[%get3A_561], %broadcast_in_dim3A_141 {add = true} : memref<10240xf32, #tpu.memory_space<vmem>>[vector<16xi32>], vector<16xf32>,
      %get3A_562 = arith.constant 0 : i32
      %get3A_563 = arith.index_cast %get3A_562 : i32 to index
      %get3A_564 = arith.constant 64 : index
      %get3A_565 = tpu.vector_load %arg10[%get3A_563, %get3A_564] {strides = array<i32>} : memref<8x128xi32, #tpu.memory_space<vmem>>, vector<16xi32>,
      tpu.vector_store_idx %arg12[%get3A_565], %broadcast_in_dim3A_141 {add = true} : memref<10240xf32, #tpu.memory_space<vmem>>[vector<16xi32>], vector<16xf32>,
      %get3A_566 = arith.constant 0 : i32
      %get3A_567 = arith.index_cast %get3A_566 : i32 to index
      %get3A_568 = arith.constant 80 : index
      %get3A_569 = tpu.vector_load %arg10[%get3A_567, %get3A_568] {strides = array<i32>} : memref<8x128xi32, #tpu.memory_space<vmem>>, vector<16xi32>,
      tpu.vector_store_idx %arg12[%get3A_569], %broadcast_in_dim3A_141 {add = true} : memref<10240xf32, #tpu.memory_space<vmem>>[vector<16xi32>], vector<16xf32>,
      %get3A_570 = arith.constant 0 : i32
      %get3A_571 = arith.index_cast %get3A_570 : i32 to index
      %get3A_572 = arith.constant 96 : index
      %get3A_573 = tpu.vector_load %arg10[%get3A_571, %get3A_572] {strides = array<i32>} : memref<8x128xi32, #tpu.memory_space<vmem>>, vector<16xi32>,
      tpu.vector_store_idx %arg12[%get3A_573], %broadcast_in_dim3A_141 {add = true} : memref<10240xf32, #tpu.memory_space<vmem>>[vector<16xi32>], vector<16xf32>,
      %get3A_574 = arith.constant 0 : i32
      %get3A_575 = arith.index_cast %get3A_574 : i32 to index
      %get3A_576 = arith.constant 112 : index
      %get3A_577 = tpu.vector_load %arg10[%get3A_575, %get3A_576] {strides = array<i32>} : memref<8x128xi32, #tpu.memory_space<vmem>>, vector<16xi32>,
      tpu.vector_store_idx %arg12[%get3A_577], %broadcast_in_dim3A_141 {add = true} : memref<10240xf32, #tpu.memory_space<vmem>>[vector<16xi32>], vector<16xf32>,
      %dma_wait3A_578 = arith.constant 0 : i32
      %dma_wait3A_579 = arith.constant 0 : i32
      %dma_wait3A_580 = arith.constant 0 : i32
      %dma_wait3A_581 = arith.constant 0 : i32
      %dma_wait3A_582 = tpu.memref_slice %arg11[%dma_wait3A_578, %dma_wait3A_580, %dma_wait3A_581] : memref<2x128x128xf32, #tpu.memory_space<vmem>> -> memref<1x128x128xf32, #tpu.memory_space<vmem>>
      %dma_wait3A_583 = tpu.memref_squeeze %dma_wait3A_582 : memref<1x128x128xf32, #tpu.memory_space<vmem>> -> memref<128x128xf32, #tpu.memory_space<vmem>>
      %dma_wait3A_584 = arith.constant 0 : i32
      %dma_wait3A_585 = tpu.memref_slice %arg10[%dma_wait3A_579, %dma_wait3A_584] : memref<8x128xi32, #tpu.memory_space<vmem>> -> memref<1x128xi32, #tpu.memory_space<vmem>>
      %dma_wait3A_586 = tpu.memref_squeeze %dma_wait3A_585 : memref<1x128xi32, #tpu.memory_space<vmem>> -> memref<128xi32, #tpu.memory_space<vmem>>
      %dma_wait3A_587 = arith.constant 0 : i32
      %dma_wait3A_588 = arith.constant 0 : i32
      %dma_wait3A_589 = tpu.memref_slice %arg13[%dma_wait3A_587, %dma_wait3A_588] : memref<10240x128xf32, #tpu.memory_space<vmem_shared>> -> memref<10240x128xf32, #tpu.memory_space<vmem_shared>>
      tpu.wait_indirect_dma semaphore(%arg16 : memref<!tpu.dma_semaphore, #tpu.memory_space<semaphore_mem>>) src(%dma_wait3A_583 : memref<128x128xf32, #tpu.memory_space<vmem>>) dst(%dma_wait3A_589 : memref<10240x128xf32, #tpu.memory_space<vmem_shared>>)
      %dma_start3A_590 = arith.constant 2 : i32
      %dma_start3A_591 = arith.constant 0 : i32
      %dma_start3A_592 = arith.constant 0 : i32
      %dma_start3A_593 = arith.constant 0 : i32
      %dma_start3A_594 = tpu.memref_slice %arg11[%dma_start3A_591, %dma_start3A_592, %dma_start3A_593] : memref<2x128x128xf32, #tpu.memory_space<vmem>> -> memref<1x64x128xf32, #tpu.memory_space<vmem>>
      %dma_start3A_595 = tpu.memref_squeeze %dma_start3A_594 : memref<1x64x128xf32, #tpu.memory_space<vmem>> -> memref<64x128xf32, #tpu.memory_space<vmem>>
      %dma_start3A_596 = arith.constant 0 : i32
      %dma_start3A_597 = tpu.memref_slice %arg9[%dma_start3A_590, %dma_start3A_596] : memref<8x128xi32, #tpu.memory_space<vmem>> -> memref<1x64xi32, #tpu.memory_space<vmem>>
      %dma_start3A_598 = tpu.memref_squeeze %dma_start3A_597 : memref<1x64xi32, #tpu.memory_space<vmem>> -> memref<64xi32, #tpu.memory_space<vmem>>
      %dma_start3A_599 = arith.constant 0 : i32
      %dma_start3A_600 = arith.constant 0 : i32
      %dma_start3A_601 = tpu.memref_slice %arg2[%dma_start3A_599, %dma_start3A_600] : memref<10240x128xf32, #tpu.memory_space<hbm>> -> memref<10240x128xf32, #tpu.memory_space<hbm>>
      tpu.enqueue_indirect_dma source(%dma_start3A_601 : memref<10240x128xf32, #tpu.memory_space<hbm>>) target(%dma_start3A_595 : memref<64x128xf32, #tpu.memory_space<vmem>>) offsets(%dma_start3A_598 : memref<64xi32, #tpu.memory_space<vmem>>) semaphore(%arg14 : memref<!tpu.dma_semaphore, #tpu.memory_space<semaphore_mem>>)
      %dma_start3A_602 = arith.constant 2 : i32
      %dma_start3A_603 = arith.constant 0 : i32
      %dma_start3A_604 = arith.constant 64 : i32
      %dma_start3A_605 = arith.constant 0 : i32
      %dma_start3A_606 = tpu.memref_slice %arg11[%dma_start3A_603, %dma_start3A_604, %dma_start3A_605] : memref<2x128x128xf32, #tpu.memory_space<vmem>> -> memref<1x64x128xf32, #tpu.memory_space<vmem>>
      %dma_start3A_607 = tpu.memref_squeeze %dma_start3A_606 : memref<1x64x128xf32, #tpu.memory_space<vmem>> -> memref<64x128xf32, #tpu.memory_space<vmem>>
      %dma_start3A_608 = arith.constant 64 : i32
      %dma_start3A_609 = tpu.memref_slice %arg9[%dma_start3A_602, %dma_start3A_608] : memref<8x128xi32, #tpu.memory_space<vmem>> -> memref<1x64xi32, #tpu.memory_space<vmem>>
      %dma_start3A_610 = tpu.memref_squeeze %dma_start3A_609 : memref<1x64xi32, #tpu.memory_space<vmem>> -> memref<64xi32, #tpu.memory_space<vmem>>
      %dma_start3A_611 = arith.constant 0 : i32
      %dma_start3A_612 = arith.constant 0 : i32
      %dma_start3A_613 = tpu.memref_slice %arg2[%dma_start3A_611, %dma_start3A_612] : memref<10240x128xf32, #tpu.memory_space<hbm>> -> memref<10240x128xf32, #tpu.memory_space<hbm>>
      tpu.enqueue_indirect_dma source(%dma_start3A_613 : memref<10240x128xf32, #tpu.memory_space<hbm>>) target(%dma_start3A_607 : memref<64x128xf32, #tpu.memory_space<vmem>>) offsets(%dma_start3A_610 : memref<64xi32, #tpu.memory_space<vmem>>) semaphore(%arg15 : memref<!tpu.dma_semaphore, #tpu.memory_space<semaphore_mem>>)
      %dma_wait3A_614 = arith.constant 1 : i32
      %dma_wait3A_615 = arith.constant 1 : i32
      %dma_wait3A_616 = arith.constant 0 : i32
      %dma_wait3A_617 = arith.constant 0 : i32
      %dma_wait3A_618 = tpu.memref_slice %arg11[%dma_wait3A_615, %dma_wait3A_616, %dma_wait3A_617] : memref<2x128x128xf32, #tpu.memory_space<vmem>> -> memref<1x64x128xf32, #tpu.memory_space<vmem>>
      %dma_wait3A_619 = tpu.memref_squeeze %dma_wait3A_618 : memref<1x64x128xf32, #tpu.memory_space<vmem>> -> memref<64x128xf32, #tpu.memory_space<vmem>>
      %dma_wait3A_620 = arith.constant 0 : i32
      %dma_wait3A_621 = tpu.memref_slice %arg9[%dma_wait3A_614, %dma_wait3A_620] : memref<8x128xi32, #tpu.memory_space<vmem>> -> memref<1x64xi32, #tpu.memory_space<vmem>>
      %dma_wait3A_622 = tpu.memref_squeeze %dma_wait3A_621 : memref<1x64xi32, #tpu.memory_space<vmem>> -> memref<64xi32, #tpu.memory_space<vmem>>
      %dma_wait3A_623 = arith.constant 0 : i32
      %dma_wait3A_624 = arith.constant 0 : i32
      %dma_wait3A_625 = tpu.memref_slice %arg2[%dma_wait3A_623, %dma_wait3A_624] : memref<10240x128xf32, #tpu.memory_space<hbm>> -> memref<10240x128xf32, #tpu.memory_space<hbm>>
      tpu.wait_indirect_dma semaphore(%arg14 : memref<!tpu.dma_semaphore, #tpu.memory_space<semaphore_mem>>) src(%dma_wait3A_625 : memref<10240x128xf32, #tpu.memory_space<hbm>>) dst(%dma_wait3A_619 : memref<64x128xf32, #tpu.memory_space<vmem>>)
      %dma_wait3A_626 = arith.constant 1 : i32
      %dma_wait3A_627 = arith.constant 1 : i32
      %dma_wait3A_628 = arith.constant 64 : i32
      %dma_wait3A_629 = arith.constant 0 : i32
      %dma_wait3A_630 = tpu.memref_slice %arg11[%dma_wait3A_627, %dma_wait3A_628, %dma_wait3A_629] : memref<2x128x128xf32, #tpu.memory_space<vmem>> -> memref<1x64x128xf32, #tpu.memory_space<vmem>>
      %dma_wait3A_631 = tpu.memref_squeeze %dma_wait3A_630 : memref<1x64x128xf32, #tpu.memory_space<vmem>> -> memref<64x128xf32, #tpu.memory_space<vmem>>
      %dma_wait3A_632 = arith.constant 64 : i32
      %dma_wait3A_633 = tpu.memref_slice %arg9[%dma_wait3A_626, %dma_wait3A_632] : memref<8x128xi32, #tpu.memory_space<vmem>> -> memref<1x64xi32, #tpu.memory_space<vmem>>
      %dma_wait3A_634 = tpu.memref_squeeze %dma_wait3A_633 : memref<1x64xi32, #tpu.memory_space<vmem>> -> memref<64xi32, #tpu.memory_space<vmem>>
      %dma_wait3A_635 = arith.constant 0 : i32
      %dma_wait3A_636 = arith.constant 0 : i32
      %dma_wait3A_637 = tpu.memref_slice %arg2[%dma_wait3A_635, %dma_wait3A_636] : memref<10240x128xf32, #tpu.memory_space<hbm>> -> memref<10240x128xf32, #tpu.memory_space<hbm>>
      tpu.wait_indirect_dma semaphore(%arg15 : memref<!tpu.dma_semaphore, #tpu.memory_space<semaphore_mem>>) src(%dma_wait3A_637 : memref<10240x128xf32, #tpu.memory_space<hbm>>) dst(%dma_wait3A_631 : memref<64x128xf32, #tpu.memory_space<vmem>>)
      %dma_start3A_638 = arith.constant 1 : i32
      %dma_start3A_639 = arith.constant 1 : i32
      %dma_start3A_640 = arith.constant 0 : i32
      %dma_start3A_641 = arith.constant 0 : i32
      %dma_start3A_642 = tpu.memref_slice %arg11[%dma_start3A_638, %dma_start3A_640, %dma_start3A_641] : memref<2x128x128xf32, #tpu.memory_space<vmem>> -> memref<1x128x128xf32, #tpu.memory_space<vmem>>
      %dma_start3A_643 = tpu.memref_squeeze %dma_start3A_642 : memref<1x128x128xf32, #tpu.memory_space<vmem>> -> memref<128x128xf32, #tpu.memory_space<vmem>>
      %dma_start3A_644 = arith.constant 0 : i32
      %dma_start3A_645 = tpu.memref_slice %arg10[%dma_start3A_639, %dma_start3A_644] : memref<8x128xi32, #tpu.memory_space<vmem>> -> memref<1x128xi32, #tpu.memory_space<vmem>>
      %dma_start3A_646 = tpu.memref_squeeze %dma_start3A_645 : memref<1x128xi32, #tpu.memory_space<vmem>> -> memref<128xi32, #tpu.memory_space<vmem>>
      %dma_start3A_647 = arith.constant 0 : i32
      %dma_start3A_648 = arith.constant 0 : i32
      %dma_start3A_649 = tpu.memref_slice %arg13[%dma_start3A_647, %dma_start3A_648] : memref<10240x128xf32, #tpu.memory_space<vmem_shared>> -> memref<10240x128xf32, #tpu.memory_space<vmem_shared>>
      tpu.enqueue_indirect_dma source(%dma_start3A_643 : memref<128x128xf32, #tpu.memory_space<vmem>>) target(%dma_start3A_649 : memref<10240x128xf32, #tpu.memory_space<vmem_shared>>) offsets(%dma_start3A_646 : memref<128xi32, #tpu.memory_space<vmem>>) semaphore(%arg16 : memref<!tpu.dma_semaphore, #tpu.memory_space<semaphore_mem>>) {add = true}
      %get3A_650 = arith.constant 1 : i32
      %get3A_651 = arith.index_cast %get3A_650 : i32 to index
      %get3A_652 = arith.constant 0 : index
      %get3A_653 = tpu.vector_load %arg10[%get3A_651, %get3A_652] {strides = array<i32>} : memref<8x128xi32, #tpu.memory_space<vmem>>, vector<16xi32>,
      tpu.vector_store_idx %arg12[%get3A_653], %broadcast_in_dim3A_141 {add = true} : memref<10240xf32, #tpu.memory_space<vmem>>[vector<16xi32>], vector<16xf32>,
      %get3A_654 = arith.constant 1 : i32
      %get3A_655 = arith.index_cast %get3A_654 : i32 to index
      %get3A_656 = arith.constant 16 : index
      %get3A_657 = tpu.vector_load %arg10[%get3A_655, %get3A_656] {strides = array<i32>} : memref<8x128xi32, #tpu.memory_space<vmem>>, vector<16xi32>,
      tpu.vector_store_idx %arg12[%get3A_657], %broadcast_in_dim3A_141 {add = true} : memref<10240xf32, #tpu.memory_space<vmem>>[vector<16xi32>], vector<16xf32>,
      %get3A_658 = arith.constant 1 : i32
      %get3A_659 = arith.index_cast %get3A_658 : i32 to index
      %get3A_660 = arith.constant 32 : index
      %get3A_661 = tpu.vector_load %arg10[%get3A_659, %get3A_660] {strides = array<i32>} : memref<8x128xi32, #tpu.memory_space<vmem>>, vector<16xi32>,
      tpu.vector_store_idx %arg12[%get3A_661], %broadcast_in_dim3A_141 {add = true} : memref<10240xf32, #tpu.memory_space<vmem>>[vector<16xi32>], vector<16xf32>,
      %get3A_662 = arith.constant 1 : i32
      %get3A_663 = arith.index_cast %get3A_662 : i32 to index
      %get3A_664 = arith.constant 48 : index
      %get3A_665 = tpu.vector_load %arg10[%get3A_663, %get3A_664] {strides = array<i32>} : memref<8x128xi32, #tpu.memory_space<vmem>>, vector<16xi32>,
      tpu.vector_store_idx %arg12[%get3A_665], %broadcast_in_dim3A_141 {add = true} : memref<10240xf32, #tpu.memory_space<vmem>>[vector<16xi32>], vector<16xf32>,
      %get3A_666 = arith.constant 1 : i32
      %get3A_667 = arith.index_cast %get3A_666 : i32 to index
      %get3A_668 = arith.constant 64 : index
      %get3A_669 = tpu.vector_load %arg10[%get3A_667, %get3A_668] {strides = array<i32>} : memref<8x128xi32, #tpu.memory_space<vmem>>, vector<16xi32>,
      tpu.vector_store_idx %arg12[%get3A_669], %broadcast_in_dim3A_141 {add = true} : memref<10240xf32, #tpu.memory_space<vmem>>[vector<16xi32>], vector<16xf32>,
      %get3A_670 = arith.constant 1 : i32
      %get3A_671 = arith.index_cast %get3A_670 : i32 to index
      %get3A_672 = arith.constant 80 : index
      %get3A_673 = tpu.vector_load %arg10[%get3A_671, %get3A_672] {strides = array<i32>} : memref<8x128xi32, #tpu.memory_space<vmem>>, vector<16xi32>,
      tpu.vector_store_idx %arg12[%get3A_673], %broadcast_in_dim3A_141 {add = true} : memref<10240xf32, #tpu.memory_space<vmem>>[vector<16xi32>], vector<16xf32>,
      %get3A_674 = arith.constant 1 : i32
      %get3A_675 = arith.index_cast %get3A_674 : i32 to index
      %get3A_676 = arith.constant 96 : index
      %get3A_677 = tpu.vector_load %arg10[%get3A_675, %get3A_676] {strides = array<i32>} : memref<8x128xi32, #tpu.memory_space<vmem>>, vector<16xi32>,
      tpu.vector_store_idx %arg12[%get3A_677], %broadcast_in_dim3A_141 {add = true} : memref<10240xf32, #tpu.memory_space<vmem>>[vector<16xi32>], vector<16xf32>,
      %get3A_678 = arith.constant 1 : i32
      %get3A_679 = arith.index_cast %get3A_678 : i32 to index
      %get3A_680 = arith.constant 112 : index
      %get3A_681 = tpu.vector_load %arg10[%get3A_679, %get3A_680] {strides = array<i32>} : memref<8x128xi32, #tpu.memory_space<vmem>>, vector<16xi32>,
      tpu.vector_store_idx %arg12[%get3A_681], %broadcast_in_dim3A_141 {add = true} : memref<10240xf32, #tpu.memory_space<vmem>>[vector<16xi32>], vector<16xf32>,
      %dma_wait3A_682 = arith.constant 1 : i32
      %dma_wait3A_683 = arith.constant 1 : i32
      %dma_wait3A_684 = arith.constant 0 : i32
      %dma_wait3A_685 = arith.constant 0 : i32
      %dma_wait3A_686 = tpu.memref_slice %arg11[%dma_wait3A_682, %dma_wait3A_684, %dma_wait3A_685] : memref<2x128x128xf32, #tpu.memory_space<vmem>> -> memref<1x128x128xf32, #tpu.memory_space<vmem>>
      %dma_wait3A_687 = tpu.memref_squeeze %dma_wait3A_686 : memref<1x128x128xf32, #tpu.memory_space<vmem>> -> memref<128x128xf32, #tpu.memory_space<vmem>>
      %dma_wait3A_688 = arith.constant 0 : i32
      %dma_wait3A_689 = tpu.memref_slice %arg10[%dma_wait3A_683, %dma_wait3A_688] : memref<8x128xi32, #tpu.memory_space<vmem>> -> memref<1x128xi32, #tpu.memory_space<vmem>>
      %dma_wait3A_690 = tpu.memref_squeeze %dma_wait3A_689 : memref<1x128xi32, #tpu.memory_space<vmem>> -> memref<128xi32, #tpu.memory_space<vmem>>
      %dma_wait3A_691 = arith.constant 0 : i32
      %dma_wait3A_692 = arith.constant 0 : i32
      %dma_wait3A_693 = tpu.memref_slice %arg13[%dma_wait3A_691, %dma_wait3A_692] : memref<10240x128xf32, #tpu.memory_space<vmem_shared>> -> memref<10240x128xf32, #tpu.memory_space<vmem_shared>>
      tpu.wait_indirect_dma semaphore(%arg16 : memref<!tpu.dma_semaphore, #tpu.memory_space<semaphore_mem>>) src(%dma_wait3A_687 : memref<128x128xf32, #tpu.memory_space<vmem>>) dst(%dma_wait3A_693 : memref<10240x128xf32, #tpu.memory_space<vmem_shared>>)
      %dma_start3A_694 = arith.constant 3 : i32
      %dma_start3A_695 = arith.constant 1 : i32
      %dma_start3A_696 = arith.constant 0 : i32
      %dma_start3A_697 = arith.constant 0 : i32
      %dma_start3A_698 = tpu.memref_slice %arg11[%dma_start3A_695, %dma_start3A_696, %dma_start3A_697] : memref<2x128x128xf32, #tpu.memory_space<vmem>> -> memref<1x64x128xf32, #tpu.memory_space<vmem>>
      %dma_start3A_699 = tpu.memref_squeeze %dma_start3A_698 : memref<1x64x128xf32, #tpu.memory_space<vmem>> -> memref<64x128xf32, #tpu.memory_space<vmem>>
      %dma_start3A_700 = arith.constant 0 : i32
      %dma_start3A_701 = tpu.memref_slice %arg9[%dma_start3A_694, %dma_start3A_700] : memref<8x128xi32, #tpu.memory_space<vmem>> -> memref<1x64xi32, #tpu.memory_space<vmem>>
      %dma_start3A_702 = tpu.memref_squeeze %dma_start3A_701 : memref<1x64xi32, #tpu.memory_space<vmem>> -> memref<64xi32, #tpu.memory_space<vmem>>
      %dma_start3A_703 = arith.constant 0 : i32
      %dma_start3A_704 = arith.constant 0 : i32
      %dma_start3A_705 = tpu.memref_slice %arg2[%dma_start3A_703, %dma_start3A_704] : memref<10240x128xf32, #tpu.memory_space<hbm>> -> memref<10240x128xf32, #tpu.memory_space<hbm>>
      tpu.enqueue_indirect_dma source(%dma_start3A_705 : memref<10240x128xf32, #tpu.memory_space<hbm>>) target(%dma_start3A_699 : memref<64x128xf32, #tpu.memory_space<vmem>>) offsets(%dma_start3A_702 : memref<64xi32, #tpu.memory_space<vmem>>) semaphore(%arg14 : memref<!tpu.dma_semaphore, #tpu.memory_space<semaphore_mem>>)
      %dma_start3A_706 = arith.constant 3 : i32
      %dma_start3A_707 = arith.constant 1 : i32
      %dma_start3A_708 = arith.constant 64 : i32
      %dma_start3A_709 = arith.constant 0 : i32
      %dma_start3A_710 = tpu.memref_slice %arg11[%dma_start3A_707, %dma_start3A_708, %dma_start3A_709] : memref<2x128x128xf32, #tpu.memory_space<vmem>> -> memref<1x64x128xf32, #tpu.memory_space<vmem>>
      %dma_start3A_711 = tpu.memref_squeeze %dma_start3A_710 : memref<1x64x128xf32, #tpu.memory_space<vmem>> -> memref<64x128xf32, #tpu.memory_space<vmem>>
      %dma_start3A_712 = arith.constant 64 : i32
      %dma_start3A_713 = tpu.memref_slice %arg9[%dma_start3A_706, %dma_start3A_712] : memref<8x128xi32, #tpu.memory_space<vmem>> -> memref<1x64xi32, #tpu.memory_space<vmem>>
      %dma_start3A_714 = tpu.memref_squeeze %dma_start3A_713 : memref<1x64xi32, #tpu.memory_space<vmem>> -> memref<64xi32, #tpu.memory_space<vmem>>
      %dma_start3A_715 = arith.constant 0 : i32
      %dma_start3A_716 = arith.constant 0 : i32
      %dma_start3A_717 = tpu.memref_slice %arg2[%dma_start3A_715, %dma_start3A_716] : memref<10240x128xf32, #tpu.memory_space<hbm>> -> memref<10240x128xf32, #tpu.memory_space<hbm>>
      tpu.enqueue_indirect_dma source(%dma_start3A_717 : memref<10240x128xf32, #tpu.memory_space<hbm>>) target(%dma_start3A_711 : memref<64x128xf32, #tpu.memory_space<vmem>>) offsets(%dma_start3A_714 : memref<64xi32, #tpu.memory_space<vmem>>) semaphore(%arg15 : memref<!tpu.dma_semaphore, #tpu.memory_space<semaphore_mem>>)
      %dma_wait3A_718 = arith.constant 2 : i32
      %dma_wait3A_719 = arith.constant 0 : i32
      %dma_wait3A_720 = arith.constant 0 : i32
      %dma_wait3A_721 = arith.constant 0 : i32
      %dma_wait3A_722 = tpu.memref_slice %arg11[%dma_wait3A_719, %dma_wait3A_720, %dma_wait3A_721] : memref<2x128x128xf32, #tpu.memory_space<vmem>> -> memref<1x64x128xf32, #tpu.memory_space<vmem>>
      %dma_wait3A_723 = tpu.memref_squeeze %dma_wait3A_722 : memref<1x64x128xf32, #tpu.memory_space<vmem>> -> memref<64x128xf32, #tpu.memory_space<vmem>>
      %dma_wait3A_724 = arith.constant 0 : i32
      %dma_wait3A_725 = tpu.memref_slice %arg9[%dma_wait3A_718, %dma_wait3A_724] : memref<8x128xi32, #tpu.memory_space<vmem>> -> memref<1x64xi32, #tpu.memory_space<vmem>>
      %dma_wait3A_726 = tpu.memref_squeeze %dma_wait3A_725 : memref<1x64xi32, #tpu.memory_space<vmem>> -> memref<64xi32, #tpu.memory_space<vmem>>
      %dma_wait3A_727 = arith.constant 0 : i32
      %dma_wait3A_728 = arith.constant 0 : i32
      %dma_wait3A_729 = tpu.memref_slice %arg2[%dma_wait3A_727, %dma_wait3A_728] : memref<10240x128xf32, #tpu.memory_space<hbm>> -> memref<10240x128xf32, #tpu.memory_space<hbm>>
      tpu.wait_indirect_dma semaphore(%arg14 : memref<!tpu.dma_semaphore, #tpu.memory_space<semaphore_mem>>) src(%dma_wait3A_729 : memref<10240x128xf32, #tpu.memory_space<hbm>>) dst(%dma_wait3A_723 : memref<64x128xf32, #tpu.memory_space<vmem>>)
      %dma_wait3A_730 = arith.constant 2 : i32
      %dma_wait3A_731 = arith.constant 0 : i32
      %dma_wait3A_732 = arith.constant 64 : i32
      %dma_wait3A_733 = arith.constant 0 : i32
      %dma_wait3A_734 = tpu.memref_slice %arg11[%dma_wait3A_731, %dma_wait3A_732, %dma_wait3A_733] : memref<2x128x128xf32, #tpu.memory_space<vmem>> -> memref<1x64x128xf32, #tpu.memory_space<vmem>>
      %dma_wait3A_735 = tpu.memref_squeeze %dma_wait3A_734 : memref<1x64x128xf32, #tpu.memory_space<vmem>> -> memref<64x128xf32, #tpu.memory_space<vmem>>
      %dma_wait3A_736 = arith.constant 64 : i32
      %dma_wait3A_737 = tpu.memref_slice %arg9[%dma_wait3A_730, %dma_wait3A_736] : memref<8x128xi32, #tpu.memory_space<vmem>> -> memref<1x64xi32, #tpu.memory_space<vmem>>
      %dma_wait3A_738 = tpu.memref_squeeze %dma_wait3A_737 : memref<1x64xi32, #tpu.memory_space<vmem>> -> memref<64xi32, #tpu.memory_space<vmem>>
      %dma_wait3A_739 = arith.constant 0 : i32
      %dma_wait3A_740 = arith.constant 0 : i32
      %dma_wait3A_741 = tpu.memref_slice %arg2[%dma_wait3A_739, %dma_wait3A_740] : memref<10240x128xf32, #tpu.memory_space<hbm>> -> memref<10240x128xf32, #tpu.memory_space<hbm>>
      tpu.wait_indirect_dma semaphore(%arg15 : memref<!tpu.dma_semaphore, #tpu.memory_space<semaphore_mem>>) src(%dma_wait3A_741 : memref<10240x128xf32, #tpu.memory_space<hbm>>) dst(%dma_wait3A_735 : memref<64x128xf32, #tpu.memory_space<vmem>>)
      %dma_start3A_742 = arith.constant 0 : i32
      %dma_start3A_743 = arith.constant 2 : i32
      %dma_start3A_744 = arith.constant 0 : i32
      %dma_start3A_745 = arith.constant 0 : i32
      %dma_start3A_746 = tpu.memref_slice %arg11[%dma_start3A_742, %dma_start3A_744, %dma_start3A_745] : memref<2x128x128xf32, #tpu.memory_space<vmem>> -> memref<1x128x128xf32, #tpu.memory_space<vmem>>
      %dma_start3A_747 = tpu.memref_squeeze %dma_start3A_746 : memref<1x128x128xf32, #tpu.memory_space<vmem>> -> memref<128x128xf32, #tpu.memory_space<vmem>>
      %dma_start3A_748 = arith.constant 0 : i32
      %dma_start3A_749 = tpu.memref_slice %arg10[%dma_start3A_743, %dma_start3A_748] : memref<8x128xi32, #tpu.memory_space<vmem>> -> memref<1x128xi32, #tpu.memory_space<vmem>>
      %dma_start3A_750 = tpu.memref_squeeze %dma_start3A_749 : memref<1x128xi32, #tpu.memory_space<vmem>> -> memref<128xi32, #tpu.memory_space<vmem>>
      %dma_start3A_751 = arith.constant 0 : i32
      %dma_start3A_752 = arith.constant 0 : i32
      %dma_start3A_753 = tpu.memref_slice %arg13[%dma_start3A_751, %dma_start3A_752] : memref<10240x128xf32, #tpu.memory_space<vmem_shared>> -> memref<10240x128xf32, #tpu.memory_space<vmem_shared>>
      tpu.enqueue_indirect_dma source(%dma_start3A_747 : memref<128x128xf32, #tpu.memory_space<vmem>>) target(%dma_start3A_753 : memref<10240x128xf32, #tpu.memory_space<vmem_shared>>) offsets(%dma_start3A_750 : memref<128xi32, #tpu.memory_space<vmem>>) semaphore(%arg16 : memref<!tpu.dma_semaphore, #tpu.memory_space<semaphore_mem>>) {add = true}
      %get3A_754 = arith.constant 2 : i32
      %get3A_755 = arith.index_cast %get3A_754 : i32 to index
      %get3A_756 = arith.constant 0 : index
      %get3A_757 = tpu.vector_load %arg10[%get3A_755, %get3A_756] {strides = array<i32>} : memref<8x128xi32, #tpu.memory_space<vmem>>, vector<16xi32>,
      tpu.vector_store_idx %arg12[%get3A_757], %broadcast_in_dim3A_141 {add = true} : memref<10240xf32, #tpu.memory_space<vmem>>[vector<16xi32>], vector<16xf32>,
      %get3A_758 = arith.constant 2 : i32
      %get3A_759 = arith.index_cast %get3A_758 : i32 to index
      %get3A_760 = arith.constant 16 : index
      %get3A_761 = tpu.vector_load %arg10[%get3A_759, %get3A_760] {strides = array<i32>} : memref<8x128xi32, #tpu.memory_space<vmem>>, vector<16xi32>,
      tpu.vector_store_idx %arg12[%get3A_761], %broadcast_in_dim3A_141 {add = true} : memref<10240xf32, #tpu.memory_space<vmem>>[vector<16xi32>], vector<16xf32>,
      %get3A_762 = arith.constant 2 : i32
      %get3A_763 = arith.index_cast %get3A_762 : i32 to index
      %get3A_764 = arith.constant 32 : index
      %get3A_765 = tpu.vector_load %arg10[%get3A_763, %get3A_764] {strides = array<i32>} : memref<8x128xi32, #tpu.memory_space<vmem>>, vector<16xi32>,
      tpu.vector_store_idx %arg12[%get3A_765], %broadcast_in_dim3A_141 {add = true} : memref<10240xf32, #tpu.memory_space<vmem>>[vector<16xi32>], vector<16xf32>,
      %get3A_766 = arith.constant 2 : i32
      %get3A_767 = arith.index_cast %get3A_766 : i32 to index
      %get3A_768 = arith.constant 48 : index
      %get3A_769 = tpu.vector_load %arg10[%get3A_767, %get3A_768] {strides = array<i32>} : memref<8x128xi32, #tpu.memory_space<vmem>>, vector<16xi32>,
      tpu.vector_store_idx %arg12[%get3A_769], %broadcast_in_dim3A_141 {add = true} : memref<10240xf32, #tpu.memory_space<vmem>>[vector<16xi32>], vector<16xf32>,
      %get3A_770 = arith.constant 2 : i32
      %get3A_771 = arith.index_cast %get3A_770 : i32 to index
      %get3A_772 = arith.constant 64 : index
      %get3A_773 = tpu.vector_load %arg10[%get3A_771, %get3A_772] {strides = array<i32>} : memref<8x128xi32, #tpu.memory_space<vmem>>, vector<16xi32>,
      tpu.vector_store_idx %arg12[%get3A_773], %broadcast_in_dim3A_141 {add = true} : memref<10240xf32, #tpu.memory_space<vmem>>[vector<16xi32>], vector<16xf32>,
      %get3A_774 = arith.constant 2 : i32
      %get3A_775 = arith.index_cast %get3A_774 : i32 to index
      %get3A_776 = arith.constant 80 : index
      %get3A_777 = tpu.vector_load %arg10[%get3A_775, %get3A_776] {strides = array<i32>} : memref<8x128xi32, #tpu.memory_space<vmem>>, vector<16xi32>,
      tpu.vector_store_idx %arg12[%get3A_777], %broadcast_in_dim3A_141 {add = true} : memref<10240xf32, #tpu.memory_space<vmem>>[vector<16xi32>], vector<16xf32>,
      %get3A_778 = arith.constant 2 : i32
      %get3A_779 = arith.index_cast %get3A_778 : i32 to index
      %get3A_780 = arith.constant 96 : index
      %get3A_781 = tpu.vector_load %arg10[%get3A_779, %get3A_780] {strides = array<i32>} : memref<8x128xi32, #tpu.memory_space<vmem>>, vector<16xi32>,
      tpu.vector_store_idx %arg12[%get3A_781], %broadcast_in_dim3A_141 {add = true} : memref<10240xf32, #tpu.memory_space<vmem>>[vector<16xi32>], vector<16xf32>,
      %get3A_782 = arith.constant 2 : i32
      %get3A_783 = arith.index_cast %get3A_782 : i32 to index
      %get3A_784 = arith.constant 112 : index
      %get3A_785 = tpu.vector_load %arg10[%get3A_783, %get3A_784] {strides = array<i32>} : memref<8x128xi32, #tpu.memory_space<vmem>>, vector<16xi32>,
      tpu.vector_store_idx %arg12[%get3A_785], %broadcast_in_dim3A_141 {add = true} : memref<10240xf32, #tpu.memory_space<vmem>>[vector<16xi32>], vector<16xf32>,
      %dma_wait3A_786 = arith.constant 0 : i32
      %dma_wait3A_787 = arith.constant 2 : i32
      %dma_wait3A_788 = arith.constant 0 : i32
      %dma_wait3A_789 = arith.constant 0 : i32
      %dma_wait3A_790 = tpu.memref_slice %arg11[%dma_wait3A_786, %dma_wait3A_788, %dma_wait3A_789] : memref<2x128x128xf32, #tpu.memory_space<vmem>> -> memref<1x128x128xf32, #tpu.memory_space<vmem>>
      %dma_wait3A_791 = tpu.memref_squeeze %dma_wait3A_790 : memref<1x128x128xf32, #tpu.memory_space<vmem>> -> memref<128x128xf32, #tpu.memory_space<vmem>>
      %dma_wait3A_792 = arith.constant 0 : i32
      %dma_wait3A_793 = tpu.memref_slice %arg10[%dma_wait3A_787, %dma_wait3A_792] : memref<8x128xi32, #tpu.memory_space<vmem>> -> memref<1x128xi32, #tpu.memory_space<vmem>>
      %dma_wait3A_794 = tpu.memref_squeeze %dma_wait3A_793 : memref<1x128xi32, #tpu.memory_space<vmem>> -> memref<128xi32, #tpu.memory_space<vmem>>
      %dma_wait3A_795 = arith.constant 0 : i32
      %dma_wait3A_796 = arith.constant 0 : i32
      %dma_wait3A_797 = tpu.memref_slice %arg13[%dma_wait3A_795, %dma_wait3A_796] : memref<10240x128xf32, #tpu.memory_space<vmem_shared>> -> memref<10240x128xf32, #tpu.memory_space<vmem_shared>>
      tpu.wait_indirect_dma semaphore(%arg16 : memref<!tpu.dma_semaphore, #tpu.memory_space<semaphore_mem>>) src(%dma_wait3A_791 : memref<128x128xf32, #tpu.memory_space<vmem>>) dst(%dma_wait3A_797 : memref<10240x128xf32, #tpu.memory_space<vmem_shared>>)
      %dma_start3A_798 = arith.constant 4 : i32
      %dma_start3A_799 = arith.constant 0 : i32
      %dma_start3A_800 = arith.constant 0 : i32
      %dma_start3A_801 = arith.constant 0 : i32
      %dma_start3A_802 = tpu.memref_slice %arg11[%dma_start3A_799, %dma_start3A_800, %dma_start3A_801] : memref<2x128x128xf32, #tpu.memory_space<vmem>> -> memref<1x64x128xf32, #tpu.memory_space<vmem>>
      %dma_start3A_803 = tpu.memref_squeeze %dma_start3A_802 : memref<1x64x128xf32, #tpu.memory_space<vmem>> -> memref<64x128xf32, #tpu.memory_space<vmem>>
      %dma_start3A_804 = arith.constant 0 : i32
      %dma_start3A_805 = tpu.memref_slice %arg9[%dma_start3A_798, %dma_start3A_804] : memref<8x128xi32, #tpu.memory_space<vmem>> -> memref<1x64xi32, #tpu.memory_space<vmem>>
      %dma_start3A_806 = tpu.memref_squeeze %dma_start3A_805 : memref<1x64xi32, #tpu.memory_space<vmem>> -> memref<64xi32, #tpu.memory_space<vmem>>
      %dma_start3A_807 = arith.constant 0 : i32
      %dma_start3A_808 = arith.constant 0 : i32
      %dma_start3A_809 = tpu.memref_slice %arg2[%dma_start3A_807, %dma_start3A_808] : memref<10240x128xf32, #tpu.memory_space<hbm>> -> memref<10240x128xf32, #tpu.memory_space<hbm>>
      tpu.enqueue_indirect_dma source(%dma_start3A_809 : memref<10240x128xf32, #tpu.memory_space<hbm>>) target(%dma_start3A_803 : memref<64x128xf32, #tpu.memory_space<vmem>>) offsets(%dma_start3A_806 : memref<64xi32, #tpu.memory_space<vmem>>) semaphore(%arg14 : memref<!tpu.dma_semaphore, #tpu.memory_space<semaphore_mem>>)
      %dma_start3A_810 = arith.constant 4 : i32
      %dma_start3A_811 = arith.constant 0 : i32
      %dma_start3A_812 = arith.constant 64 : i32
      %dma_start3A_813 = arith.constant 0 : i32
      %dma_start3A_814 = tpu.memref_slice %arg11[%dma_start3A_811, %dma_start3A_812, %dma_start3A_813] : memref<2x128x128xf32, #tpu.memory_space<vmem>> -> memref<1x64x128xf32, #tpu.memory_space<vmem>>
      %dma_start3A_815 = tpu.memref_squeeze %dma_start3A_814 : memref<1x64x128xf32, #tpu.memory_space<vmem>> -> memref<64x128xf32, #tpu.memory_space<vmem>>
      %dma_start3A_816 = arith.constant 64 : i32
      %dma_start3A_817 = tpu.memref_slice %arg9[%dma_start3A_810, %dma_start3A_816] : memref<8x128xi32, #tpu.memory_space<vmem>> -> memref<1x64xi32, #tpu.memory_space<vmem>>
      %dma_start3A_818 = tpu.memref_squeeze %dma_start3A_817 : memref<1x64xi32, #tpu.memory_space<vmem>> -> memref<64xi32, #tpu.memory_space<vmem>>
      %dma_start3A_819 = arith.constant 0 : i32
      %dma_start3A_820 = arith.constant 0 : i32
      %dma_start3A_821 = tpu.memref_slice %arg2[%dma_start3A_819, %dma_start3A_820] : memref<10240x128xf32, #tpu.memory_space<hbm>> -> memref<10240x128xf32, #tpu.memory_space<hbm>>
      tpu.enqueue_indirect_dma source(%dma_start3A_821 : memref<10240x128xf32, #tpu.memory_space<hbm>>) target(%dma_start3A_815 : memref<64x128xf32, #tpu.memory_space<vmem>>) offsets(%dma_start3A_818 : memref<64xi32, #tpu.memory_space<vmem>>) semaphore(%arg15 : memref<!tpu.dma_semaphore, #tpu.memory_space<semaphore_mem>>)
      %dma_wait3A_822 = arith.constant 3 : i32
      %dma_wait3A_823 = arith.constant 1 : i32
      %dma_wait3A_824 = arith.constant 0 : i32
      %dma_wait3A_825 = arith.constant 0 : i32
      %dma_wait3A_826 = tpu.memref_slice %arg11[%dma_wait3A_823, %dma_wait3A_824, %dma_wait3A_825] : memref<2x128x128xf32, #tpu.memory_space<vmem>> -> memref<1x64x128xf32, #tpu.memory_space<vmem>>
      %dma_wait3A_827 = tpu.memref_squeeze %dma_wait3A_826 : memref<1x64x128xf32, #tpu.memory_space<vmem>> -> memref<64x128xf32, #tpu.memory_space<vmem>>
      %dma_wait3A_828 = arith.constant 0 : i32
      %dma_wait3A_829 = tpu.memref_slice %arg9[%dma_wait3A_822, %dma_wait3A_828] : memref<8x128xi32, #tpu.memory_space<vmem>> -> memref<1x64xi32, #tpu.memory_space<vmem>>
      %dma_wait3A_830 = tpu.memref_squeeze %dma_wait3A_829 : memref<1x64xi32, #tpu.memory_space<vmem>> -> memref<64xi32, #tpu.memory_space<vmem>>
      %dma_wait3A_831 = arith.constant 0 : i32
      %dma_wait3A_832 = arith.constant 0 : i32
      %dma_wait3A_833 = tpu.memref_slice %arg2[%dma_wait3A_831, %dma_wait3A_832] : memref<10240x128xf32, #tpu.memory_space<hbm>> -> memref<10240x128xf32, #tpu.memory_space<hbm>>
      tpu.wait_indirect_dma semaphore(%arg14 : memref<!tpu.dma_semaphore, #tpu.memory_space<semaphore_mem>>) src(%dma_wait3A_833 : memref<10240x128xf32, #tpu.memory_space<hbm>>) dst(%dma_wait3A_827 : memref<64x128xf32, #tpu.memory_space<vmem>>)
      %dma_wait3A_834 = arith.constant 3 : i32
      %dma_wait3A_835 = arith.constant 1 : i32
      %dma_wait3A_836 = arith.constant 64 : i32
      %dma_wait3A_837 = arith.constant 0 : i32
      %dma_wait3A_838 = tpu.memref_slice %arg11[%dma_wait3A_835, %dma_wait3A_836, %dma_wait3A_837] : memref<2x128x128xf32, #tpu.memory_space<vmem>> -> memref<1x64x128xf32, #tpu.memory_space<vmem>>
      %dma_wait3A_839 = tpu.memref_squeeze %dma_wait3A_838 : memref<1x64x128xf32, #tpu.memory_space<vmem>> -> memref<64x128xf32, #tpu.memory_space<vmem>>
      %dma_wait3A_840 = arith.constant 64 : i32
      %dma_wait3A_841 = tpu.memref_slice %arg9[%dma_wait3A_834, %dma_wait3A_840] : memref<8x128xi32, #tpu.memory_space<vmem>> -> memref<1x64xi32, #tpu.memory_space<vmem>>
      %dma_wait3A_842 = tpu.memref_squeeze %dma_wait3A_841 : memref<1x64xi32, #tpu.memory_space<vmem>> -> memref<64xi32, #tpu.memory_space<vmem>>
      %dma_wait3A_843 = arith.constant 0 : i32
      %dma_wait3A_844 = arith.constant 0 : i32
      %dma_wait3A_845 = tpu.memref_slice %arg2[%dma_wait3A_843, %dma_wait3A_844] : memref<10240x128xf32, #tpu.memory_space<hbm>> -> memref<10240x128xf32, #tpu.memory_space<hbm>>
      tpu.wait_indirect_dma semaphore(%arg15 : memref<!tpu.dma_semaphore, #tpu.memory_space<semaphore_mem>>) src(%dma_wait3A_845 : memref<10240x128xf32, #tpu.memory_space<hbm>>) dst(%dma_wait3A_839 : memref<64x128xf32, #tpu.memory_space<vmem>>)
      %dma_start3A_846 = arith.constant 1 : i32
      %dma_start3A_847 = arith.constant 3 : i32
      %dma_start3A_848 = arith.constant 0 : i32
      %dma_start3A_849 = arith.constant 0 : i32
      %dma_start3A_850 = tpu.memref_slice %arg11[%dma_start3A_846, %dma_start3A_848, %dma_start3A_849] : memref<2x128x128xf32, #tpu.memory_space<vmem>> -> memref<1x128x128xf32, #tpu.memory_space<vmem>>
      %dma_start3A_851 = tpu.memref_squeeze %dma_start3A_850 : memref<1x128x128xf32, #tpu.memory_space<vmem>> -> memref<128x128xf32, #tpu.memory_space<vmem>>
      %dma_start3A_852 = arith.constant 0 : i32
      %dma_start3A_853 = tpu.memref_slice %arg10[%dma_start3A_847, %dma_start3A_852] : memref<8x128xi32, #tpu.memory_space<vmem>> -> memref<1x128xi32, #tpu.memory_space<vmem>>
      %dma_start3A_854 = tpu.memref_squeeze %dma_start3A_853 : memref<1x128xi32, #tpu.memory_space<vmem>> -> memref<128xi32, #tpu.memory_space<vmem>>
      %dma_start3A_855 = arith.constant 0 : i32
      %dma_start3A_856 = arith.constant 0 : i32
      %dma_start3A_857 = tpu.memref_slice %arg13[%dma_start3A_855, %dma_start3A_856] : memref<10240x128xf32, #tpu.memory_space<vmem_shared>> -> memref<10240x128xf32, #tpu.memory_space<vmem_shared>>
      tpu.enqueue_indirect_dma source(%dma_start3A_851 : memref<128x128xf32, #tpu.memory_space<vmem>>) target(%dma_start3A_857 : memref<10240x128xf32, #tpu.memory_space<vmem_shared>>) offsets(%dma_start3A_854 : memref<128xi32, #tpu.memory_space<vmem>>) semaphore(%arg16 : memref<!tpu.dma_semaphore, #tpu.memory_space<semaphore_mem>>) {add = true}
      %get3A_858 = arith.constant 3 : i32
      %get3A_859 = arith.index_cast %get3A_858 : i32 to index
      %get3A_860 = arith.constant 0 : index
      %get3A_861 = tpu.vector_load %arg10[%get3A_859, %get3A_860] {strides = array<i32>} : memref<8x128xi32, #tpu.memory_space<vmem>>, vector<16xi32>,
      tpu.vector_store_idx %arg12[%get3A_861], %broadcast_in_dim3A_141 {add = true} : memref<10240xf32, #tpu.memory_space<vmem>>[vector<16xi32>], vector<16xf32>,
      %get3A_862 = arith.constant 3 : i32
      %get3A_863 = arith.index_cast %get3A_862 : i32 to index
      %get3A_864 = arith.constant 16 : index
      %get3A_865 = tpu.vector_load %arg10[%get3A_863, %get3A_864] {strides = array<i32>} : memref<8x128xi32, #tpu.memory_space<vmem>>, vector<16xi32>,
      tpu.vector_store_idx %arg12[%get3A_865], %broadcast_in_dim3A_141 {add = true} : memref<10240xf32, #tpu.memory_space<vmem>>[vector<16xi32>], vector<16xf32>,
      %get3A_866 = arith.constant 3 : i32
      %get3A_867 = arith.index_cast %get3A_866 : i32 to index
      %get3A_868 = arith.constant 32 : index
      %get3A_869 = tpu.vector_load %arg10[%get3A_867, %get3A_868] {strides = array<i32>} : memref<8x128xi32, #tpu.memory_space<vmem>>, vector<16xi32>,
      tpu.vector_store_idx %arg12[%get3A_869], %broadcast_in_dim3A_141 {add = true} : memref<10240xf32, #tpu.memory_space<vmem>>[vector<16xi32>], vector<16xf32>,
      %get3A_870 = arith.constant 3 : i32
      %get3A_871 = arith.index_cast %get3A_870 : i32 to index
      %get3A_872 = arith.constant 48 : index
      %get3A_873 = tpu.vector_load %arg10[%get3A_871, %get3A_872] {strides = array<i32>} : memref<8x128xi32, #tpu.memory_space<vmem>>, vector<16xi32>,
      tpu.vector_store_idx %arg12[%get3A_873], %broadcast_in_dim3A_141 {add = true} : memref<10240xf32, #tpu.memory_space<vmem>>[vector<16xi32>], vector<16xf32>,
      %get3A_874 = arith.constant 3 : i32
      %get3A_875 = arith.index_cast %get3A_874 : i32 to index
      %get3A_876 = arith.constant 64 : index
      %get3A_877 = tpu.vector_load %arg10[%get3A_875, %get3A_876] {strides = array<i32>} : memref<8x128xi32, #tpu.memory_space<vmem>>, vector<16xi32>,
      tpu.vector_store_idx %arg12[%get3A_877], %broadcast_in_dim3A_141 {add = true} : memref<10240xf32, #tpu.memory_space<vmem>>[vector<16xi32>], vector<16xf32>,
      %get3A_878 = arith.constant 3 : i32
      %get3A_879 = arith.index_cast %get3A_878 : i32 to index
      %get3A_880 = arith.constant 80 : index
      %get3A_881 = tpu.vector_load %arg10[%get3A_879, %get3A_880] {strides = array<i32>} : memref<8x128xi32, #tpu.memory_space<vmem>>, vector<16xi32>,
      tpu.vector_store_idx %arg12[%get3A_881], %broadcast_in_dim3A_141 {add = true} : memref<10240xf32, #tpu.memory_space<vmem>>[vector<16xi32>], vector<16xf32>,
      %get3A_882 = arith.constant 3 : i32
      %get3A_883 = arith.index_cast %get3A_882 : i32 to index
      %get3A_884 = arith.constant 96 : index
      %get3A_885 = tpu.vector_load %arg10[%get3A_883, %get3A_884] {strides = array<i32>} : memref<8x128xi32, #tpu.memory_space<vmem>>, vector<16xi32>,
      tpu.vector_store_idx %arg12[%get3A_885], %broadcast_in_dim3A_141 {add = true} : memref<10240xf32, #tpu.memory_space<vmem>>[vector<16xi32>], vector<16xf32>,
      %get3A_886 = arith.constant 3 : i32
      %get3A_887 = arith.index_cast %get3A_886 : i32 to index
      %get3A_888 = arith.constant 112 : index
      %get3A_889 = tpu.vector_load %arg10[%get3A_887, %get3A_888] {strides = array<i32>} : memref<8x128xi32, #tpu.memory_space<vmem>>, vector<16xi32>,
      tpu.vector_store_idx %arg12[%get3A_889], %broadcast_in_dim3A_141 {add = true} : memref<10240xf32, #tpu.memory_space<vmem>>[vector<16xi32>], vector<16xf32>,
      %dma_wait3A_890 = arith.constant 1 : i32
      %dma_wait3A_891 = arith.constant 3 : i32
      %dma_wait3A_892 = arith.constant 0 : i32
      %dma_wait3A_893 = arith.constant 0 : i32
      %dma_wait3A_894 = tpu.memref_slice %arg11[%dma_wait3A_890, %dma_wait3A_892, %dma_wait3A_893] : memref<2x128x128xf32, #tpu.memory_space<vmem>> -> memref<1x128x128xf32, #tpu.memory_space<vmem>>
      %dma_wait3A_895 = tpu.memref_squeeze %dma_wait3A_894 : memref<1x128x128xf32, #tpu.memory_space<vmem>> -> memref<128x128xf32, #tpu.memory_space<vmem>>
      %dma_wait3A_896 = arith.constant 0 : i32
      %dma_wait3A_897 = tpu.memref_slice %arg10[%dma_wait3A_891, %dma_wait3A_896] : memref<8x128xi32, #tpu.memory_space<vmem>> -> memref<1x128xi32, #tpu.memory_space<vmem>>
      %dma_wait3A_898 = tpu.memref_squeeze %dma_wait3A_897 : memref<1x128xi32, #tpu.memory_space<vmem>> -> memref<128xi32, #tpu.memory_space<vmem>>
      %dma_wait3A_899 = arith.constant 0 : i32
      %dma_wait3A_900 = arith.constant 0 : i32
      %dma_wait3A_901 = tpu.memref_slice %arg13[%dma_wait3A_899, %dma_wait3A_900] : memref<10240x128xf32, #tpu.memory_space<vmem_shared>> -> memref<10240x128xf32, #tpu.memory_space<vmem_shared>>
      tpu.wait_indirect_dma semaphore(%arg16 : memref<!tpu.dma_semaphore, #tpu.memory_space<semaphore_mem>>) src(%dma_wait3A_895 : memref<128x128xf32, #tpu.memory_space<vmem>>) dst(%dma_wait3A_901 : memref<10240x128xf32, #tpu.memory_space<vmem_shared>>)
      %dma_start3A_902 = arith.constant 5 : i32
      %dma_start3A_903 = arith.constant 1 : i32
      %dma_start3A_904 = arith.constant 0 : i32
      %dma_start3A_905 = arith.constant 0 : i32
      %dma_start3A_906 = tpu.memref_slice %arg11[%dma_start3A_903, %dma_start3A_904, %dma_start3A_905] : memref<2x128x128xf32, #tpu.memory_space<vmem>> -> memref<1x64x128xf32, #tpu.memory_space<vmem>>
      %dma_start3A_907 = tpu.memref_squeeze %dma_start3A_906 : memref<1x64x128xf32, #tpu.memory_space<vmem>> -> memref<64x128xf32, #tpu.memory_space<vmem>>
      %dma_start3A_908 = arith.constant 0 : i32
      %dma_start3A_909 = tpu.memref_slice %arg9[%dma_start3A_902, %dma_start3A_908] : memref<8x128xi32, #tpu.memory_space<vmem>> -> memref<1x64xi32, #tpu.memory_space<vmem>>
      %dma_start3A_910 = tpu.memref_squeeze %dma_start3A_909 : memref<1x64xi32, #tpu.memory_space<vmem>> -> memref<64xi32, #tpu.memory_space<vmem>>
      %dma_start3A_911 = arith.constant 0 : i32
      %dma_start3A_912 = arith.constant 0 : i32
      %dma_start3A_913 = tpu.memref_slice %arg2[%dma_start3A_911, %dma_start3A_912] : memref<10240x128xf32, #tpu.memory_space<hbm>> -> memref<10240x128xf32, #tpu.memory_space<hbm>>
      tpu.enqueue_indirect_dma source(%dma_start3A_913 : memref<10240x128xf32, #tpu.memory_space<hbm>>) target(%dma_start3A_907 : memref<64x128xf32, #tpu.memory_space<vmem>>) offsets(%dma_start3A_910 : memref<64xi32, #tpu.memory_space<vmem>>) semaphore(%arg14 : memref<!tpu.dma_semaphore, #tpu.memory_space<semaphore_mem>>)
      %dma_start3A_914 = arith.constant 5 : i32
      %dma_start3A_915 = arith.constant 1 : i32
      %dma_start3A_916 = arith.constant 64 : i32
      %dma_start3A_917 = arith.constant 0 : i32
      %dma_start3A_918 = tpu.memref_slice %arg11[%dma_start3A_915, %dma_start3A_916, %dma_start3A_917] : memref<2x128x128xf32, #tpu.memory_space<vmem>> -> memref<1x64x128xf32, #tpu.memory_space<vmem>>
      %dma_start3A_919 = tpu.memref_squeeze %dma_start3A_918 : memref<1x64x128xf32, #tpu.memory_space<vmem>> -> memref<64x128xf32, #tpu.memory_space<vmem>>
      %dma_start3A_920 = arith.constant 64 : i32
      %dma_start3A_921 = tpu.memref_slice %arg9[%dma_start3A_914, %dma_start3A_920] : memref<8x128xi32, #tpu.memory_space<vmem>> -> memref<1x64xi32, #tpu.memory_space<vmem>>
      %dma_start3A_922 = tpu.memref_squeeze %dma_start3A_921 : memref<1x64xi32, #tpu.memory_space<vmem>> -> memref<64xi32, #tpu.memory_space<vmem>>
      %dma_start3A_923 = arith.constant 0 : i32
      %dma_start3A_924 = arith.constant 0 : i32
      %dma_start3A_925 = tpu.memref_slice %arg2[%dma_start3A_923, %dma_start3A_924] : memref<10240x128xf32, #tpu.memory_space<hbm>> -> memref<10240x128xf32, #tpu.memory_space<hbm>>
      tpu.enqueue_indirect_dma source(%dma_start3A_925 : memref<10240x128xf32, #tpu.memory_space<hbm>>) target(%dma_start3A_919 : memref<64x128xf32, #tpu.memory_space<vmem>>) offsets(%dma_start3A_922 : memref<64xi32, #tpu.memory_space<vmem>>) semaphore(%arg15 : memref<!tpu.dma_semaphore, #tpu.memory_space<semaphore_mem>>)
      %dma_wait3A_926 = arith.constant 4 : i32
      %dma_wait3A_927 = arith.constant 0 : i32
      %dma_wait3A_928 = arith.constant 0 : i32
      %dma_wait3A_929 = arith.constant 0 : i32
      %dma_wait3A_930 = tpu.memref_slice %arg11[%dma_wait3A_927, %dma_wait3A_928, %dma_wait3A_929] : memref<2x128x128xf32, #tpu.memory_space<vmem>> -> memref<1x64x128xf32, #tpu.memory_space<vmem>>
      %dma_wait3A_931 = tpu.memref_squeeze %dma_wait3A_930 : memref<1x64x128xf32, #tpu.memory_space<vmem>> -> memref<64x128xf32, #tpu.memory_space<vmem>>
      %dma_wait3A_932 = arith.constant 0 : i32
      %dma_wait3A_933 = tpu.memref_slice %arg9[%dma_wait3A_926, %dma_wait3A_932] : memref<8x128xi32, #tpu.memory_space<vmem>> -> memref<1x64xi32, #tpu.memory_space<vmem>>
      %dma_wait3A_934 = tpu.memref_squeeze %dma_wait3A_933 : memref<1x64xi32, #tpu.memory_space<vmem>> -> memref<64xi32, #tpu.memory_space<vmem>>
      %dma_wait3A_935 = arith.constant 0 : i32
      %dma_wait3A_936 = arith.constant 0 : i32
      %dma_wait3A_937 = tpu.memref_slice %arg2[%dma_wait3A_935, %dma_wait3A_936] : memref<10240x128xf32, #tpu.memory_space<hbm>> -> memref<10240x128xf32, #tpu.memory_space<hbm>>
      tpu.wait_indirect_dma semaphore(%arg14 : memref<!tpu.dma_semaphore, #tpu.memory_space<semaphore_mem>>) src(%dma_wait3A_937 : memref<10240x128xf32, #tpu.memory_space<hbm>>) dst(%dma_wait3A_931 : memref<64x128xf32, #tpu.memory_space<vmem>>)
      %dma_wait3A_938 = arith.constant 4 : i32
      %dma_wait3A_939 = arith.constant 0 : i32
      %dma_wait3A_940 = arith.constant 64 : i32
      %dma_wait3A_941 = arith.constant 0 : i32
      %dma_wait3A_942 = tpu.memref_slice %arg11[%dma_wait3A_939, %dma_wait3A_940, %dma_wait3A_941] : memref<2x128x128xf32, #tpu.memory_space<vmem>> -> memref<1x64x128xf32, #tpu.memory_space<vmem>>
      %dma_wait3A_943 = tpu.memref_squeeze %dma_wait3A_942 : memref<1x64x128xf32, #tpu.memory_space<vmem>> -> memref<64x128xf32, #tpu.memory_space<vmem>>
      %dma_wait3A_944 = arith.constant 64 : i32
      %dma_wait3A_945 = tpu.memref_slice %arg9[%dma_wait3A_938, %dma_wait3A_944] : memref<8x128xi32, #tpu.memory_space<vmem>> -> memref<1x64xi32, #tpu.memory_space<vmem>>
      %dma_wait3A_946 = tpu.memref_squeeze %dma_wait3A_945 : memref<1x64xi32, #tpu.memory_space<vmem>> -> memref<64xi32, #tpu.memory_space<vmem>>
      %dma_wait3A_947 = arith.constant 0 : i32
      %dma_wait3A_948 = arith.constant 0 : i32
      %dma_wait3A_949 = tpu.memref_slice %arg2[%dma_wait3A_947, %dma_wait3A_948] : memref<10240x128xf32, #tpu.memory_space<hbm>> -> memref<10240x128xf32, #tpu.memory_space<hbm>>
      tpu.wait_indirect_dma semaphore(%arg15 : memref<!tpu.dma_semaphore, #tpu.memory_space<semaphore_mem>>) src(%dma_wait3A_949 : memref<10240x128xf32, #tpu.memory_space<hbm>>) dst(%dma_wait3A_943 : memref<64x128xf32, #tpu.memory_space<vmem>>)
      %dma_start3A_950 = arith.constant 0 : i32
      %dma_start3A_951 = arith.constant 4 : i32
      %dma_start3A_952 = arith.constant 0 : i32
      %dma_start3A_953 = arith.constant 0 : i32
      %dma_start3A_954 = tpu.memref_slice %arg11[%dma_start3A_950, %dma_start3A_952, %dma_start3A_953] : memref<2x128x128xf32, #tpu.memory_space<vmem>> -> memref<1x128x128xf32, #tpu.memory_space<vmem>>
      %dma_start3A_955 = tpu.memref_squeeze %dma_start3A_954 : memref<1x128x128xf32, #tpu.memory_space<vmem>> -> memref<128x128xf32, #tpu.memory_space<vmem>>
      %dma_start3A_956 = arith.constant 0 : i32
      %dma_start3A_957 = tpu.memref_slice %arg10[%dma_start3A_951, %dma_start3A_956] : memref<8x128xi32, #tpu.memory_space<vmem>> -> memref<1x128xi32, #tpu.memory_space<vmem>>
      %dma_start3A_958 = tpu.memref_squeeze %dma_start3A_957 : memref<1x128xi32, #tpu.memory_space<vmem>> -> memref<128xi32, #tpu.memory_space<vmem>>
      %dma_start3A_959 = arith.constant 0 : i32
      %dma_start3A_960 = arith.constant 0 : i32
      %dma_start3A_961 = tpu.memref_slice %arg13[%dma_start3A_959, %dma_start3A_960] : memref<10240x128xf32, #tpu.memory_space<vmem_shared>> -> memref<10240x128xf32, #tpu.memory_space<vmem_shared>>
      tpu.enqueue_indirect_dma source(%dma_start3A_955 : memref<128x128xf32, #tpu.memory_space<vmem>>) target(%dma_start3A_961 : memref<10240x128xf32, #tpu.memory_space<vmem_shared>>) offsets(%dma_start3A_958 : memref<128xi32, #tpu.memory_space<vmem>>) semaphore(%arg16 : memref<!tpu.dma_semaphore, #tpu.memory_space<semaphore_mem>>) {add = true}
      %get3A_962 = arith.constant 4 : i32
      %get3A_963 = arith.index_cast %get3A_962 : i32 to index
      %get3A_964 = arith.constant 0 : index
      %get3A_965 = tpu.vector_load %arg10[%get3A_963, %get3A_964] {strides = array<i32>} : memref<8x128xi32, #tpu.memory_space<vmem>>, vector<16xi32>,
      tpu.vector_store_idx %arg12[%get3A_965], %broadcast_in_dim3A_141 {add = true} : memref<10240xf32, #tpu.memory_space<vmem>>[vector<16xi32>], vector<16xf32>,
      %get3A_966 = arith.constant 4 : i32
      %get3A_967 = arith.index_cast %get3A_966 : i32 to index
      %get3A_968 = arith.constant 16 : index
      %get3A_969 = tpu.vector_load %arg10[%get3A_967, %get3A_968] {strides = array<i32>} : memref<8x128xi32, #tpu.memory_space<vmem>>, vector<16xi32>,
      tpu.vector_store_idx %arg12[%get3A_969], %broadcast_in_dim3A_141 {add = true} : memref<10240xf32, #tpu.memory_space<vmem>>[vector<16xi32>], vector<16xf32>,
      %get3A_970 = arith.constant 4 : i32
      %get3A_971 = arith.index_cast %get3A_970 : i32 to index
      %get3A_972 = arith.constant 32 : index
      %get3A_973 = tpu.vector_load %arg10[%get3A_971, %get3A_972] {strides = array<i32>} : memref<8x128xi32, #tpu.memory_space<vmem>>, vector<16xi32>,
      tpu.vector_store_idx %arg12[%get3A_973], %broadcast_in_dim3A_141 {add = true} : memref<10240xf32, #tpu.memory_space<vmem>>[vector<16xi32>], vector<16xf32>,
      %get3A_974 = arith.constant 4 : i32
      %get3A_975 = arith.index_cast %get3A_974 : i32 to index
      %get3A_976 = arith.constant 48 : index
      %get3A_977 = tpu.vector_load %arg10[%get3A_975, %get3A_976] {strides = array<i32>} : memref<8x128xi32, #tpu.memory_space<vmem>>, vector<16xi32>,
      tpu.vector_store_idx %arg12[%get3A_977], %broadcast_in_dim3A_141 {add = true} : memref<10240xf32, #tpu.memory_space<vmem>>[vector<16xi32>], vector<16xf32>,
      %get3A_978 = arith.constant 4 : i32
      %get3A_979 = arith.index_cast %get3A_978 : i32 to index
      %get3A_980 = arith.constant 64 : index
      %get3A_981 = tpu.vector_load %arg10[%get3A_979, %get3A_980] {strides = array<i32>} : memref<8x128xi32, #tpu.memory_space<vmem>>, vector<16xi32>,
      tpu.vector_store_idx %arg12[%get3A_981], %broadcast_in_dim3A_141 {add = true} : memref<10240xf32, #tpu.memory_space<vmem>>[vector<16xi32>], vector<16xf32>,
      %get3A_982 = arith.constant 4 : i32
      %get3A_983 = arith.index_cast %get3A_982 : i32 to index
      %get3A_984 = arith.constant 80 : index
      %get3A_985 = tpu.vector_load %arg10[%get3A_983, %get3A_984] {strides = array<i32>} : memref<8x128xi32, #tpu.memory_space<vmem>>, vector<16xi32>,
      tpu.vector_store_idx %arg12[%get3A_985], %broadcast_in_dim3A_141 {add = true} : memref<10240xf32, #tpu.memory_space<vmem>>[vector<16xi32>], vector<16xf32>,
      %get3A_986 = arith.constant 4 : i32
      %get3A_987 = arith.index_cast %get3A_986 : i32 to index
      %get3A_988 = arith.constant 96 : index
      %get3A_989 = tpu.vector_load %arg10[%get3A_987, %get3A_988] {strides = array<i32>} : memref<8x128xi32, #tpu.memory_space<vmem>>, vector<16xi32>,
      tpu.vector_store_idx %arg12[%get3A_989], %broadcast_in_dim3A_141 {add = true} : memref<10240xf32, #tpu.memory_space<vmem>>[vector<16xi32>], vector<16xf32>,
      %get3A_990 = arith.constant 4 : i32
      %get3A_991 = arith.index_cast %get3A_990 : i32 to index
      %get3A_992 = arith.constant 112 : index
      %get3A_993 = tpu.vector_load %arg10[%get3A_991, %get3A_992] {strides = array<i32>} : memref<8x128xi32, #tpu.memory_space<vmem>>, vector<16xi32>,
      tpu.vector_store_idx %arg12[%get3A_993], %broadcast_in_dim3A_141 {add = true} : memref<10240xf32, #tpu.memory_space<vmem>>[vector<16xi32>], vector<16xf32>,
      %dma_wait3A_994 = arith.constant 0 : i32
      %dma_wait3A_995 = arith.constant 4 : i32
      %dma_wait3A_996 = arith.constant 0 : i32
      %dma_wait3A_997 = arith.constant 0 : i32
      %dma_wait3A_998 = tpu.memref_slice %arg11[%dma_wait3A_994, %dma_wait3A_996, %dma_wait3A_997] : memref<2x128x128xf32, #tpu.memory_space<vmem>> -> memref<1x128x128xf32, #tpu.memory_space<vmem>>
      %dma_wait3A_999 = tpu.memref_squeeze %dma_wait3A_998 : memref<1x128x128xf32, #tpu.memory_space<vmem>> -> memref<128x128xf32, #tpu.memory_space<vmem>>
      %dma_wait3A_1000 = arith.constant 0 : i32
      %dma_wait3A_1001 = tpu.memref_slice %arg10[%dma_wait3A_995, %dma_wait3A_1000] : memref<8x128xi32, #tpu.memory_space<vmem>> -> memref<1x128xi32, #tpu.memory_space<vmem>>
      %dma_wait3A_1002 = tpu.memref_squeeze %dma_wait3A_1001 : memref<1x128xi32, #tpu.memory_space<vmem>> -> memref<128xi32, #tpu.memory_space<vmem>>
      %dma_wait3A_1003 = arith.constant 0 : i32
      %dma_wait3A_1004 = arith.constant 0 : i32
      %dma_wait3A_1005 = tpu.memref_slice %arg13[%dma_wait3A_1003, %dma_wait3A_1004] : memref<10240x128xf32, #tpu.memory_space<vmem_shared>> -> memref<10240x128xf32, #tpu.memory_space<vmem_shared>>
      tpu.wait_indirect_dma semaphore(%arg16 : memref<!tpu.dma_semaphore, #tpu.memory_space<semaphore_mem>>) src(%dma_wait3A_999 : memref<128x128xf32, #tpu.memory_space<vmem>>) dst(%dma_wait3A_1005 : memref<10240x128xf32, #tpu.memory_space<vmem_shared>>)
      %dma_start3A_1006 = arith.constant 6 : i32
      %dma_start3A_1007 = arith.constant 0 : i32
      %dma_start3A_1008 = arith.constant 0 : i32
      %dma_start3A_1009 = arith.constant 0 : i32
      %dma_start3A_1010 = tpu.memref_slice %arg11[%dma_start3A_1007, %dma_start3A_1008, %dma_start3A_1009] : memref<2x128x128xf32, #tpu.memory_space<vmem>> -> memref<1x64x128xf32, #tpu.memory_space<vmem>>
      %dma_start3A_1011 = tpu.memref_squeeze %dma_start3A_1010 : memref<1x64x128xf32, #tpu.memory_space<vmem>> -> memref<64x128xf32, #tpu.memory_space<vmem>>
      %dma_start3A_1012 = arith.constant 0 : i32
      %dma_start3A_1013 = tpu.memref_slice %arg9[%dma_start3A_1006, %dma_start3A_1012] : memref<8x128xi32, #tpu.memory_space<vmem>> -> memref<1x64xi32, #tpu.memory_space<vmem>>
      %dma_start3A_1014 = tpu.memref_squeeze %dma_start3A_1013 : memref<1x64xi32, #tpu.memory_space<vmem>> -> memref<64xi32, #tpu.memory_space<vmem>>
      %dma_start3A_1015 = arith.constant 0 : i32
      %dma_start3A_1016 = arith.constant 0 : i32
      %dma_start3A_1017 = tpu.memref_slice %arg2[%dma_start3A_1015, %dma_start3A_1016] : memref<10240x128xf32, #tpu.memory_space<hbm>> -> memref<10240x128xf32, #tpu.memory_space<hbm>>
      tpu.enqueue_indirect_dma source(%dma_start3A_1017 : memref<10240x128xf32, #tpu.memory_space<hbm>>) target(%dma_start3A_1011 : memref<64x128xf32, #tpu.memory_space<vmem>>) offsets(%dma_start3A_1014 : memref<64xi32, #tpu.memory_space<vmem>>) semaphore(%arg14 : memref<!tpu.dma_semaphore, #tpu.memory_space<semaphore_mem>>)
      %dma_start3A_1018 = arith.constant 6 : i32
      %dma_start3A_1019 = arith.constant 0 : i32
      %dma_start3A_1020 = arith.constant 64 : i32
      %dma_start3A_1021 = arith.constant 0 : i32
      %dma_start3A_1022 = tpu.memref_slice %arg11[%dma_start3A_1019, %dma_start3A_1020, %dma_start3A_1021] : memref<2x128x128xf32, #tpu.memory_space<vmem>> -> memref<1x64x128xf32, #tpu.memory_space<vmem>>
      %dma_start3A_1023 = tpu.memref_squeeze %dma_start3A_1022 : memref<1x64x128xf32, #tpu.memory_space<vmem>> -> memref<64x128xf32, #tpu.memory_space<vmem>>
      %dma_start3A_1024 = arith.constant 64 : i32
      %dma_start3A_1025 = tpu.memref_slice %arg9[%dma_start3A_1018, %dma_start3A_1024] : memref<8x128xi32, #tpu.memory_space<vmem>> -> memref<1x64xi32, #tpu.memory_space<vmem>>
      %dma_start3A_1026 = tpu.memref_squeeze %dma_start3A_1025 : memref<1x64xi32, #tpu.memory_space<vmem>> -> memref<64xi32, #tpu.memory_space<vmem>>
      %dma_start3A_1027 = arith.constant 0 : i32
      %dma_start3A_1028 = arith.constant 0 : i32
      %dma_start3A_1029 = tpu.memref_slice %arg2[%dma_start3A_1027, %dma_start3A_1028] : memref<10240x128xf32, #tpu.memory_space<hbm>> -> memref<10240x128xf32, #tpu.memory_space<hbm>>
      tpu.enqueue_indirect_dma source(%dma_start3A_1029 : memref<10240x128xf32, #tpu.memory_space<hbm>>) target(%dma_start3A_1023 : memref<64x128xf32, #tpu.memory_space<vmem>>) offsets(%dma_start3A_1026 : memref<64xi32, #tpu.memory_space<vmem>>) semaphore(%arg15 : memref<!tpu.dma_semaphore, #tpu.memory_space<semaphore_mem>>)
      %dma_wait3A_1030 = arith.constant 5 : i32
      %dma_wait3A_1031 = arith.constant 1 : i32
      %dma_wait3A_1032 = arith.constant 0 : i32
      %dma_wait3A_1033 = arith.constant 0 : i32
      %dma_wait3A_1034 = tpu.memref_slice %arg11[%dma_wait3A_1031, %dma_wait3A_1032, %dma_wait3A_1033] : memref<2x128x128xf32, #tpu.memory_space<vmem>> -> memref<1x64x128xf32, #tpu.memory_space<vmem>>
      %dma_wait3A_1035 = tpu.memref_squeeze %dma_wait3A_1034 : memref<1x64x128xf32, #tpu.memory_space<vmem>> -> memref<64x128xf32, #tpu.memory_space<vmem>>
      %dma_wait3A_1036 = arith.constant 0 : i32
      %dma_wait3A_1037 = tpu.memref_slice %arg9[%dma_wait3A_1030, %dma_wait3A_1036] : memref<8x128xi32, #tpu.memory_space<vmem>> -> memref<1x64xi32, #tpu.memory_space<vmem>>
      %dma_wait3A_1038 = tpu.memref_squeeze %dma_wait3A_1037 : memref<1x64xi32, #tpu.memory_space<vmem>> -> memref<64xi32, #tpu.memory_space<vmem>>
      %dma_wait3A_1039 = arith.constant 0 : i32
      %dma_wait3A_1040 = arith.constant 0 : i32
      %dma_wait3A_1041 = tpu.memref_slice %arg2[%dma_wait3A_1039, %dma_wait3A_1040] : memref<10240x128xf32, #tpu.memory_space<hbm>> -> memref<10240x128xf32, #tpu.memory_space<hbm>>
      tpu.wait_indirect_dma semaphore(%arg14 : memref<!tpu.dma_semaphore, #tpu.memory_space<semaphore_mem>>) src(%dma_wait3A_1041 : memref<10240x128xf32, #tpu.memory_space<hbm>>) dst(%dma_wait3A_1035 : memref<64x128xf32, #tpu.memory_space<vmem>>)
      %dma_wait3A_1042 = arith.constant 5 : i32
      %dma_wait3A_1043 = arith.constant 1 : i32
      %dma_wait3A_1044 = arith.constant 64 : i32
      %dma_wait3A_1045 = arith.constant 0 : i32
      %dma_wait3A_1046 = tpu.memref_slice %arg11[%dma_wait3A_1043, %dma_wait3A_1044, %dma_wait3A_1045] : memref<2x128x128xf32, #tpu.memory_space<vmem>> -> memref<1x64x128xf32, #tpu.memory_space<vmem>>
      %dma_wait3A_1047 = tpu.memref_squeeze %dma_wait3A_1046 : memref<1x64x128xf32, #tpu.memory_space<vmem>> -> memref<64x128xf32, #tpu.memory_space<vmem>>
      %dma_wait3A_1048 = arith.constant 64 : i32
      %dma_wait3A_1049 = tpu.memref_slice %arg9[%dma_wait3A_1042, %dma_wait3A_1048] : memref<8x128xi32, #tpu.memory_space<vmem>> -> memref<1x64xi32, #tpu.memory_space<vmem>>
      %dma_wait3A_1050 = tpu.memref_squeeze %dma_wait3A_1049 : memref<1x64xi32, #tpu.memory_space<vmem>> -> memref<64xi32, #tpu.memory_space<vmem>>
      %dma_wait3A_1051 = arith.constant 0 : i32
      %dma_wait3A_1052 = arith.constant 0 : i32
      %dma_wait3A_1053 = tpu.memref_slice %arg2[%dma_wait3A_1051, %dma_wait3A_1052] : memref<10240x128xf32, #tpu.memory_space<hbm>> -> memref<10240x128xf32, #tpu.memory_space<hbm>>
      tpu.wait_indirect_dma semaphore(%arg15 : memref<!tpu.dma_semaphore, #tpu.memory_space<semaphore_mem>>) src(%dma_wait3A_1053 : memref<10240x128xf32, #tpu.memory_space<hbm>>) dst(%dma_wait3A_1047 : memref<64x128xf32, #tpu.memory_space<vmem>>)
      %dma_start3A_1054 = arith.constant 1 : i32
      %dma_start3A_1055 = arith.constant 5 : i32
      %dma_start3A_1056 = arith.constant 0 : i32
      %dma_start3A_1057 = arith.constant 0 : i32
      %dma_start3A_1058 = tpu.memref_slice %arg11[%dma_start3A_1054, %dma_start3A_1056, %dma_start3A_1057] : memref<2x128x128xf32, #tpu.memory_space<vmem>> -> memref<1x128x128xf32, #tpu.memory_space<vmem>>
      %dma_start3A_1059 = tpu.memref_squeeze %dma_start3A_1058 : memref<1x128x128xf32, #tpu.memory_space<vmem>> -> memref<128x128xf32, #tpu.memory_space<vmem>>
      %dma_start3A_1060 = arith.constant 0 : i32
      %dma_start3A_1061 = tpu.memref_slice %arg10[%dma_start3A_1055, %dma_start3A_1060] : memref<8x128xi32, #tpu.memory_space<vmem>> -> memref<1x128xi32, #tpu.memory_space<vmem>>
      %dma_start3A_1062 = tpu.memref_squeeze %dma_start3A_1061 : memref<1x128xi32, #tpu.memory_space<vmem>> -> memref<128xi32, #tpu.memory_space<vmem>>
      %dma_start3A_1063 = arith.constant 0 : i32
      %dma_start3A_1064 = arith.constant 0 : i32
      %dma_start3A_1065 = tpu.memref_slice %arg13[%dma_start3A_1063, %dma_start3A_1064] : memref<10240x128xf32, #tpu.memory_space<vmem_shared>> -> memref<10240x128xf32, #tpu.memory_space<vmem_shared>>
      tpu.enqueue_indirect_dma source(%dma_start3A_1059 : memref<128x128xf32, #tpu.memory_space<vmem>>) target(%dma_start3A_1065 : memref<10240x128xf32, #tpu.memory_space<vmem_shared>>) offsets(%dma_start3A_1062 : memref<128xi32, #tpu.memory_space<vmem>>) semaphore(%arg16 : memref<!tpu.dma_semaphore, #tpu.memory_space<semaphore_mem>>) {add = true}
      %get3A_1066 = arith.constant 5 : i32
      %get3A_1067 = arith.index_cast %get3A_1066 : i32 to index
      %get3A_1068 = arith.constant 0 : index
      %get3A_1069 = tpu.vector_load %arg10[%get3A_1067, %get3A_1068] {strides = array<i32>} : memref<8x128xi32, #tpu.memory_space<vmem>>, vector<16xi32>,
      tpu.vector_store_idx %arg12[%get3A_1069], %broadcast_in_dim3A_141 {add = true} : memref<10240xf32, #tpu.memory_space<vmem>>[vector<16xi32>], vector<16xf32>,
      %get3A_1070 = arith.constant 5 : i32
      %get3A_1071 = arith.index_cast %get3A_1070 : i32 to index
      %get3A_1072 = arith.constant 16 : index
      %get3A_1073 = tpu.vector_load %arg10[%get3A_1071, %get3A_1072] {strides = array<i32>} : memref<8x128xi32, #tpu.memory_space<vmem>>, vector<16xi32>,
      tpu.vector_store_idx %arg12[%get3A_1073], %broadcast_in_dim3A_141 {add = true} : memref<10240xf32, #tpu.memory_space<vmem>>[vector<16xi32>], vector<16xf32>,
      %get3A_1074 = arith.constant 5 : i32
      %get3A_1075 = arith.index_cast %get3A_1074 : i32 to index
      %get3A_1076 = arith.constant 32 : index
      %get3A_1077 = tpu.vector_load %arg10[%get3A_1075, %get3A_1076] {strides = array<i32>} : memref<8x128xi32, #tpu.memory_space<vmem>>, vector<16xi32>,
      tpu.vector_store_idx %arg12[%get3A_1077], %broadcast_in_dim3A_141 {add = true} : memref<10240xf32, #tpu.memory_space<vmem>>[vector<16xi32>], vector<16xf32>,
      %get3A_1078 = arith.constant 5 : i32
      %get3A_1079 = arith.index_cast %get3A_1078 : i32 to index
      %get3A_1080 = arith.constant 48 : index
      %get3A_1081 = tpu.vector_load %arg10[%get3A_1079, %get3A_1080] {strides = array<i32>} : memref<8x128xi32, #tpu.memory_space<vmem>>, vector<16xi32>,
      tpu.vector_store_idx %arg12[%get3A_1081], %broadcast_in_dim3A_141 {add = true} : memref<10240xf32, #tpu.memory_space<vmem>>[vector<16xi32>], vector<16xf32>,
      %get3A_1082 = arith.constant 5 : i32
      %get3A_1083 = arith.index_cast %get3A_1082 : i32 to index
      %get3A_1084 = arith.constant 64 : index
      %get3A_1085 = tpu.vector_load %arg10[%get3A_1083, %get3A_1084] {strides = array<i32>} : memref<8x128xi32, #tpu.memory_space<vmem>>, vector<16xi32>,
      tpu.vector_store_idx %arg12[%get3A_1085], %broadcast_in_dim3A_141 {add = true} : memref<10240xf32, #tpu.memory_space<vmem>>[vector<16xi32>], vector<16xf32>,
      %get3A_1086 = arith.constant 5 : i32
      %get3A_1087 = arith.index_cast %get3A_1086 : i32 to index
      %get3A_1088 = arith.constant 80 : index
      %get3A_1089 = tpu.vector_load %arg10[%get3A_1087, %get3A_1088] {strides = array<i32>} : memref<8x128xi32, #tpu.memory_space<vmem>>, vector<16xi32>,
      tpu.vector_store_idx %arg12[%get3A_1089], %broadcast_in_dim3A_141 {add = true} : memref<10240xf32, #tpu.memory_space<vmem>>[vector<16xi32>], vector<16xf32>,
      %get3A_1090 = arith.constant 5 : i32
      %get3A_1091 = arith.index_cast %get3A_1090 : i32 to index
      %get3A_1092 = arith.constant 96 : index
      %get3A_1093 = tpu.vector_load %arg10[%get3A_1091, %get3A_1092] {strides = array<i32>} : memref<8x128xi32, #tpu.memory_space<vmem>>, vector<16xi32>,
      tpu.vector_store_idx %arg12[%get3A_1093], %broadcast_in_dim3A_141 {add = true} : memref<10240xf32, #tpu.memory_space<vmem>>[vector<16xi32>], vector<16xf32>,
      %get3A_1094 = arith.constant 5 : i32
      %get3A_1095 = arith.index_cast %get3A_1094 : i32 to index
      %get3A_1096 = arith.constant 112 : index
      %get3A_1097 = tpu.vector_load %arg10[%get3A_1095, %get3A_1096] {strides = array<i32>} : memref<8x128xi32, #tpu.memory_space<vmem>>, vector<16xi32>,
      tpu.vector_store_idx %arg12[%get3A_1097], %broadcast_in_dim3A_141 {add = true} : memref<10240xf32, #tpu.memory_space<vmem>>[vector<16xi32>], vector<16xf32>,
      %dma_wait3A_1098 = arith.constant 1 : i32
      %dma_wait3A_1099 = arith.constant 5 : i32
      %dma_wait3A_1100 = arith.constant 0 : i32
      %dma_wait3A_1101 = arith.constant 0 : i32
      %dma_wait3A_1102 = tpu.memref_slice %arg11[%dma_wait3A_1098, %dma_wait3A_1100, %dma_wait3A_1101] : memref<2x128x128xf32, #tpu.memory_space<vmem>> -> memref<1x128x128xf32, #tpu.memory_space<vmem>>
      %dma_wait3A_1103 = tpu.memref_squeeze %dma_wait3A_1102 : memref<1x128x128xf32, #tpu.memory_space<vmem>> -> memref<128x128xf32, #tpu.memory_space<vmem>>
      %dma_wait3A_1104 = arith.constant 0 : i32
      %dma_wait3A_1105 = tpu.memref_slice %arg10[%dma_wait3A_1099, %dma_wait3A_1104] : memref<8x128xi32, #tpu.memory_space<vmem>> -> memref<1x128xi32, #tpu.memory_space<vmem>>
      %dma_wait3A_1106 = tpu.memref_squeeze %dma_wait3A_1105 : memref<1x128xi32, #tpu.memory_space<vmem>> -> memref<128xi32, #tpu.memory_space<vmem>>
      %dma_wait3A_1107 = arith.constant 0 : i32
      %dma_wait3A_1108 = arith.constant 0 : i32
      %dma_wait3A_1109 = tpu.memref_slice %arg13[%dma_wait3A_1107, %dma_wait3A_1108] : memref<10240x128xf32, #tpu.memory_space<vmem_shared>> -> memref<10240x128xf32, #tpu.memory_space<vmem_shared>>
      tpu.wait_indirect_dma semaphore(%arg16 : memref<!tpu.dma_semaphore, #tpu.memory_space<semaphore_mem>>) src(%dma_wait3A_1103 : memref<128x128xf32, #tpu.memory_space<vmem>>) dst(%dma_wait3A_1109 : memref<10240x128xf32, #tpu.memory_space<vmem_shared>>)
      %dma_start3A_1110 = arith.constant 7 : i32
      %dma_start3A_1111 = arith.constant 1 : i32
      %dma_start3A_1112 = arith.constant 0 : i32
      %dma_start3A_1113 = arith.constant 0 : i32
      %dma_start3A_1114 = tpu.memref_slice %arg11[%dma_start3A_1111, %dma_start3A_1112, %dma_start3A_1113] : memref<2x128x128xf32, #tpu.memory_space<vmem>> -> memref<1x64x128xf32, #tpu.memory_space<vmem>>
      %dma_start3A_1115 = tpu.memref_squeeze %dma_start3A_1114 : memref<1x64x128xf32, #tpu.memory_space<vmem>> -> memref<64x128xf32, #tpu.memory_space<vmem>>
      %dma_start3A_1116 = arith.constant 0 : i32
      %dma_start3A_1117 = tpu.memref_slice %arg9[%dma_start3A_1110, %dma_start3A_1116] : memref<8x128xi32, #tpu.memory_space<vmem>> -> memref<1x64xi32, #tpu.memory_space<vmem>>
      %dma_start3A_1118 = tpu.memref_squeeze %dma_start3A_1117 : memref<1x64xi32, #tpu.memory_space<vmem>> -> memref<64xi32, #tpu.memory_space<vmem>>
      %dma_start3A_1119 = arith.constant 0 : i32
      %dma_start3A_1120 = arith.constant 0 : i32
      %dma_start3A_1121 = tpu.memref_slice %arg2[%dma_start3A_1119, %dma_start3A_1120] : memref<10240x128xf32, #tpu.memory_space<hbm>> -> memref<10240x128xf32, #tpu.memory_space<hbm>>
      tpu.enqueue_indirect_dma source(%dma_start3A_1121 : memref<10240x128xf32, #tpu.memory_space<hbm>>) target(%dma_start3A_1115 : memref<64x128xf32, #tpu.memory_space<vmem>>) offsets(%dma_start3A_1118 : memref<64xi32, #tpu.memory_space<vmem>>) semaphore(%arg14 : memref<!tpu.dma_semaphore, #tpu.memory_space<semaphore_mem>>)
      %dma_start3A_1122 = arith.constant 7 : i32
      %dma_start3A_1123 = arith.constant 1 : i32
      %dma_start3A_1124 = arith.constant 64 : i32
      %dma_start3A_1125 = arith.constant 0 : i32
      %dma_start3A_1126 = tpu.memref_slice %arg11[%dma_start3A_1123, %dma_start3A_1124, %dma_start3A_1125] : memref<2x128x128xf32, #tpu.memory_space<vmem>> -> memref<1x64x128xf32, #tpu.memory_space<vmem>>
      %dma_start3A_1127 = tpu.memref_squeeze %dma_start3A_1126 : memref<1x64x128xf32, #tpu.memory_space<vmem>> -> memref<64x128xf32, #tpu.memory_space<vmem>>
      %dma_start3A_1128 = arith.constant 64 : i32
      %dma_start3A_1129 = tpu.memref_slice %arg9[%dma_start3A_1122, %dma_start3A_1128] : memref<8x128xi32, #tpu.memory_space<vmem>> -> memref<1x64xi32, #tpu.memory_space<vmem>>
      %dma_start3A_1130 = tpu.memref_squeeze %dma_start3A_1129 : memref<1x64xi32, #tpu.memory_space<vmem>> -> memref<64xi32, #tpu.memory_space<vmem>>
      %dma_start3A_1131 = arith.constant 0 : i32
      %dma_start3A_1132 = arith.constant 0 : i32
      %dma_start3A_1133 = tpu.memref_slice %arg2[%dma_start3A_1131, %dma_start3A_1132] : memref<10240x128xf32, #tpu.memory_space<hbm>> -> memref<10240x128xf32, #tpu.memory_space<hbm>>
      tpu.enqueue_indirect_dma source(%dma_start3A_1133 : memref<10240x128xf32, #tpu.memory_space<hbm>>) target(%dma_start3A_1127 : memref<64x128xf32, #tpu.memory_space<vmem>>) offsets(%dma_start3A_1130 : memref<64xi32, #tpu.memory_space<vmem>>) semaphore(%arg15 : memref<!tpu.dma_semaphore, #tpu.memory_space<semaphore_mem>>)
      %dma_wait3A_1134 = arith.constant 6 : i32
      %dma_wait3A_1135 = arith.constant 0 : i32
      %dma_wait3A_1136 = arith.constant 0 : i32
      %dma_wait3A_1137 = arith.constant 0 : i32
      %dma_wait3A_1138 = tpu.memref_slice %arg11[%dma_wait3A_1135, %dma_wait3A_1136, %dma_wait3A_1137] : memref<2x128x128xf32, #tpu.memory_space<vmem>> -> memref<1x64x128xf32, #tpu.memory_space<vmem>>
      %dma_wait3A_1139 = tpu.memref_squeeze %dma_wait3A_1138 : memref<1x64x128xf32, #tpu.memory_space<vmem>> -> memref<64x128xf32, #tpu.memory_space<vmem>>
      %dma_wait3A_1140 = arith.constant 0 : i32
      %dma_wait3A_1141 = tpu.memref_slice %arg9[%dma_wait3A_1134, %dma_wait3A_1140] : memref<8x128xi32, #tpu.memory_space<vmem>> -> memref<1x64xi32, #tpu.memory_space<vmem>>
      %dma_wait3A_1142 = tpu.memref_squeeze %dma_wait3A_1141 : memref<1x64xi32, #tpu.memory_space<vmem>> -> memref<64xi32, #tpu.memory_space<vmem>>
      %dma_wait3A_1143 = arith.constant 0 : i32
      %dma_wait3A_1144 = arith.constant 0 : i32
      %dma_wait3A_1145 = tpu.memref_slice %arg2[%dma_wait3A_1143, %dma_wait3A_1144] : memref<10240x128xf32, #tpu.memory_space<hbm>> -> memref<10240x128xf32, #tpu.memory_space<hbm>>
      tpu.wait_indirect_dma semaphore(%arg14 : memref<!tpu.dma_semaphore, #tpu.memory_space<semaphore_mem>>) src(%dma_wait3A_1145 : memref<10240x128xf32, #tpu.memory_space<hbm>>) dst(%dma_wait3A_1139 : memref<64x128xf32, #tpu.memory_space<vmem>>)
      %dma_wait3A_1146 = arith.constant 6 : i32
      %dma_wait3A_1147 = arith.constant 0 : i32
      %dma_wait3A_1148 = arith.constant 64 : i32
      %dma_wait3A_1149 = arith.constant 0 : i32
      %dma_wait3A_1150 = tpu.memref_slice %arg11[%dma_wait3A_1147, %dma_wait3A_1148, %dma_wait3A_1149] : memref<2x128x128xf32, #tpu.memory_space<vmem>> -> memref<1x64x128xf32, #tpu.memory_space<vmem>>
      %dma_wait3A_1151 = tpu.memref_squeeze %dma_wait3A_1150 : memref<1x64x128xf32, #tpu.memory_space<vmem>> -> memref<64x128xf32, #tpu.memory_space<vmem>>
      %dma_wait3A_1152 = arith.constant 64 : i32
      %dma_wait3A_1153 = tpu.memref_slice %arg9[%dma_wait3A_1146, %dma_wait3A_1152] : memref<8x128xi32, #tpu.memory_space<vmem>> -> memref<1x64xi32, #tpu.memory_space<vmem>>
      %dma_wait3A_1154 = tpu.memref_squeeze %dma_wait3A_1153 : memref<1x64xi32, #tpu.memory_space<vmem>> -> memref<64xi32, #tpu.memory_space<vmem>>
      %dma_wait3A_1155 = arith.constant 0 : i32
      %dma_wait3A_1156 = arith.constant 0 : i32
      %dma_wait3A_1157 = tpu.memref_slice %arg2[%dma_wait3A_1155, %dma_wait3A_1156] : memref<10240x128xf32, #tpu.memory_space<hbm>> -> memref<10240x128xf32, #tpu.memory_space<hbm>>
      tpu.wait_indirect_dma semaphore(%arg15 : memref<!tpu.dma_semaphore, #tpu.memory_space<semaphore_mem>>) src(%dma_wait3A_1157 : memref<10240x128xf32, #tpu.memory_space<hbm>>) dst(%dma_wait3A_1151 : memref<64x128xf32, #tpu.memory_space<vmem>>)
      %dma_start3A_1158 = arith.constant 0 : i32
      %dma_start3A_1159 = arith.constant 6 : i32
      %dma_start3A_1160 = arith.constant 0 : i32
      %dma_start3A_1161 = arith.constant 0 : i32
      %dma_start3A_1162 = tpu.memref_slice %arg11[%dma_start3A_1158, %dma_start3A_1160, %dma_start3A_1161] : memref<2x128x128xf32, #tpu.memory_space<vmem>> -> memref<1x128x128xf32, #tpu.memory_space<vmem>>
      %dma_start3A_1163 = tpu.memref_squeeze %dma_start3A_1162 : memref<1x128x128xf32, #tpu.memory_space<vmem>> -> memref<128x128xf32, #tpu.memory_space<vmem>>
      %dma_start3A_1164 = arith.constant 0 : i32
      %dma_start3A_1165 = tpu.memref_slice %arg10[%dma_start3A_1159, %dma_start3A_1164] : memref<8x128xi32, #tpu.memory_space<vmem>> -> memref<1x128xi32, #tpu.memory_space<vmem>>
      %dma_start3A_1166 = tpu.memref_squeeze %dma_start3A_1165 : memref<1x128xi32, #tpu.memory_space<vmem>> -> memref<128xi32, #tpu.memory_space<vmem>>
      %dma_start3A_1167 = arith.constant 0 : i32
      %dma_start3A_1168 = arith.constant 0 : i32
      %dma_start3A_1169 = tpu.memref_slice %arg13[%dma_start3A_1167, %dma_start3A_1168] : memref<10240x128xf32, #tpu.memory_space<vmem_shared>> -> memref<10240x128xf32, #tpu.memory_space<vmem_shared>>
      tpu.enqueue_indirect_dma source(%dma_start3A_1163 : memref<128x128xf32, #tpu.memory_space<vmem>>) target(%dma_start3A_1169 : memref<10240x128xf32, #tpu.memory_space<vmem_shared>>) offsets(%dma_start3A_1166 : memref<128xi32, #tpu.memory_space<vmem>>) semaphore(%arg16 : memref<!tpu.dma_semaphore, #tpu.memory_space<semaphore_mem>>) {add = true}
      %get3A_1170 = arith.constant 6 : i32
      %get3A_1171 = arith.index_cast %get3A_1170 : i32 to index
      %get3A_1172 = arith.constant 0 : index
      %get3A_1173 = tpu.vector_load %arg10[%get3A_1171, %get3A_1172] {strides = array<i32>} : memref<8x128xi32, #tpu.memory_space<vmem>>, vector<16xi32>,
      tpu.vector_store_idx %arg12[%get3A_1173], %broadcast_in_dim3A_141 {add = true} : memref<10240xf32, #tpu.memory_space<vmem>>[vector<16xi32>], vector<16xf32>,
      %get3A_1174 = arith.constant 6 : i32
      %get3A_1175 = arith.index_cast %get3A_1174 : i32 to index
      %get3A_1176 = arith.constant 16 : index
      %get3A_1177 = tpu.vector_load %arg10[%get3A_1175, %get3A_1176] {strides = array<i32>} : memref<8x128xi32, #tpu.memory_space<vmem>>, vector<16xi32>,
      tpu.vector_store_idx %arg12[%get3A_1177], %broadcast_in_dim3A_141 {add = true} : memref<10240xf32, #tpu.memory_space<vmem>>[vector<16xi32>], vector<16xf32>,
      %get3A_1178 = arith.constant 6 : i32
      %get3A_1179 = arith.index_cast %get3A_1178 : i32 to index
      %get3A_1180 = arith.constant 32 : index
      %get3A_1181 = tpu.vector_load %arg10[%get3A_1179, %get3A_1180] {strides = array<i32>} : memref<8x128xi32, #tpu.memory_space<vmem>>, vector<16xi32>,
      tpu.vector_store_idx %arg12[%get3A_1181], %broadcast_in_dim3A_141 {add = true} : memref<10240xf32, #tpu.memory_space<vmem>>[vector<16xi32>], vector<16xf32>,
      %get3A_1182 = arith.constant 6 : i32
      %get3A_1183 = arith.index_cast %get3A_1182 : i32 to index
      %get3A_1184 = arith.constant 48 : index
      %get3A_1185 = tpu.vector_load %arg10[%get3A_1183, %get3A_1184] {strides = array<i32>} : memref<8x128xi32, #tpu.memory_space<vmem>>, vector<16xi32>,
      tpu.vector_store_idx %arg12[%get3A_1185], %broadcast_in_dim3A_141 {add = true} : memref<10240xf32, #tpu.memory_space<vmem>>[vector<16xi32>], vector<16xf32>,
      %get3A_1186 = arith.constant 6 : i32
      %get3A_1187 = arith.index_cast %get3A_1186 : i32 to index
      %get3A_1188 = arith.constant 64 : index
      %get3A_1189 = tpu.vector_load %arg10[%get3A_1187, %get3A_1188] {strides = array<i32>} : memref<8x128xi32, #tpu.memory_space<vmem>>, vector<16xi32>,
      tpu.vector_store_idx %arg12[%get3A_1189], %broadcast_in_dim3A_141 {add = true} : memref<10240xf32, #tpu.memory_space<vmem>>[vector<16xi32>], vector<16xf32>,
      %get3A_1190 = arith.constant 6 : i32
      %get3A_1191 = arith.index_cast %get3A_1190 : i32 to index
      %get3A_1192 = arith.constant 80 : index
      %get3A_1193 = tpu.vector_load %arg10[%get3A_1191, %get3A_1192] {strides = array<i32>} : memref<8x128xi32, #tpu.memory_space<vmem>>, vector<16xi32>,
      tpu.vector_store_idx %arg12[%get3A_1193], %broadcast_in_dim3A_141 {add = true} : memref<10240xf32, #tpu.memory_space<vmem>>[vector<16xi32>], vector<16xf32>,
      %get3A_1194 = arith.constant 6 : i32
      %get3A_1195 = arith.index_cast %get3A_1194 : i32 to index
      %get3A_1196 = arith.constant 96 : index
      %get3A_1197 = tpu.vector_load %arg10[%get3A_1195, %get3A_1196] {strides = array<i32>} : memref<8x128xi32, #tpu.memory_space<vmem>>, vector<16xi32>,
      tpu.vector_store_idx %arg12[%get3A_1197], %broadcast_in_dim3A_141 {add = true} : memref<10240xf32, #tpu.memory_space<vmem>>[vector<16xi32>], vector<16xf32>,
      %get3A_1198 = arith.constant 6 : i32
      %get3A_1199 = arith.index_cast %get3A_1198 : i32 to index
      %get3A_1200 = arith.constant 112 : index
      %get3A_1201 = tpu.vector_load %arg10[%get3A_1199, %get3A_1200] {strides = array<i32>} : memref<8x128xi32, #tpu.memory_space<vmem>>, vector<16xi32>,
      tpu.vector_store_idx %arg12[%get3A_1201], %broadcast_in_dim3A_141 {add = true} : memref<10240xf32, #tpu.memory_space<vmem>>[vector<16xi32>], vector<16xf32>,
      %dma_wait3A_1202 = arith.constant 7 : i32
      %dma_wait3A_1203 = arith.constant 1 : i32
      %dma_wait3A_1204 = arith.constant 0 : i32
      %dma_wait3A_1205 = arith.constant 0 : i32
      %dma_wait3A_1206 = tpu.memref_slice %arg11[%dma_wait3A_1203, %dma_wait3A_1204, %dma_wait3A_1205] : memref<2x128x128xf32, #tpu.memory_space<vmem>> -> memref<1x64x128xf32, #tpu.memory_space<vmem>>
      %dma_wait3A_1207 = tpu.memref_squeeze %dma_wait3A_1206 : memref<1x64x128xf32, #tpu.memory_space<vmem>> -> memref<64x128xf32, #tpu.memory_space<vmem>>
      %dma_wait3A_1208 = arith.constant 0 : i32
      %dma_wait3A_1209 = tpu.memref_slice %arg9[%dma_wait3A_1202, %dma_wait3A_1208] : memref<8x128xi32, #tpu.memory_space<vmem>> -> memref<1x64xi32, #tpu.memory_space<vmem>>
      %dma_wait3A_1210 = tpu.memref_squeeze %dma_wait3A_1209 : memref<1x64xi32, #tpu.memory_space<vmem>> -> memref<64xi32, #tpu.memory_space<vmem>>
      %dma_wait3A_1211 = arith.constant 0 : i32
      %dma_wait3A_1212 = arith.constant 0 : i32
      %dma_wait3A_1213 = tpu.memref_slice %arg2[%dma_wait3A_1211, %dma_wait3A_1212] : memref<10240x128xf32, #tpu.memory_space<hbm>> -> memref<10240x128xf32, #tpu.memory_space<hbm>>
      tpu.wait_indirect_dma semaphore(%arg14 : memref<!tpu.dma_semaphore, #tpu.memory_space<semaphore_mem>>) src(%dma_wait3A_1213 : memref<10240x128xf32, #tpu.memory_space<hbm>>) dst(%dma_wait3A_1207 : memref<64x128xf32, #tpu.memory_space<vmem>>)
      %dma_wait3A_1214 = arith.constant 7 : i32
      %dma_wait3A_1215 = arith.constant 1 : i32
      %dma_wait3A_1216 = arith.constant 64 : i32
      %dma_wait3A_1217 = arith.constant 0 : i32
      %dma_wait3A_1218 = tpu.memref_slice %arg11[%dma_wait3A_1215, %dma_wait3A_1216, %dma_wait3A_1217] : memref<2x128x128xf32, #tpu.memory_space<vmem>> -> memref<1x64x128xf32, #tpu.memory_space<vmem>>
      %dma_wait3A_1219 = tpu.memref_squeeze %dma_wait3A_1218 : memref<1x64x128xf32, #tpu.memory_space<vmem>> -> memref<64x128xf32, #tpu.memory_space<vmem>>
      %dma_wait3A_1220 = arith.constant 64 : i32
      %dma_wait3A_1221 = tpu.memref_slice %arg9[%dma_wait3A_1214, %dma_wait3A_1220] : memref<8x128xi32, #tpu.memory_space<vmem>> -> memref<1x64xi32, #tpu.memory_space<vmem>>
      %dma_wait3A_1222 = tpu.memref_squeeze %dma_wait3A_1221 : memref<1x64xi32, #tpu.memory_space<vmem>> -> memref<64xi32, #tpu.memory_space<vmem>>
      %dma_wait3A_1223 = arith.constant 0 : i32
      %dma_wait3A_1224 = arith.constant 0 : i32
      %dma_wait3A_1225 = tpu.memref_slice %arg2[%dma_wait3A_1223, %dma_wait3A_1224] : memref<10240x128xf32, #tpu.memory_space<hbm>> -> memref<10240x128xf32, #tpu.memory_space<hbm>>
      tpu.wait_indirect_dma semaphore(%arg15 : memref<!tpu.dma_semaphore, #tpu.memory_space<semaphore_mem>>) src(%dma_wait3A_1225 : memref<10240x128xf32, #tpu.memory_space<hbm>>) dst(%dma_wait3A_1219 : memref<64x128xf32, #tpu.memory_space<vmem>>)
      %dma_start3A_1226 = arith.constant 1 : i32
      %dma_start3A_1227 = arith.constant 7 : i32
      %dma_start3A_1228 = arith.constant 0 : i32
      %dma_start3A_1229 = arith.constant 0 : i32
      %dma_start3A_1230 = tpu.memref_slice %arg11[%dma_start3A_1226, %dma_start3A_1228, %dma_start3A_1229] : memref<2x128x128xf32, #tpu.memory_space<vmem>> -> memref<1x128x128xf32, #tpu.memory_space<vmem>>
      %dma_start3A_1231 = tpu.memref_squeeze %dma_start3A_1230 : memref<1x128x128xf32, #tpu.memory_space<vmem>> -> memref<128x128xf32, #tpu.memory_space<vmem>>
      %dma_start3A_1232 = arith.constant 0 : i32
      %dma_start3A_1233 = tpu.memref_slice %arg10[%dma_start3A_1227, %dma_start3A_1232] : memref<8x128xi32, #tpu.memory_space<vmem>> -> memref<1x128xi32, #tpu.memory_space<vmem>>
      %dma_start3A_1234 = tpu.memref_squeeze %dma_start3A_1233 : memref<1x128xi32, #tpu.memory_space<vmem>> -> memref<128xi32, #tpu.memory_space<vmem>>
      %dma_start3A_1235 = arith.constant 0 : i32
      %dma_start3A_1236 = arith.constant 0 : i32
      %dma_start3A_1237 = tpu.memref_slice %arg13[%dma_start3A_1235, %dma_start3A_1236] : memref<10240x128xf32, #tpu.memory_space<vmem_shared>> -> memref<10240x128xf32, #tpu.memory_space<vmem_shared>>
      tpu.enqueue_indirect_dma source(%dma_start3A_1231 : memref<128x128xf32, #tpu.memory_space<vmem>>) target(%dma_start3A_1237 : memref<10240x128xf32, #tpu.memory_space<vmem_shared>>) offsets(%dma_start3A_1234 : memref<128xi32, #tpu.memory_space<vmem>>) semaphore(%arg16 : memref<!tpu.dma_semaphore, #tpu.memory_space<semaphore_mem>>) {add = true}
      %get3A_1238 = arith.constant 7 : i32
      %get3A_1239 = arith.index_cast %get3A_1238 : i32 to index
      %get3A_1240 = arith.constant 0 : index
      %get3A_1241 = tpu.vector_load %arg10[%get3A_1239, %get3A_1240] {strides = array<i32>} : memref<8x128xi32, #tpu.memory_space<vmem>>, vector<16xi32>,
      tpu.vector_store_idx %arg12[%get3A_1241], %broadcast_in_dim3A_141 {add = true} : memref<10240xf32, #tpu.memory_space<vmem>>[vector<16xi32>], vector<16xf32>,
      %get3A_1242 = arith.constant 7 : i32
      %get3A_1243 = arith.index_cast %get3A_1242 : i32 to index
      %get3A_1244 = arith.constant 16 : index
      %get3A_1245 = tpu.vector_load %arg10[%get3A_1243, %get3A_1244] {strides = array<i32>} : memref<8x128xi32, #tpu.memory_space<vmem>>, vector<16xi32>,
      tpu.vector_store_idx %arg12[%get3A_1245], %broadcast_in_dim3A_141 {add = true} : memref<10240xf32, #tpu.memory_space<vmem>>[vector<16xi32>], vector<16xf32>,
      %get3A_1246 = arith.constant 7 : i32
      %get3A_1247 = arith.index_cast %get3A_1246 : i32 to index
      %get3A_1248 = arith.constant 32 : index
      %get3A_1249 = tpu.vector_load %arg10[%get3A_1247, %get3A_1248] {strides = array<i32>} : memref<8x128xi32, #tpu.memory_space<vmem>>, vector<16xi32>,
      tpu.vector_store_idx %arg12[%get3A_1249], %broadcast_in_dim3A_141 {add = true} : memref<10240xf32, #tpu.memory_space<vmem>>[vector<16xi32>], vector<16xf32>,
      %get3A_1250 = arith.constant 7 : i32
      %get3A_1251 = arith.index_cast %get3A_1250 : i32 to index
      %get3A_1252 = arith.constant 48 : index
      %get3A_1253 = tpu.vector_load %arg10[%get3A_1251, %get3A_1252] {strides = array<i32>} : memref<8x128xi32, #tpu.memory_space<vmem>>, vector<16xi32>,
      tpu.vector_store_idx %arg12[%get3A_1253], %broadcast_in_dim3A_141 {add = true} : memref<10240xf32, #tpu.memory_space<vmem>>[vector<16xi32>], vector<16xf32>,
      %get3A_1254 = arith.constant 7 : i32
      %get3A_1255 = arith.index_cast %get3A_1254 : i32 to index
      %get3A_1256 = arith.constant 64 : index
      %get3A_1257 = tpu.vector_load %arg10[%get3A_1255, %get3A_1256] {strides = array<i32>} : memref<8x128xi32, #tpu.memory_space<vmem>>, vector<16xi32>,
      tpu.vector_store_idx %arg12[%get3A_1257], %broadcast_in_dim3A_141 {add = true} : memref<10240xf32, #tpu.memory_space<vmem>>[vector<16xi32>], vector<16xf32>,
      %get3A_1258 = arith.constant 7 : i32
      %get3A_1259 = arith.index_cast %get3A_1258 : i32 to index
      %get3A_1260 = arith.constant 80 : index
      %get3A_1261 = tpu.vector_load %arg10[%get3A_1259, %get3A_1260] {strides = array<i32>} : memref<8x128xi32, #tpu.memory_space<vmem>>, vector<16xi32>,
      tpu.vector_store_idx %arg12[%get3A_1261], %broadcast_in_dim3A_141 {add = true} : memref<10240xf32, #tpu.memory_space<vmem>>[vector<16xi32>], vector<16xf32>,
      %get3A_1262 = arith.constant 7 : i32
      %get3A_1263 = arith.index_cast %get3A_1262 : i32 to index
      %get3A_1264 = arith.constant 96 : index
      %get3A_1265 = tpu.vector_load %arg10[%get3A_1263, %get3A_1264] {strides = array<i32>} : memref<8x128xi32, #tpu.memory_space<vmem>>, vector<16xi32>,
      tpu.vector_store_idx %arg12[%get3A_1265], %broadcast_in_dim3A_141 {add = true} : memref<10240xf32, #tpu.memory_space<vmem>>[vector<16xi32>], vector<16xf32>,
      %get3A_1266 = arith.constant 7 : i32
      %get3A_1267 = arith.index_cast %get3A_1266 : i32 to index
      %get3A_1268 = arith.constant 112 : index
      %get3A_1269 = tpu.vector_load %arg10[%get3A_1267, %get3A_1268] {strides = array<i32>} : memref<8x128xi32, #tpu.memory_space<vmem>>, vector<16xi32>,
      tpu.vector_store_idx %arg12[%get3A_1269], %broadcast_in_dim3A_141 {add = true} : memref<10240xf32, #tpu.memory_space<vmem>>[vector<16xi32>], vector<16xf32>,
      %dma_wait3A_1270 = arith.constant 0 : i32
      %dma_wait3A_1271 = arith.constant 6 : i32
      %dma_wait3A_1272 = arith.constant 0 : i32
      %dma_wait3A_1273 = arith.constant 0 : i32
      %dma_wait3A_1274 = tpu.memref_slice %arg11[%dma_wait3A_1270, %dma_wait3A_1272, %dma_wait3A_1273] : memref<2x128x128xf32, #tpu.memory_space<vmem>> -> memref<1x128x128xf32, #tpu.memory_space<vmem>>
      %dma_wait3A_1275 = tpu.memref_squeeze %dma_wait3A_1274 : memref<1x128x128xf32, #tpu.memory_space<vmem>> -> memref<128x128xf32, #tpu.memory_space<vmem>>
      %dma_wait3A_1276 = arith.constant 0 : i32
      %dma_wait3A_1277 = tpu.memref_slice %arg10[%dma_wait3A_1271, %dma_wait3A_1276] : memref<8x128xi32, #tpu.memory_space<vmem>> -> memref<1x128xi32, #tpu.memory_space<vmem>>
      %dma_wait3A_1278 = tpu.memref_squeeze %dma_wait3A_1277 : memref<1x128xi32, #tpu.memory_space<vmem>> -> memref<128xi32, #tpu.memory_space<vmem>>
      %dma_wait3A_1279 = arith.constant 0 : i32
      %dma_wait3A_1280 = arith.constant 0 : i32
      %dma_wait3A_1281 = tpu.memref_slice %arg13[%dma_wait3A_1279, %dma_wait3A_1280] : memref<10240x128xf32, #tpu.memory_space<vmem_shared>> -> memref<10240x128xf32, #tpu.memory_space<vmem_shared>>
      tpu.wait_indirect_dma semaphore(%arg16 : memref<!tpu.dma_semaphore, #tpu.memory_space<semaphore_mem>>) src(%dma_wait3A_1275 : memref<128x128xf32, #tpu.memory_space<vmem>>) dst(%dma_wait3A_1281 : memref<10240x128xf32, #tpu.memory_space<vmem_shared>>)
      %dma_wait3A_1282 = arith.constant 1 : i32
      %dma_wait3A_1283 = arith.constant 7 : i32
      %dma_wait3A_1284 = arith.constant 0 : i32
      %dma_wait3A_1285 = arith.constant 0 : i32
      %dma_wait3A_1286 = tpu.memref_slice %arg11[%dma_wait3A_1282, %dma_wait3A_1284, %dma_wait3A_1285] : memref<2x128x128xf32, #tpu.memory_space<vmem>> -> memref<1x128x128xf32, #tpu.memory_space<vmem>>
      %dma_wait3A_1287 = tpu.memref_squeeze %dma_wait3A_1286 : memref<1x128x128xf32, #tpu.memory_space<vmem>> -> memref<128x128xf32, #tpu.memory_space<vmem>>
      %dma_wait3A_1288 = arith.constant 0 : i32
      %dma_wait3A_1289 = tpu.memref_slice %arg10[%dma_wait3A_1283, %dma_wait3A_1288] : memref<8x128xi32, #tpu.memory_space<vmem>> -> memref<1x128xi32, #tpu.memory_space<vmem>>
      %dma_wait3A_1290 = tpu.memref_squeeze %dma_wait3A_1289 : memref<1x128xi32, #tpu.memory_space<vmem>> -> memref<128xi32, #tpu.memory_space<vmem>>
      %dma_wait3A_1291 = arith.constant 0 : i32
      %dma_wait3A_1292 = arith.constant 0 : i32
      %dma_wait3A_1293 = tpu.memref_slice %arg13[%dma_wait3A_1291, %dma_wait3A_1292] : memref<10240x128xf32, #tpu.memory_space<vmem_shared>> -> memref<10240x128xf32, #tpu.memory_space<vmem_shared>>
      tpu.wait_indirect_dma semaphore(%arg16 : memref<!tpu.dma_semaphore, #tpu.memory_space<semaphore_mem>>) src(%dma_wait3A_1287 : memref<128x128xf32, #tpu.memory_space<vmem>>) dst(%dma_wait3A_1293 : memref<10240x128xf32, #tpu.memory_space<vmem_shared>>)
    }
    %scan3A_146 = arith.constant 10 : i32
    %barrier3A_147 = arith.constant 0 : index
    tpu.barrier barrier_id(%barrier3A_147)
    %dma_start3A_148 = arith.constant 0 : i32
    %dma_start3A_149 = tpu.memref_slice %arg8[%add3A, %dma_start3A_148] : memref<32x10240xf32, #tpu.memory_space<hbm>> -> memref<1x10240xf32, #tpu.memory_space<hbm>>
    %dma_start3A_150 = tpu.memref_squeeze %dma_start3A_149 : memref<1x10240xf32, #tpu.memory_space<hbm>> -> memref<10240xf32, #tpu.memory_space<hbm>>
    %dma_start3A_151 = arith.constant 0 : i32
    %dma_start3A_152 = tpu.memref_slice %arg8[%add3A, %dma_start3A_151] : memref<32x10240xf32, #tpu.memory_space<hbm>> -> memref<1x10240xf32, #tpu.memory_space<hbm>>
    %dma_start3A_153 = tpu.memref_squeeze %dma_start3A_152 : memref<1x10240xf32, #tpu.memory_space<hbm>> -> memref<10240xf32, #tpu.memory_space<hbm>>
    tpu.enqueue_dma source(%arg12 : memref<10240xf32, #tpu.memory_space<vmem>>) target(%dma_start3A_153 : memref<10240xf32, #tpu.memory_space<hbm>>) target_semaphore(%arg16 : memref<!tpu.dma_semaphore, #tpu.memory_space<semaphore_mem>>)
    %add3A_154 = arith.constant 0 : i32
    %add3A_155 = arith.addi %mul3A_2, %add3A_154 : i32
    %dma_start3A_156 = arith.constant 0 : i32
    %dma_start3A_157 = arith.constant 0 : i32
    %dma_start3A_158 = arith.constant 0 : i32
    %dma_start3A_159 = tpu.memref_slice %arg11[%dma_start3A_156, %dma_start3A_157, %dma_start3A_158] : memref<2x128x128xf32, #tpu.memory_space<vmem>> -> memref<1x128x128xf32, #tpu.memory_space<vmem>>
    %dma_start3A_160 = tpu.memref_squeeze %dma_start3A_159 : memref<1x128x128xf32, #tpu.memory_space<vmem>> -> memref<128x128xf32, #tpu.memory_space<vmem>>
    %dma_start3A_161 = arith.constant 0 : i32
    %dma_start3A_162 = tpu.memref_slice %arg13[%add3A_155, %dma_start3A_161] : memref<10240x128xf32, #tpu.memory_space<vmem_shared>> -> memref<128x128xf32, #tpu.memory_space<vmem_shared>>
    %dma_start3A_163 = arith.constant 0 : i32
    %dma_start3A_164 = arith.constant 0 : i32
    %dma_start3A_165 = tpu.memref_slice %arg11[%dma_start3A_156, %dma_start3A_163, %dma_start3A_164] : memref<2x128x128xf32, #tpu.memory_space<vmem>> -> memref<1x128x128xf32, #tpu.memory_space<vmem>>
    %dma_start3A_166 = tpu.memref_squeeze %dma_start3A_165 : memref<1x128x128xf32, #tpu.memory_space<vmem>> -> memref<128x128xf32, #tpu.memory_space<vmem>>
    %dma_start3A_167 = arith.constant 0 : i32
    %dma_start3A_168 = tpu.memref_slice %arg13[%add3A_155, %dma_start3A_167] : memref<10240x128xf32, #tpu.memory_space<vmem_shared>> -> memref<128x128xf32, #tpu.memory_space<vmem_shared>>
    tpu.enqueue_dma source(%dma_start3A_168 : memref<128x128xf32, #tpu.memory_space<vmem_shared>>) target(%dma_start3A_166 : memref<128x128xf32, #tpu.memory_space<vmem>>) target_semaphore(%arg14 : memref<!tpu.dma_semaphore, #tpu.memory_space<semaphore_mem>>)
    %add3A_169 = arith.constant 128 : i32
    %add3A_170 = arith.addi %mul3A_2, %add3A_169 : i32
    %dma_start3A_171 = arith.constant 1 : i32
    %dma_start3A_172 = arith.constant 0 : i32
    %dma_start3A_173 = arith.constant 0 : i32
    %dma_start3A_174 = tpu.memref_slice %arg11[%dma_start3A_171, %dma_start3A_172, %dma_start3A_173] : memref<2x128x128xf32, #tpu.memory_space<vmem>> -> memref<1x128x128xf32, #tpu.memory_space<vmem>>
    %dma_start3A_175 = tpu.memref_squeeze %dma_start3A_174 : memref<1x128x128xf32, #tpu.memory_space<vmem>> -> memref<128x128xf32, #tpu.memory_space<vmem>>
    %dma_start3A_176 = arith.constant 0 : i32
    %dma_start3A_177 = tpu.memref_slice %arg13[%add3A_170, %dma_start3A_176] : memref<10240x128xf32, #tpu.memory_space<vmem_shared>> -> memref<128x128xf32, #tpu.memory_space<vmem_shared>>
    %dma_start3A_178 = arith.constant 0 : i32
    %dma_start3A_179 = arith.constant 0 : i32
    %dma_start3A_180 = tpu.memref_slice %arg11[%dma_start3A_171, %dma_start3A_178, %dma_start3A_179] : memref<2x128x128xf32, #tpu.memory_space<vmem>> -> memref<1x128x128xf32, #tpu.memory_space<vmem>>
    %dma_start3A_181 = tpu.memref_squeeze %dma_start3A_180 : memref<1x128x128xf32, #tpu.memory_space<vmem>> -> memref<128x128xf32, #tpu.memory_space<vmem>>
    %dma_start3A_182 = arith.constant 0 : i32
    %dma_start3A_183 = tpu.memref_slice %arg13[%add3A_170, %dma_start3A_182] : memref<10240x128xf32, #tpu.memory_space<vmem_shared>> -> memref<128x128xf32, #tpu.memory_space<vmem_shared>>
    tpu.enqueue_dma source(%dma_start3A_183 : memref<128x128xf32, #tpu.memory_space<vmem_shared>>) target(%dma_start3A_181 : memref<128x128xf32, #tpu.memory_space<vmem>>) target_semaphore(%arg14 : memref<!tpu.dma_semaphore, #tpu.memory_space<semaphore_mem>>)
    %dma_wait3A_184 = arith.constant 0 : i32
    %dma_wait3A_185 = arith.constant 0 : i32
    %dma_wait3A_186 = arith.constant 0 : i32
    %dma_wait3A_187 = tpu.memref_slice %arg11[%dma_wait3A_184, %dma_wait3A_185, %dma_wait3A_186] : memref<2x128x128xf32, #tpu.memory_space<vmem>> -> memref<1x128x128xf32, #tpu.memory_space<vmem>>
    %dma_wait3A_188 = tpu.memref_squeeze %dma_wait3A_187 : memref<1x128x128xf32, #tpu.memory_space<vmem>> -> memref<128x128xf32, #tpu.memory_space<vmem>>
    %dma_wait3A_189 = arith.constant 0 : i32
    %dma_wait3A_190 = tpu.memref_slice %arg13[%add3A_155, %dma_wait3A_189] : memref<10240x128xf32, #tpu.memory_space<vmem_shared>> -> memref<128x128xf32, #tpu.memory_space<vmem_shared>>
    %dma_wait3A_191 = arith.constant 0 : i32
    %dma_wait3A_192 = arith.constant 0 : i32
    %dma_wait3A_193 = tpu.memref_slice %arg11[%dma_wait3A_184, %dma_wait3A_191, %dma_wait3A_192] : memref<2x128x128xf32, #tpu.memory_space<vmem>> -> memref<1x128x128xf32, #tpu.memory_space<vmem>>
    %dma_wait3A_194 = tpu.memref_squeeze %dma_wait3A_193 : memref<1x128x128xf32, #tpu.memory_space<vmem>> -> memref<128x128xf32, #tpu.memory_space<vmem>>
    %dma_wait3A_195 = arith.constant 0 : i32
    %dma_wait3A_196 = tpu.memref_slice %arg13[%add3A_155, %dma_wait3A_195] : memref<10240x128xf32, #tpu.memory_space<vmem_shared>> -> memref<128x128xf32, #tpu.memory_space<vmem_shared>>
    tpu.wait_dma2 semaphore(%arg14 : memref<!tpu.dma_semaphore, #tpu.memory_space<semaphore_mem>>) src(%dma_wait3A_196 : memref<128x128xf32, #tpu.memory_space<vmem_shared>>) dst(%dma_wait3A_194 : memref<128x128xf32, #tpu.memory_space<vmem>>)
    %add3A_197 = arith.constant 0 : i32
    %add3A_198 = arith.addi %mul3A_2, %add3A_197 : i32
    %dma_start3A_199 = arith.constant 0 : i32
    %dma_start3A_200 = arith.constant 0 : i32
    %dma_start3A_201 = arith.constant 0 : i32
    %dma_start3A_202 = tpu.memref_slice %arg11[%dma_start3A_199, %dma_start3A_200, %dma_start3A_201] : memref<2x128x128xf32, #tpu.memory_space<vmem>> -> memref<1x128x128xf32, #tpu.memory_space<vmem>>
    %dma_start3A_203 = tpu.memref_squeeze %dma_start3A_202 : memref<1x128x128xf32, #tpu.memory_space<vmem>> -> memref<128x128xf32, #tpu.memory_space<vmem>>
    %dma_start3A_204 = arith.constant 0 : i32
    %dma_start3A_205 = tpu.memref_slice %arg7[%arg0, %add3A_198, %dma_start3A_204] : memref<2x10240x128xf32, #tpu.memory_space<hbm>> -> memref<1x128x128xf32, #tpu.memory_space<hbm>>
    %dma_start3A_206 = tpu.memref_squeeze %dma_start3A_205 : memref<1x128x128xf32, #tpu.memory_space<hbm>> -> memref<128x128xf32, #tpu.memory_space<hbm>>
    %dma_start3A_207 = arith.constant 0 : i32
    %dma_start3A_208 = tpu.memref_slice %arg7[%arg0, %add3A_198, %dma_start3A_207] : memref<2x10240x128xf32, #tpu.memory_space<hbm>> -> memref<1x128x128xf32, #tpu.memory_space<hbm>>
    %dma_start3A_209 = tpu.memref_squeeze %dma_start3A_208 : memref<1x128x128xf32, #tpu.memory_space<hbm>> -> memref<128x128xf32, #tpu.memory_space<hbm>>
    %dma_start3A_210 = arith.constant 0 : i32
    %dma_start3A_211 = arith.constant 0 : i32
    %dma_start3A_212 = tpu.memref_slice %arg11[%dma_start3A_199, %dma_start3A_210, %dma_start3A_211] : memref<2x128x128xf32, #tpu.memory_space<vmem>> -> memref<1x128x128xf32, #tpu.memory_space<vmem>>
    %dma_start3A_213 = tpu.memref_squeeze %dma_start3A_212 : memref<1x128x128xf32, #tpu.memory_space<vmem>> -> memref<128x128xf32, #tpu.memory_space<vmem>>
    tpu.enqueue_dma source(%dma_start3A_213 : memref<128x128xf32, #tpu.memory_space<vmem>>) target(%dma_start3A_209 : memref<128x128xf32, #tpu.memory_space<hbm>>) target_semaphore(%arg16 : memref<!tpu.dma_semaphore, #tpu.memory_space<semaphore_mem>>)
    %dma_wait3A_214 = arith.constant 0 : i32
    %dma_wait3A_215 = arith.constant 0 : i32
    %dma_wait3A_216 = arith.constant 0 : i32
    %dma_wait3A_217 = tpu.memref_slice %arg11[%dma_wait3A_214, %dma_wait3A_215, %dma_wait3A_216] : memref<2x128x128xf32, #tpu.memory_space<vmem>> -> memref<1x128x128xf32, #tpu.memory_space<vmem>>
    %dma_wait3A_218 = tpu.memref_squeeze %dma_wait3A_217 : memref<1x128x128xf32, #tpu.memory_space<vmem>> -> memref<128x128xf32, #tpu.memory_space<vmem>>
    %dma_wait3A_219 = arith.constant 0 : i32
    %dma_wait3A_220 = tpu.memref_slice %arg7[%arg0, %add3A_198, %dma_wait3A_219] : memref<2x10240x128xf32, #tpu.memory_space<hbm>> -> memref<1x128x128xf32, #tpu.memory_space<hbm>>
    %dma_wait3A_221 = tpu.memref_squeeze %dma_wait3A_220 : memref<1x128x128xf32, #tpu.memory_space<hbm>> -> memref<128x128xf32, #tpu.memory_space<hbm>>
    %dma_wait3A_222 = arith.constant 0 : i32
    %dma_wait3A_223 = tpu.memref_slice %arg7[%arg0, %add3A_198, %dma_wait3A_222] : memref<2x10240x128xf32, #tpu.memory_space<hbm>> -> memref<1x128x128xf32, #tpu.memory_space<hbm>>
    %dma_wait3A_224 = tpu.memref_squeeze %dma_wait3A_223 : memref<1x128x128xf32, #tpu.memory_space<hbm>> -> memref<128x128xf32, #tpu.memory_space<hbm>>
    %dma_wait3A_225 = arith.constant 0 : i32
    %dma_wait3A_226 = arith.constant 0 : i32
    %dma_wait3A_227 = tpu.memref_slice %arg11[%dma_wait3A_214, %dma_wait3A_225, %dma_wait3A_226] : memref<2x128x128xf32, #tpu.memory_space<vmem>> -> memref<1x128x128xf32, #tpu.memory_space<vmem>>
    %dma_wait3A_228 = tpu.memref_squeeze %dma_wait3A_227 : memref<1x128x128xf32, #tpu.memory_space<vmem>> -> memref<128x128xf32, #tpu.memory_space<vmem>>
    tpu.wait_dma2 semaphore(%arg16 : memref<!tpu.dma_semaphore, #tpu.memory_space<semaphore_mem>>) src(%dma_wait3A_228 : memref<128x128xf32, #tpu.memory_space<vmem>>) dst(%dma_wait3A_224 : memref<128x128xf32, #tpu.memory_space<hbm>>)
    %add3A_229 = arith.constant 256 : i32
    %add3A_230 = arith.addi %mul3A_2, %add3A_229 : i32
    %dma_start3A_231 = arith.constant 0 : i32
    %dma_start3A_232 = arith.constant 0 : i32
    %dma_start3A_233 = arith.constant 0 : i32
    %dma_start3A_234 = tpu.memref_slice %arg11[%dma_start3A_231, %dma_start3A_232, %dma_start3A_233] : memref<2x128x128xf32, #tpu.memory_space<vmem>> -> memref<1x128x128xf32, #tpu.memory_space<vmem>>
    %dma_start3A_235 = tpu.memref_squeeze %dma_start3A_234 : memref<1x128x128xf32, #tpu.memory_space<vmem>> -> memref<128x128xf32, #tpu.memory_space<vmem>>
    %dma_start3A_236 = arith.constant 0 : i32
    %dma_start3A_237 = tpu.memref_slice %arg13[%add3A_230, %dma_start3A_236] : memref<10240x128xf32, #tpu.memory_space<vmem_shared>> -> memref<128x128xf32, #tpu.memory_space<vmem_shared>>
    %dma_start3A_238 = arith.constant 0 : i32
    %dma_start3A_239 = arith.constant 0 : i32
    %dma_start3A_240 = tpu.memref_slice %arg11[%dma_start3A_231, %dma_start3A_238, %dma_start3A_239] : memref<2x128x128xf32, #tpu.memory_space<vmem>> -> memref<1x128x128xf32, #tpu.memory_space<vmem>>
    %dma_start3A_241 = tpu.memref_squeeze %dma_start3A_240 : memref<1x128x128xf32, #tpu.memory_space<vmem>> -> memref<128x128xf32, #tpu.memory_space<vmem>>
    %dma_start3A_242 = arith.constant 0 : i32
    %dma_start3A_243 = tpu.memref_slice %arg13[%add3A_230, %dma_start3A_242] : memref<10240x128xf32, #tpu.memory_space<vmem_shared>> -> memref<128x128xf32, #tpu.memory_space<vmem_shared>>
    tpu.enqueue_dma source(%dma_start3A_243 : memref<128x128xf32, #tpu.memory_space<vmem_shared>>) target(%dma_start3A_241 : memref<128x128xf32, #tpu.memory_space<vmem>>) target_semaphore(%arg14 : memref<!tpu.dma_semaphore, #tpu.memory_space<semaphore_mem>>)
    %dma_wait3A_244 = arith.constant 1 : i32
    %dma_wait3A_245 = arith.constant 0 : i32
    %dma_wait3A_246 = arith.constant 0 : i32
    %dma_wait3A_247 = tpu.memref_slice %arg11[%dma_wait3A_244, %dma_wait3A_245, %dma_wait3A_246] : memref<2x128x128xf32, #tpu.memory_space<vmem>> -> memref<1x128x128xf32, #tpu.memory_space<vmem>>
    %dma_wait3A_248 = tpu.memref_squeeze %dma_wait3A_247 : memref<1x128x128xf32, #tpu.memory_space<vmem>> -> memref<128x128xf32, #tpu.memory_space<vmem>>
    %dma_wait3A_249 = arith.constant 0 : i32
    %dma_wait3A_250 = tpu.memref_slice %arg13[%add3A_170, %dma_wait3A_249] : memref<10240x128xf32, #tpu.memory_space<vmem_shared>> -> memref<128x128xf32, #tpu.memory_space<vmem_shared>>
    %dma_wait3A_251 = arith.constant 0 : i32
    %dma_wait3A_252 = arith.constant 0 : i32
    %dma_wait3A_253 = tpu.memref_slice %arg11[%dma_wait3A_244, %dma_wait3A_251, %dma_wait3A_252] : memref<2x128x128xf32, #tpu.memory_space<vmem>> -> memref<1x128x128xf32, #tpu.memory_space<vmem>>
    %dma_wait3A_254 = tpu.memref_squeeze %dma_wait3A_253 : memref<1x128x128xf32, #tpu.memory_space<vmem>> -> memref<128x128xf32, #tpu.memory_space<vmem>>
    %dma_wait3A_255 = arith.constant 0 : i32
    %dma_wait3A_256 = tpu.memref_slice %arg13[%add3A_170, %dma_wait3A_255] : memref<10240x128xf32, #tpu.memory_space<vmem_shared>> -> memref<128x128xf32, #tpu.memory_space<vmem_shared>>
    tpu.wait_dma2 semaphore(%arg14 : memref<!tpu.dma_semaphore, #tpu.memory_space<semaphore_mem>>) src(%dma_wait3A_256 : memref<128x128xf32, #tpu.memory_space<vmem_shared>>) dst(%dma_wait3A_254 : memref<128x128xf32, #tpu.memory_space<vmem>>)
    %add3A_257 = arith.constant 128 : i32
    %add3A_258 = arith.addi %mul3A_2, %add3A_257 : i32
    %dma_start3A_259 = arith.constant 1 : i32
    %dma_start3A_260 = arith.constant 0 : i32
    %dma_start3A_261 = arith.constant 0 : i32
    %dma_start3A_262 = tpu.memref_slice %arg11[%dma_start3A_259, %dma_start3A_260, %dma_start3A_261] : memref<2x128x128xf32, #tpu.memory_space<vmem>> -> memref<1x128x128xf32, #tpu.memory_space<vmem>>
    %dma_start3A_263 = tpu.memref_squeeze %dma_start3A_262 : memref<1x128x128xf32, #tpu.memory_space<vmem>> -> memref<128x128xf32, #tpu.memory_space<vmem>>
    %dma_start3A_264 = arith.constant 0 : i32
    %dma_start3A_265 = tpu.memref_slice %arg7[%arg0, %add3A_258, %dma_start3A_264] : memref<2x10240x128xf32, #tpu.memory_space<hbm>> -> memref<1x128x128xf32, #tpu.memory_space<hbm>>
    %dma_start3A_266 = tpu.memref_squeeze %dma_start3A_265 : memref<1x128x128xf32, #tpu.memory_space<hbm>> -> memref<128x128xf32, #tpu.memory_space<hbm>>
    %dma_start3A_267 = arith.constant 0 : i32
    %dma_start3A_268 = tpu.memref_slice %arg7[%arg0, %add3A_258, %dma_start3A_267] : memref<2x10240x128xf32, #tpu.memory_space<hbm>> -> memref<1x128x128xf32, #tpu.memory_space<hbm>>
    %dma_start3A_269 = tpu.memref_squeeze %dma_start3A_268 : memref<1x128x128xf32, #tpu.memory_space<hbm>> -> memref<128x128xf32, #tpu.memory_space<hbm>>
    %dma_start3A_270 = arith.constant 0 : i32
    %dma_start3A_271 = arith.constant 0 : i32
    %dma_start3A_272 = tpu.memref_slice %arg11[%dma_start3A_259, %dma_start3A_270, %dma_start3A_271] : memref<2x128x128xf32, #tpu.memory_space<vmem>> -> memref<1x128x128xf32, #tpu.memory_space<vmem>>
    %dma_start3A_273 = tpu.memref_squeeze %dma_start3A_272 : memref<1x128x128xf32, #tpu.memory_space<vmem>> -> memref<128x128xf32, #tpu.memory_space<vmem>>
    tpu.enqueue_dma source(%dma_start3A_273 : memref<128x128xf32, #tpu.memory_space<vmem>>) target(%dma_start3A_269 : memref<128x128xf32, #tpu.memory_space<hbm>>) target_semaphore(%arg16 : memref<!tpu.dma_semaphore, #tpu.memory_space<semaphore_mem>>)
    %dma_wait3A_274 = arith.constant 1 : i32
    %dma_wait3A_275 = arith.constant 0 : i32
    %dma_wait3A_276 = arith.constant 0 : i32
    %dma_wait3A_277 = tpu.memref_slice %arg11[%dma_wait3A_274, %dma_wait3A_275, %dma_wait3A_276] : memref<2x128x128xf32, #tpu.memory_space<vmem>> -> memref<1x128x128xf32, #tpu.memory_space<vmem>>
    %dma_wait3A_278 = tpu.memref_squeeze %dma_wait3A_277 : memref<1x128x128xf32, #tpu.memory_space<vmem>> -> memref<128x128xf32, #tpu.memory_space<vmem>>
    %dma_wait3A_279 = arith.constant 0 : i32
    %dma_wait3A_280 = tpu.memref_slice %arg7[%arg0, %add3A_258, %dma_wait3A_279] : memref<2x10240x128xf32, #tpu.memory_space<hbm>> -> memref<1x128x128xf32, #tpu.memory_space<hbm>>
    %dma_wait3A_281 = tpu.memref_squeeze %dma_wait3A_280 : memref<1x128x128xf32, #tpu.memory_space<hbm>> -> memref<128x128xf32, #tpu.memory_space<hbm>>
    %dma_wait3A_282 = arith.constant 0 : i32
    %dma_wait3A_283 = tpu.memref_slice %arg7[%arg0, %add3A_258, %dma_wait3A_282] : memref<2x10240x128xf32, #tpu.memory_space<hbm>> -> memref<1x128x128xf32, #tpu.memory_space<hbm>>
    %dma_wait3A_284 = tpu.memref_squeeze %dma_wait3A_283 : memref<1x128x128xf32, #tpu.memory_space<hbm>> -> memref<128x128xf32, #tpu.memory_space<hbm>>
    %dma_wait3A_285 = arith.constant 0 : i32
    %dma_wait3A_286 = arith.constant 0 : i32
    %dma_wait3A_287 = tpu.memref_slice %arg11[%dma_wait3A_274, %dma_wait3A_285, %dma_wait3A_286] : memref<2x128x128xf32, #tpu.memory_space<vmem>> -> memref<1x128x128xf32, #tpu.memory_space<vmem>>
    %dma_wait3A_288 = tpu.memref_squeeze %dma_wait3A_287 : memref<1x128x128xf32, #tpu.memory_space<vmem>> -> memref<128x128xf32, #tpu.memory_space<vmem>>
    tpu.wait_dma2 semaphore(%arg16 : memref<!tpu.dma_semaphore, #tpu.memory_space<semaphore_mem>>) src(%dma_wait3A_288 : memref<128x128xf32, #tpu.memory_space<vmem>>) dst(%dma_wait3A_284 : memref<128x128xf32, #tpu.memory_space<hbm>>)
    %add3A_289 = arith.constant 384 : i32
    %add3A_290 = arith.addi %mul3A_2, %add3A_289 : i32
    %dma_start3A_291 = arith.constant 1 : i32
    %dma_start3A_292 = arith.constant 0 : i32
    %dma_start3A_293 = arith.constant 0 : i32
    %dma_start3A_294 = tpu.memref_slice %arg11[%dma_start3A_291, %dma_start3A_292, %dma_start3A_293] : memref<2x128x128xf32, #tpu.memory_space<vmem>> -> memref<1x128x128xf32, #tpu.memory_space<vmem>>
    %dma_start3A_295 = tpu.memref_squeeze %dma_start3A_294 : memref<1x128x128xf32, #tpu.memory_space<vmem>> -> memref<128x128xf32, #tpu.memory_space<vmem>>
    %dma_start3A_296 = arith.constant 0 : i32
    %dma_start3A_297 = tpu.memref_slice %arg13[%add3A_290, %dma_start3A_296] : memref<10240x128xf32, #tpu.memory_space<vmem_shared>> -> memref<128x128xf32, #tpu.memory_space<vmem_shared>>
    %dma_start3A_298 = arith.constant 0 : i32
    %dma_start3A_299 = arith.constant 0 : i32
    %dma_start3A_300 = tpu.memref_slice %arg11[%dma_start3A_291, %dma_start3A_298, %dma_start3A_299] : memref<2x128x128xf32, #tpu.memory_space<vmem>> -> memref<1x128x128xf32, #tpu.memory_space<vmem>>
    %dma_start3A_301 = tpu.memref_squeeze %dma_start3A_300 : memref<1x128x128xf32, #tpu.memory_space<vmem>> -> memref<128x128xf32, #tpu.memory_space<vmem>>
    %dma_start3A_302 = arith.constant 0 : i32
    %dma_start3A_303 = tpu.memref_slice %arg13[%add3A_290, %dma_start3A_302] : memref<10240x128xf32, #tpu.memory_space<vmem_shared>> -> memref<128x128xf32, #tpu.memory_space<vmem_shared>>
    tpu.enqueue_dma source(%dma_start3A_303 : memref<128x128xf32, #tpu.memory_space<vmem_shared>>) target(%dma_start3A_301 : memref<128x128xf32, #tpu.memory_space<vmem>>) target_semaphore(%arg14 : memref<!tpu.dma_semaphore, #tpu.memory_space<semaphore_mem>>)
    %dma_wait3A_304 = arith.constant 0 : i32
    %dma_wait3A_305 = arith.constant 0 : i32
    %dma_wait3A_306 = arith.constant 0 : i32
    %dma_wait3A_307 = tpu.memref_slice %arg11[%dma_wait3A_304, %dma_wait3A_305, %dma_wait3A_306] : memref<2x128x128xf32, #tpu.memory_space<vmem>> -> memref<1x128x128xf32, #tpu.memory_space<vmem>>
    %dma_wait3A_308 = tpu.memref_squeeze %dma_wait3A_307 : memref<1x128x128xf32, #tpu.memory_space<vmem>> -> memref<128x128xf32, #tpu.memory_space<vmem>>
    %dma_wait3A_309 = arith.constant 0 : i32
    %dma_wait3A_310 = tpu.memref_slice %arg13[%add3A_230, %dma_wait3A_309] : memref<10240x128xf32, #tpu.memory_space<vmem_shared>> -> memref<128x128xf32, #tpu.memory_space<vmem_shared>>
    %dma_wait3A_311 = arith.constant 0 : i32
    %dma_wait3A_312 = arith.constant 0 : i32
    %dma_wait3A_313 = tpu.memref_slice %arg11[%dma_wait3A_304, %dma_wait3A_311, %dma_wait3A_312] : memref<2x128x128xf32, #tpu.memory_space<vmem>> -> memref<1x128x128xf32, #tpu.memory_space<vmem>>
    %dma_wait3A_314 = tpu.memref_squeeze %dma_wait3A_313 : memref<1x128x128xf32, #tpu.memory_space<vmem>> -> memref<128x128xf32, #tpu.memory_space<vmem>>
    %dma_wait3A_315 = arith.constant 0 : i32
    %dma_wait3A_316 = tpu.memref_slice %arg13[%add3A_230, %dma_wait3A_315] : memref<10240x128xf32, #tpu.memory_space<vmem_shared>> -> memref<128x128xf32, #tpu.memory_space<vmem_shared>>
    tpu.wait_dma2 semaphore(%arg14 : memref<!tpu.dma_semaphore, #tpu.memory_space<semaphore_mem>>) src(%dma_wait3A_316 : memref<128x128xf32, #tpu.memory_space<vmem_shared>>) dst(%dma_wait3A_314 : memref<128x128xf32, #tpu.memory_space<vmem>>)
    %add3A_317 = arith.constant 256 : i32
    %add3A_318 = arith.addi %mul3A_2, %add3A_317 : i32
    %dma_start3A_319 = arith.constant 0 : i32
    %dma_start3A_320 = arith.constant 0 : i32
    %dma_start3A_321 = arith.constant 0 : i32
    %dma_start3A_322 = tpu.memref_slice %arg11[%dma_start3A_319, %dma_start3A_320, %dma_start3A_321] : memref<2x128x128xf32, #tpu.memory_space<vmem>> -> memref<1x128x128xf32, #tpu.memory_space<vmem>>
    %dma_start3A_323 = tpu.memref_squeeze %dma_start3A_322 : memref<1x128x128xf32, #tpu.memory_space<vmem>> -> memref<128x128xf32, #tpu.memory_space<vmem>>
    %dma_start3A_324 = arith.constant 0 : i32
    %dma_start3A_325 = tpu.memref_slice %arg7[%arg0, %add3A_318, %dma_start3A_324] : memref<2x10240x128xf32, #tpu.memory_space<hbm>> -> memref<1x128x128xf32, #tpu.memory_space<hbm>>
    %dma_start3A_326 = tpu.memref_squeeze %dma_start3A_325 : memref<1x128x128xf32, #tpu.memory_space<hbm>> -> memref<128x128xf32, #tpu.memory_space<hbm>>
    %dma_start3A_327 = arith.constant 0 : i32
    %dma_start3A_328 = tpu.memref_slice %arg7[%arg0, %add3A_318, %dma_start3A_327] : memref<2x10240x128xf32, #tpu.memory_space<hbm>> -> memref<1x128x128xf32, #tpu.memory_space<hbm>>
    %dma_start3A_329 = tpu.memref_squeeze %dma_start3A_328 : memref<1x128x128xf32, #tpu.memory_space<hbm>> -> memref<128x128xf32, #tpu.memory_space<hbm>>
    %dma_start3A_330 = arith.constant 0 : i32
    %dma_start3A_331 = arith.constant 0 : i32
    %dma_start3A_332 = tpu.memref_slice %arg11[%dma_start3A_319, %dma_start3A_330, %dma_start3A_331] : memref<2x128x128xf32, #tpu.memory_space<vmem>> -> memref<1x128x128xf32, #tpu.memory_space<vmem>>
    %dma_start3A_333 = tpu.memref_squeeze %dma_start3A_332 : memref<1x128x128xf32, #tpu.memory_space<vmem>> -> memref<128x128xf32, #tpu.memory_space<vmem>>
    tpu.enqueue_dma source(%dma_start3A_333 : memref<128x128xf32, #tpu.memory_space<vmem>>) target(%dma_start3A_329 : memref<128x128xf32, #tpu.memory_space<hbm>>) target_semaphore(%arg16 : memref<!tpu.dma_semaphore, #tpu.memory_space<semaphore_mem>>)
    %dma_wait3A_334 = arith.constant 0 : i32
    %dma_wait3A_335 = arith.constant 0 : i32
    %dma_wait3A_336 = arith.constant 0 : i32
    %dma_wait3A_337 = tpu.memref_slice %arg11[%dma_wait3A_334, %dma_wait3A_335, %dma_wait3A_336] : memref<2x128x128xf32, #tpu.memory_space<vmem>> -> memref<1x128x128xf32, #tpu.memory_space<vmem>>
    %dma_wait3A_338 = tpu.memref_squeeze %dma_wait3A_337 : memref<1x128x128xf32, #tpu.memory_space<vmem>> -> memref<128x128xf32, #tpu.memory_space<vmem>>
    %dma_wait3A_339 = arith.constant 0 : i32
    %dma_wait3A_340 = tpu.memref_slice %arg7[%arg0, %add3A_318, %dma_wait3A_339] : memref<2x10240x128xf32, #tpu.memory_space<hbm>> -> memref<1x128x128xf32, #tpu.memory_space<hbm>>
    %dma_wait3A_341 = tpu.memref_squeeze %dma_wait3A_340 : memref<1x128x128xf32, #tpu.memory_space<hbm>> -> memref<128x128xf32, #tpu.memory_space<hbm>>
    %dma_wait3A_342 = arith.constant 0 : i32
    %dma_wait3A_343 = tpu.memref_slice %arg7[%arg0, %add3A_318, %dma_wait3A_342] : memref<2x10240x128xf32, #tpu.memory_space<hbm>> -> memref<1x128x128xf32, #tpu.memory_space<hbm>>
    %dma_wait3A_344 = tpu.memref_squeeze %dma_wait3A_343 : memref<1x128x128xf32, #tpu.memory_space<hbm>> -> memref<128x128xf32, #tpu.memory_space<hbm>>
    %dma_wait3A_345 = arith.constant 0 : i32
    %dma_wait3A_346 = arith.constant 0 : i32
    %dma_wait3A_347 = tpu.memref_slice %arg11[%dma_wait3A_334, %dma_wait3A_345, %dma_wait3A_346] : memref<2x128x128xf32, #tpu.memory_space<vmem>> -> memref<1x128x128xf32, #tpu.memory_space<vmem>>
    %dma_wait3A_348 = tpu.memref_squeeze %dma_wait3A_347 : memref<1x128x128xf32, #tpu.memory_space<vmem>> -> memref<128x128xf32, #tpu.memory_space<vmem>>
    tpu.wait_dma2 semaphore(%arg16 : memref<!tpu.dma_semaphore, #tpu.memory_space<semaphore_mem>>) src(%dma_wait3A_348 : memref<128x128xf32, #tpu.memory_space<vmem>>) dst(%dma_wait3A_344 : memref<128x128xf32, #tpu.memory_space<hbm>>)
    %add3A_349 = arith.constant 512 : i32
    %add3A_350 = arith.addi %mul3A_2, %add3A_349 : i32
    %dma_start3A_351 = arith.constant 0 : i32
    %dma_start3A_352 = arith.constant 0 : i32
    %dma_start3A_353 = arith.constant 0 : i32
    %dma_start3A_354 = tpu.memref_slice %arg11[%dma_start3A_351, %dma_start3A_352, %dma_start3A_353] : memref<2x128x128xf32, #tpu.memory_space<vmem>> -> memref<1x128x128xf32, #tpu.memory_space<vmem>>
    %dma_start3A_355 = tpu.memref_squeeze %dma_start3A_354 : memref<1x128x128xf32, #tpu.memory_space<vmem>> -> memref<128x128xf32, #tpu.memory_space<vmem>>
    %dma_start3A_356 = arith.constant 0 : i32
    %dma_start3A_357 = tpu.memref_slice %arg13[%add3A_350, %dma_start3A_356] : memref<10240x128xf32, #tpu.memory_space<vmem_shared>> -> memref<128x128xf32, #tpu.memory_space<vmem_shared>>
    %dma_start3A_358 = arith.constant 0 : i32
    %dma_start3A_359 = arith.constant 0 : i32
    %dma_start3A_360 = tpu.memref_slice %arg11[%dma_start3A_351, %dma_start3A_358, %dma_start3A_359] : memref<2x128x128xf32, #tpu.memory_space<vmem>> -> memref<1x128x128xf32, #tpu.memory_space<vmem>>
    %dma_start3A_361 = tpu.memref_squeeze %dma_start3A_360 : memref<1x128x128xf32, #tpu.memory_space<vmem>> -> memref<128x128xf32, #tpu.memory_space<vmem>>
    %dma_start3A_362 = arith.constant 0 : i32
    %dma_start3A_363 = tpu.memref_slice %arg13[%add3A_350, %dma_start3A_362] : memref<10240x128xf32, #tpu.memory_space<vmem_shared>> -> memref<128x128xf32, #tpu.memory_space<vmem_shared>>
    tpu.enqueue_dma source(%dma_start3A_363 : memref<128x128xf32, #tpu.memory_space<vmem_shared>>) target(%dma_start3A_361 : memref<128x128xf32, #tpu.memory_space<vmem>>) target_semaphore(%arg14 : memref<!tpu.dma_semaphore, #tpu.memory_space<semaphore_mem>>)
    %dma_wait3A_364 = arith.constant 1 : i32
    %dma_wait3A_365 = arith.constant 0 : i32
    %dma_wait3A_366 = arith.constant 0 : i32
    %dma_wait3A_367 = tpu.memref_slice %arg11[%dma_wait3A_364, %dma_wait3A_365, %dma_wait3A_366] : memref<2x128x128xf32, #tpu.memory_space<vmem>> -> memref<1x128x128xf32, #tpu.memory_space<vmem>>
    %dma_wait3A_368 = tpu.memref_squeeze %dma_wait3A_367 : memref<1x128x128xf32, #tpu.memory_space<vmem>> -> memref<128x128xf32, #tpu.memory_space<vmem>>
    %dma_wait3A_369 = arith.constant 0 : i32
    %dma_wait3A_370 = tpu.memref_slice %arg13[%add3A_290, %dma_wait3A_369] : memref<10240x128xf32, #tpu.memory_space<vmem_shared>> -> memref<128x128xf32, #tpu.memory_space<vmem_shared>>
    %dma_wait3A_371 = arith.constant 0 : i32
    %dma_wait3A_372 = arith.constant 0 : i32
    %dma_wait3A_373 = tpu.memref_slice %arg11[%dma_wait3A_364, %dma_wait3A_371, %dma_wait3A_372] : memref<2x128x128xf32, #tpu.memory_space<vmem>> -> memref<1x128x128xf32, #tpu.memory_space<vmem>>
    %dma_wait3A_374 = tpu.memref_squeeze %dma_wait3A_373 : memref<1x128x128xf32, #tpu.memory_space<vmem>> -> memref<128x128xf32, #tpu.memory_space<vmem>>
    %dma_wait3A_375 = arith.constant 0 : i32
    %dma_wait3A_376 = tpu.memref_slice %arg13[%add3A_290, %dma_wait3A_375] : memref<10240x128xf32, #tpu.memory_space<vmem_shared>> -> memref<128x128xf32, #tpu.memory_space<vmem_shared>>
    tpu.wait_dma2 semaphore(%arg14 : memref<!tpu.dma_semaphore, #tpu.memory_space<semaphore_mem>>) src(%dma_wait3A_376 : memref<128x128xf32, #tpu.memory_space<vmem_shared>>) dst(%dma_wait3A_374 : memref<128x128xf32, #tpu.memory_space<vmem>>)
    %add3A_377 = arith.constant 384 : i32
    %add3A_378 = arith.addi %mul3A_2, %add3A_377 : i32
    %dma_start3A_379 = arith.constant 1 : i32
    %dma_start3A_380 = arith.constant 0 : i32
    %dma_start3A_381 = arith.constant 0 : i32
    %dma_start3A_382 = tpu.memref_slice %arg11[%dma_start3A_379, %dma_start3A_380, %dma_start3A_381] : memref<2x128x128xf32, #tpu.memory_space<vmem>> -> memref<1x128x128xf32, #tpu.memory_space<vmem>>
    %dma_start3A_383 = tpu.memref_squeeze %dma_start3A_382 : memref<1x128x128xf32, #tpu.memory_space<vmem>> -> memref<128x128xf32, #tpu.memory_space<vmem>>
    %dma_start3A_384 = arith.constant 0 : i32
    %dma_start3A_385 = tpu.memref_slice %arg7[%arg0, %add3A_378, %dma_start3A_384] : memref<2x10240x128xf32, #tpu.memory_space<hbm>> -> memref<1x128x128xf32, #tpu.memory_space<hbm>>
    %dma_start3A_386 = tpu.memref_squeeze %dma_start3A_385 : memref<1x128x128xf32, #tpu.memory_space<hbm>> -> memref<128x128xf32, #tpu.memory_space<hbm>>
    %dma_start3A_387 = arith.constant 0 : i32
    %dma_start3A_388 = tpu.memref_slice %arg7[%arg0, %add3A_378, %dma_start3A_387] : memref<2x10240x128xf32, #tpu.memory_space<hbm>> -> memref<1x128x128xf32, #tpu.memory_space<hbm>>
    %dma_start3A_389 = tpu.memref_squeeze %dma_start3A_388 : memref<1x128x128xf32, #tpu.memory_space<hbm>> -> memref<128x128xf32, #tpu.memory_space<hbm>>
    %dma_start3A_390 = arith.constant 0 : i32
    %dma_start3A_391 = arith.constant 0 : i32
    %dma_start3A_392 = tpu.memref_slice %arg11[%dma_start3A_379, %dma_start3A_390, %dma_start3A_391] : memref<2x128x128xf32, #tpu.memory_space<vmem>> -> memref<1x128x128xf32, #tpu.memory_space<vmem>>
    %dma_start3A_393 = tpu.memref_squeeze %dma_start3A_392 : memref<1x128x128xf32, #tpu.memory_space<vmem>> -> memref<128x128xf32, #tpu.memory_space<vmem>>
    tpu.enqueue_dma source(%dma_start3A_393 : memref<128x128xf32, #tpu.memory_space<vmem>>) target(%dma_start3A_389 : memref<128x128xf32, #tpu.memory_space<hbm>>) target_semaphore(%arg16 : memref<!tpu.dma_semaphore, #tpu.memory_space<semaphore_mem>>)
    %dma_wait3A_394 = arith.constant 0 : i32
    %dma_wait3A_395 = arith.constant 0 : i32
    %dma_wait3A_396 = arith.constant 0 : i32
    %dma_wait3A_397 = tpu.memref_slice %arg11[%dma_wait3A_394, %dma_wait3A_395, %dma_wait3A_396] : memref<2x128x128xf32, #tpu.memory_space<vmem>> -> memref<1x128x128xf32, #tpu.memory_space<vmem>>
    %dma_wait3A_398 = tpu.memref_squeeze %dma_wait3A_397 : memref<1x128x128xf32, #tpu.memory_space<vmem>> -> memref<128x128xf32, #tpu.memory_space<vmem>>
    %dma_wait3A_399 = arith.constant 0 : i32
    %dma_wait3A_400 = tpu.memref_slice %arg13[%add3A_350, %dma_wait3A_399] : memref<10240x128xf32, #tpu.memory_space<vmem_shared>> -> memref<128x128xf32, #tpu.memory_space<vmem_shared>>
    %dma_wait3A_401 = arith.constant 0 : i32
    %dma_wait3A_402 = arith.constant 0 : i32
    %dma_wait3A_403 = tpu.memref_slice %arg11[%dma_wait3A_394, %dma_wait3A_401, %dma_wait3A_402] : memref<2x128x128xf32, #tpu.memory_space<vmem>> -> memref<1x128x128xf32, #tpu.memory_space<vmem>>
    %dma_wait3A_404 = tpu.memref_squeeze %dma_wait3A_403 : memref<1x128x128xf32, #tpu.memory_space<vmem>> -> memref<128x128xf32, #tpu.memory_space<vmem>>
    %dma_wait3A_405 = arith.constant 0 : i32
    %dma_wait3A_406 = tpu.memref_slice %arg13[%add3A_350, %dma_wait3A_405] : memref<10240x128xf32, #tpu.memory_space<vmem_shared>> -> memref<128x128xf32, #tpu.memory_space<vmem_shared>>
    tpu.wait_dma2 semaphore(%arg14 : memref<!tpu.dma_semaphore, #tpu.memory_space<semaphore_mem>>) src(%dma_wait3A_406 : memref<128x128xf32, #tpu.memory_space<vmem_shared>>) dst(%dma_wait3A_404 : memref<128x128xf32, #tpu.memory_space<vmem>>)
    %add3A_407 = arith.constant 512 : i32
    %add3A_408 = arith.addi %mul3A_2, %add3A_407 : i32
    %dma_start3A_409 = arith.constant 0 : i32
    %dma_start3A_410 = arith.constant 0 : i32
    %dma_start3A_411 = arith.constant 0 : i32
    %dma_start3A_412 = tpu.memref_slice %arg11[%dma_start3A_409, %dma_start3A_410, %dma_start3A_411] : memref<2x128x128xf32, #tpu.memory_space<vmem>> -> memref<1x128x128xf32, #tpu.memory_space<vmem>>
    %dma_start3A_413 = tpu.memref_squeeze %dma_start3A_412 : memref<1x128x128xf32, #tpu.memory_space<vmem>> -> memref<128x128xf32, #tpu.memory_space<vmem>>
    %dma_start3A_414 = arith.constant 0 : i32
    %dma_start3A_415 = tpu.memref_slice %arg7[%arg0, %add3A_408, %dma_start3A_414] : memref<2x10240x128xf32, #tpu.memory_space<hbm>> -> memref<1x128x128xf32, #tpu.memory_space<hbm>>
    %dma_start3A_416 = tpu.memref_squeeze %dma_start3A_415 : memref<1x128x128xf32, #tpu.memory_space<hbm>> -> memref<128x128xf32, #tpu.memory_space<hbm>>
    %dma_start3A_417 = arith.constant 0 : i32
    %dma_start3A_418 = tpu.memref_slice %arg7[%arg0, %add3A_408, %dma_start3A_417] : memref<2x10240x128xf32, #tpu.memory_space<hbm>> -> memref<1x128x128xf32, #tpu.memory_space<hbm>>
    %dma_start3A_419 = tpu.memref_squeeze %dma_start3A_418 : memref<1x128x128xf32, #tpu.memory_space<hbm>> -> memref<128x128xf32, #tpu.memory_space<hbm>>
    %dma_start3A_420 = arith.constant 0 : i32
    %dma_start3A_421 = arith.constant 0 : i32
    %dma_start3A_422 = tpu.memref_slice %arg11[%dma_start3A_409, %dma_start3A_420, %dma_start3A_421] : memref<2x128x128xf32, #tpu.memory_space<vmem>> -> memref<1x128x128xf32, #tpu.memory_space<vmem>>
    %dma_start3A_423 = tpu.memref_squeeze %dma_start3A_422 : memref<1x128x128xf32, #tpu.memory_space<vmem>> -> memref<128x128xf32, #tpu.memory_space<vmem>>
    tpu.enqueue_dma source(%dma_start3A_423 : memref<128x128xf32, #tpu.memory_space<vmem>>) target(%dma_start3A_419 : memref<128x128xf32, #tpu.memory_space<hbm>>) target_semaphore(%arg16 : memref<!tpu.dma_semaphore, #tpu.memory_space<semaphore_mem>>)
    %dma_wait3A_424 = arith.constant 1 : i32
    %dma_wait3A_425 = arith.constant 0 : i32
    %dma_wait3A_426 = arith.constant 0 : i32
    %dma_wait3A_427 = tpu.memref_slice %arg11[%dma_wait3A_424, %dma_wait3A_425, %dma_wait3A_426] : memref<2x128x128xf32, #tpu.memory_space<vmem>> -> memref<1x128x128xf32, #tpu.memory_space<vmem>>
    %dma_wait3A_428 = tpu.memref_squeeze %dma_wait3A_427 : memref<1x128x128xf32, #tpu.memory_space<vmem>> -> memref<128x128xf32, #tpu.memory_space<vmem>>
    %dma_wait3A_429 = arith.constant 0 : i32
    %dma_wait3A_430 = tpu.memref_slice %arg7[%arg0, %add3A_378, %dma_wait3A_429] : memref<2x10240x128xf32, #tpu.memory_space<hbm>> -> memref<1x128x128xf32, #tpu.memory_space<hbm>>
    %dma_wait3A_431 = tpu.memref_squeeze %dma_wait3A_430 : memref<1x128x128xf32, #tpu.memory_space<hbm>> -> memref<128x128xf32, #tpu.memory_space<hbm>>
    %dma_wait3A_432 = arith.constant 0 : i32
    %dma_wait3A_433 = tpu.memref_slice %arg7[%arg0, %add3A_378, %dma_wait3A_432] : memref<2x10240x128xf32, #tpu.memory_space<hbm>> -> memref<1x128x128xf32, #tpu.memory_space<hbm>>
    %dma_wait3A_434 = tpu.memref_squeeze %dma_wait3A_433 : memref<1x128x128xf32, #tpu.memory_space<hbm>> -> memref<128x128xf32, #tpu.memory_space<hbm>>
    %dma_wait3A_435 = arith.constant 0 : i32
    %dma_wait3A_436 = arith.constant 0 : i32
    %dma_wait3A_437 = tpu.memref_slice %arg11[%dma_wait3A_424, %dma_wait3A_435, %dma_wait3A_436] : memref<2x128x128xf32, #tpu.memory_space<vmem>> -> memref<1x128x128xf32, #tpu.memory_space<vmem>>
    %dma_wait3A_438 = tpu.memref_squeeze %dma_wait3A_437 : memref<1x128x128xf32, #tpu.memory_space<vmem>> -> memref<128x128xf32, #tpu.memory_space<vmem>>
    tpu.wait_dma2 semaphore(%arg16 : memref<!tpu.dma_semaphore, #tpu.memory_space<semaphore_mem>>) src(%dma_wait3A_438 : memref<128x128xf32, #tpu.memory_space<vmem>>) dst(%dma_wait3A_434 : memref<128x128xf32, #tpu.memory_space<hbm>>)
    %dma_wait3A_439 = arith.constant 0 : i32
    %dma_wait3A_440 = arith.constant 0 : i32
    %dma_wait3A_441 = arith.constant 0 : i32
    %dma_wait3A_442 = tpu.memref_slice %arg11[%dma_wait3A_439, %dma_wait3A_440, %dma_wait3A_441] : memref<2x128x128xf32, #tpu.memory_space<vmem>> -> memref<1x128x128xf32, #tpu.memory_space<vmem>>
    %dma_wait3A_443 = tpu.memref_squeeze %dma_wait3A_442 : memref<1x128x128xf32, #tpu.memory_space<vmem>> -> memref<128x128xf32, #tpu.memory_space<vmem>>
    %dma_wait3A_444 = arith.constant 0 : i32
    %dma_wait3A_445 = tpu.memref_slice %arg7[%arg0, %add3A_408, %dma_wait3A_444] : memref<2x10240x128xf32, #tpu.memory_space<hbm>> -> memref<1x128x128xf32, #tpu.memory_space<hbm>>
    %dma_wait3A_446 = tpu.memref_squeeze %dma_wait3A_445 : memref<1x128x128xf32, #tpu.memory_space<hbm>> -> memref<128x128xf32, #tpu.memory_space<hbm>>
    %dma_wait3A_447 = arith.constant 0 : i32
    %dma_wait3A_448 = tpu.memref_slice %arg7[%arg0, %add3A_408, %dma_wait3A_447] : memref<2x10240x128xf32, #tpu.memory_space<hbm>> -> memref<1x128x128xf32, #tpu.memory_space<hbm>>
    %dma_wait3A_449 = tpu.memref_squeeze %dma_wait3A_448 : memref<1x128x128xf32, #tpu.memory_space<hbm>> -> memref<128x128xf32, #tpu.memory_space<hbm>>
    %dma_wait3A_450 = arith.constant 0 : i32
    %dma_wait3A_451 = arith.constant 0 : i32
    %dma_wait3A_452 = tpu.memref_slice %arg11[%dma_wait3A_439, %dma_wait3A_450, %dma_wait3A_451] : memref<2x128x128xf32, #tpu.memory_space<vmem>> -> memref<1x128x128xf32, #tpu.memory_space<vmem>>
    %dma_wait3A_453 = tpu.memref_squeeze %dma_wait3A_452 : memref<1x128x128xf32, #tpu.memory_space<vmem>> -> memref<128x128xf32, #tpu.memory_space<vmem>>
    tpu.wait_dma2 semaphore(%arg16 : memref<!tpu.dma_semaphore, #tpu.memory_space<semaphore_mem>>) src(%dma_wait3A_453 : memref<128x128xf32, #tpu.memory_space<vmem>>) dst(%dma_wait3A_449 : memref<128x128xf32, #tpu.memory_space<hbm>>)
    %dma_wait3A_454 = arith.constant 0 : i32
    %dma_wait3A_455 = tpu.memref_slice %arg8[%add3A, %dma_wait3A_454] : memref<32x10240xf32, #tpu.memory_space<hbm>> -> memref<1x10240xf32, #tpu.memory_space<hbm>>
    %dma_wait3A_456 = tpu.memref_squeeze %dma_wait3A_455 : memref<1x10240xf32, #tpu.memory_space<hbm>> -> memref<10240xf32, #tpu.memory_space<hbm>>
    %dma_wait3A_457 = arith.constant 0 : i32
    %dma_wait3A_458 = tpu.memref_slice %arg8[%add3A, %dma_wait3A_457] : memref<32x10240xf32, #tpu.memory_space<hbm>> -> memref<1x10240xf32, #tpu.memory_space<hbm>>
    %dma_wait3A_459 = tpu.memref_squeeze %dma_wait3A_458 : memref<1x10240xf32, #tpu.memory_space<hbm>> -> memref<10240xf32, #tpu.memory_space<hbm>>
    tpu.wait_dma2 semaphore(%arg16 : memref<!tpu.dma_semaphore, #tpu.memory_space<semaphore_mem>>) src(%arg12 : memref<10240xf32, #tpu.memory_space<vmem>>) dst(%dma_wait3A_459 : memref<10240xf32, #tpu.memory_space<hbm>>)
    return
  }
}

module attributes {stable_mosaic.version = 14 : i64} {
  func.func @_tc_finalize_body(%arg0: i32, %arg1: memref<2x1024x128xf32, #tpu.memory_space<vmem>>, %arg2: memref<32x1024xf32, #tpu.memory_space<vmem>>, %arg3: memref<1024x128xf32, #tpu.memory_space<vmem>>, %arg4: memref<128x128xf32, #tpu.memory_space<vmem>>, %arg5: memref<1x128xf32, #tpu.memory_space<vmem>>, %arg6: memref<32x1xf32, #tpu.memory_space<vmem>>, %arg7: memref<1024x128xf32, #tpu.memory_space<vmem>>) attributes {dimension_semantics = [#tpu.dimension_semantics<arbitrary>], iteration_bounds = array<i64: 10>, scalar_prefetch = 0 : i64, scratch_operands = 0 : i64, tpu.core_type = #tpu.core_type<tc>, window_params = [{transform_indices = @transform_0, window_bounds = array<i64: 2, 1024, 128>}, {transform_indices = @transform_1, window_bounds = array<i64: 32, 1024>}, {transform_indices = @transform_2, window_bounds = array<i64: 1024, 128>}, {pipeline_mode = #tpu.pipeline_mode<synchronous>, transform_indices = @transform_3, window_bounds = array<i64: 128, 128>}, {pipeline_mode = #tpu.pipeline_mode<synchronous>, transform_indices = @transform_4, window_bounds = array<i64: 1, 128>}, {pipeline_mode = #tpu.pipeline_mode<synchronous>, transform_indices = @transform_5, window_bounds = array<i64: 32, 1>}, {transform_indices = @transform_6, window_bounds = array<i64: 1024, 128>}]} {
    %get3A = arith.constant 0 : index
    %get3A_0 = arith.constant 0 : index
    %get3A_1 = arith.constant 0 : index
    %get3A_2 = vector.load %arg1[%get3A, %get3A_0, %get3A_1] : memref<2x1024x128xf32, #tpu.memory_space<vmem>>, vector<1x1024x128xf32>
    %get3A_3 = vector.shape_cast %get3A_2 : vector<1x1024x128xf32> to vector<1024x128xf32>
    %get3A_4 = arith.constant 1 : index
    %get3A_5 = arith.constant 0 : index
    %get3A_6 = arith.constant 0 : index
    %get3A_7 = vector.load %arg1[%get3A_4, %get3A_5, %get3A_6] : memref<2x1024x128xf32, #tpu.memory_space<vmem>>, vector<1x1024x128xf32>
    %get3A_8 = vector.shape_cast %get3A_7 : vector<1x1024x128xf32> to vector<1024x128xf32>
    %add3A = arith.addf %get3A_3, %get3A_8 : vector<1024x128xf32>
    %get3A_9 = arith.constant 0 : index
    %get3A_10 = arith.constant 0 : index
    %get3A_11 = vector.load %arg2[%get3A_9, %get3A_10] : memref<32x1024xf32, #tpu.memory_space<vmem>>, vector<32x1024xf32>
    %get3A_12 = arith.constant 0 : index
    %get3A_13 = arith.constant 0 : index
    %get3A_14 = vector.load %arg6[%get3A_12, %get3A_13] : memref<32x1xf32, #tpu.memory_space<vmem>>, vector<32x1xf32>
    %dot_general3A = arith.constant dense<0.000000e+00> : vector<1024x1xf32>
    %dot_general3A_15 = tpu.matmul %get3A_11, %get3A_14, %dot_general3A {dimension_numbers = #tpu.dot_dimension_numbers<[0], [0], [1], [1], [0, 1, 1, 1], [], []>, transpose_lhs_hint = false} : vector<32x1024xf32>, vector<32x1xf32>, vector<1024x1xf32> -> vector<1024x1xf32>
    %get3A_16 = arith.constant 0 : index
    %get3A_17 = arith.constant 0 : index
    %get3A_18 = vector.load %arg3[%get3A_16, %get3A_17] : memref<1024x128xf32, #tpu.memory_space<vmem>>, vector<1024x128xf32>
    %add3A_19 = arith.addf %add3A, %get3A_18 : vector<1024x128xf32>
    %max3A = arith.constant 1.000000e+00 : f32
    %max3A_20 = vector.broadcast %max3A : f32 to vector<1024x1xf32>
    %max3A_21 = arith.maximumf %dot_general3A_15, %max3A_20 : vector<1024x1xf32>
    %rsqrt3A = math.rsqrt %max3A_21 : vector<1024x1xf32>
    %mul3A = vector.broadcast %rsqrt3A : vector<1024x1xf32> to vector<1024x128xf32>
    %mul3A_22 = arith.mulf %add3A_19, %mul3A : vector<1024x128xf32>
    %get3A_23 = arith.constant 0 : index
    %get3A_24 = arith.constant 0 : index
    %get3A_25 = vector.load %arg4[%get3A_23, %get3A_24] : memref<128x128xf32, #tpu.memory_space<vmem>>, vector<128x128xf32>
    %dot_general3A_26 = arith.constant dense<0.000000e+00> : vector<1024x128xf32>
    %dot_general3A_27 = tpu.matmul %mul3A_22, %get3A_25, %dot_general3A_26 {dimension_numbers = #tpu.dot_dimension_numbers<[1], [1], [0], [0], [0, 0, 1, 0], [], []>, transpose_lhs_hint = false} : vector<1024x128xf32>, vector<128x128xf32>, vector<1024x128xf32> -> vector<1024x128xf32>
    %get3A_28 = arith.constant 0 : index
    %get3A_29 = arith.constant 0 : index
    %get3A_30 = vector.load %arg5[%get3A_28, %get3A_29] : memref<1x128xf32, #tpu.memory_space<vmem>>, vector<1x128xf32>
    %add3A_31 = vector.broadcast %get3A_30 : vector<1x128xf32> to vector<1024x128xf32>
    %add3A_32 = arith.addf %dot_general3A_27, %add3A_31 : vector<1024x128xf32>
    %swap3A = arith.constant 0 : index
    %swap3A_33 = arith.constant 0 : index
    %swap3A_34 = vector.load %arg7[%swap3A, %swap3A_33] : memref<1024x128xf32, #tpu.memory_space<vmem>>, vector<1024x128xf32>
    tpu.vector_store %arg7[%swap3A, %swap3A_33], %add3A_32 {strides = array<i32>} : memref<1024x128xf32, #tpu.memory_space<vmem>>, vector<1024x128xf32>,
    return
  }
  func.func @transform_0(%arg0: i32) -> (i32, i32, i32) {
    %c0_i32 = arith.constant 0 : i32
    %c0_i32_0 = arith.constant 0 : i32
    %c0_i32_1 = arith.constant 0 : i32
    return %c0_i32, %arg0, %c0_i32_0 : i32, i32, i32
  }
  func.func @transform_1(%arg0: i32) -> (i32, i32) {
    %c0_i32 = arith.constant 0 : i32
    %c0_i32_0 = arith.constant 0 : i32
    return %c0_i32, %arg0 : i32, i32
  }
  func.func @transform_2(%arg0: i32) -> (i32, i32) {
    %c0_i32 = arith.constant 0 : i32
    %c0_i32_0 = arith.constant 0 : i32
    return %arg0, %c0_i32 : i32, i32
  }
  func.func @transform_3(%arg0: i32) -> (i32, i32) {
    %c0_i32 = arith.constant 0 : i32
    %c0_i32_0 = arith.constant 0 : i32
    %c0_i32_1 = arith.constant 0 : i32
    return %c0_i32, %c0_i32_0 : i32, i32
  }
  func.func @transform_4(%arg0: i32) -> (i32, i32) {
    %c0_i32 = arith.constant 0 : i32
    %c0_i32_0 = arith.constant 0 : i32
    %c0_i32_1 = arith.constant 0 : i32
    return %c0_i32, %c0_i32_0 : i32, i32
  }
  func.func @transform_5(%arg0: i32) -> (i32, i32) {
    %c0_i32 = arith.constant 0 : i32
    %c0_i32_0 = arith.constant 0 : i32
    %c0_i32_1 = arith.constant 0 : i32
    return %c0_i32, %c0_i32_0 : i32, i32
  }
  func.func @transform_6(%arg0: i32) -> (i32, i32) {
    %c0_i32 = arith.constant 0 : i32
    %c0_i32_0 = arith.constant 0 : i32
    return %arg0, %c0_i32 : i32, i32
  }
}

</mosaic_0001>

<sc_bundles>
// kernel: kernel.4.cloned.1.call-start
scs
__scs_entry_jumppad:
0x0: {  	(pc) =	sbr.rel $0x88, $3  }
0x1: {  	(tag) =	ssettag $0x0;
	lr =	simm.s32 $0x1  }
0x2: {  	[smem:$0x3F9D] =	sst lr;
	_ =	strace $0xD0000000  }
0x3: {  	_ = 	snop  }
0x4: {  	_ = 	snop  }
0x5: {  	_ = 	snop  }
0x6: {  	_ = 	snop  }
0x7: {  	_ = 	snop  }
__scs_overlays_trampoline_lowered:
0x8: {  	[smem:$0x3FAC] =	sst s0  }
0x9: {  	[smem:$0x3FAD] =	sst s1  }
0xa: {  	[smem:$0x3FAE] =	sst s2  }
0xb: {  	[smem:$0x3FAF] =	sst s3  }
0xc: {  	[smem:$0x3FB0] =	sst s4  }
0xd: {  	[smem:$0x3FB1] =	sst s5  }
0xe: {  	[smem:$0x3FB2] =	sst s6  }
0xf: {  	[smem:$0x3FB3] =	sst s7  }
0x10: {  	[smem:$0x3FB4] =	sst s8  }
0x11: {  	[smem:$0x3FB5] =	sst s9;
	s0 =	simm.s32 @!p0 $0x0  }
0x12: {  	s1 =	sld [smem:$0x3F9B];
	s0 =	simm.s32 @p0 $0x1  }
0x13: {  	[smem:$0x3FB6] =	sst s0;
	s0 =	simm.s32 @!p1 $0x0  }
0x14: {  	s2 =	sld [smem:$0x3F9A];
	s0 =	simm.s32 @p1 $0x1  }
0x15: {  	[smem:$0x3FB7] =	sst s0;
	s0 =	simm.s32 @!p2 $0x0  }
0x16: {  	s3 =	sld [smem:$0x3FDB];
	s0 =	simm.s32 @p2 $0x1  }
0x17: {  	s4 =	simm.s32 $0x1BF5;
	[smem:$0x3FB9] =	sst s0  }
0x18: {  	s0 =	sld [smem:$0x3F9C];
	_ =	swait.ge [sflag:s4], $0x0  }
0x19: {  	s7 =	sld [smem:$0x3F9D]  }
0x1a: {  	s8 =	sadd.s32 $0xFFFFE003, lr  }
0x1b: {  	s9 =	sadd.s32 $0xFFFFFEF7, lr;
	s5 =	simm.s32 $0xFFFFFFFF;
	p2 =	slt.u32 s8, $0xFFFFF086  }
0x1c: {  	p1 =	slt.u32 s9, $0xF7A;
	s5 =	simm.s32 @!p2 $0x0  }
0x1d: {  	s5 =	simm.s32 @p1 $0x1;
	p0 =	seq.s32 s7, s2  }
0x1e: {  	s7 =	smul.u32 @!p0 $0xF7A, s2;
	p2 =	seq.s32 @!p0 s5, $0x0  }
0x1f: {  	s9 =	smul.u32 $0xF7A, s1;
	s8 =	simm.s32 @!p0 $0x1BF5;
	p2 =	por !p2, p0  }
0x20: {  	[sflag:s8] =	ssyncset.s32 @!p0 $0xFFFFF086;
	s6 =	sadd.s32 @!p0 s3, s7;
	s7 =	simm.s32 @!p0 $0x108  }
0x21: {  	s3 =	sadd.s32 s3, s9;
	s6 =	sadd.s32 @!p0 $0x88, s6;
	s7 =	simm.s32 @p2 $0x1082  }
0x22: {  	[simem:s7], [sflag:s8] =	dma.local @!p0 [hbm:s6], $0xF7A  }
0x23: {  	s9 =	sor.u32 $0xD0000000, s2;
	s6 =	simm.s32 $0x108;
	_ =	swait.ge @!p0 [sflag:s8], $0x0  }
0x24: {  	s3 =	sadd.s32 $0x88, s3;
	s6 =	simm.s32 @!p1 $0x1082;
	[sflag:s4] =	ssyncset.s32 $0xFFFFF086  }
0x25: {  	[simem:s6], [sflag:s4] =	dma.local [hbm:s3], $0xF7A  }
0x26: {  	[smem:$0x3F9D] =	sst s1;
	(tag) =	ssettag s2;
	_ =	strace s9  }
0x27: {  	s1 =	sld [smem:$0x3FAD]  }
0x28: {  	s2 =	sld [smem:$0x3FAE]  }
0x29: {  	s4 =	sld [smem:$0x3FB0]  }
0x2a: {  	p0 =	seq.s32 s5, $0x0;
	s5 =	sld [smem:$0x3FB1]  }
0x2b: {  	s6 =	sld [smem:$0x3FB2]  }
0x2c: {  	s7 =	sld [smem:$0x3FB3]  }
0x2d: {  	s3 =	simm.s32 $0x108;
	s8 =	sld [smem:$0x3FB4]  }
0x2e: {  	s3 =	simm.s32 @!p0 $0x1082;
	s9 =	sld [smem:$0x3FB5]  }
0x2f: {  	lr =	sadd.s32 s0, s3;
	s0 =	sld [smem:$0x3FAC]  }
0x30: {  	s3 =	sld [smem:$0x3FAF]  }
0x31: {  	[smem:$0x3FB8] =	sst s10  }
0x32: {  	s10 =	sld [smem:$0x3FB6];
	_ =	sdelay $0x3  }
0x33: {  	p0 =	seq.s32 s10, $0x1;
	s10 =	sld [smem:$0x3FB8];
	_ =	sdelay $0x3  }
0x34: {  	[smem:$0x3FB8] =	sst s10  }
0x35: {  	s10 =	sld [smem:$0x3FB7];
	_ =	sdelay $0x3  }
0x36: {  	p1 =	seq.s32 s10, $0x1;
	s10 =	sld [smem:$0x3FB8];
	_ =	sdelay $0x3  }
0x37: {  	[smem:$0x3FB8] =	sst s10  }
0x38: {  	s10 =	sld [smem:$0x3FB9]  }
0x39: {  	_ = 	snop;
	(pc) =	sbr.ind lr, $3  }
0x3a: {  	_ = 	snop  }
0x3b: {  	_ = 	snop  }
0x3c: {  	p2 =	seq.s32 s10, $0x1;
	s10 =	sld [smem:$0x3FB8]  }
0x3d: {  	_ =	shalt  }
0x3e: {  	_ =	shalt  }
0x3f: {  	_ =	shalt  }
0x40: {  	_ =	shalt  }
0x41: {  	_ =	shalt  }
0x42: {  	_ =	shalt  }
0x43: {  	_ =	shalt  }
0x44: {  	_ =	shalt  }
0x45: {  	_ =	shalt  }
0x46: {  	_ =	shalt  }
0x47: {  	_ =	shalt  }
0x48: {  	_ =	shalt  }
0x49: {  	_ =	shalt  }
0x4a: {  	_ =	shalt  }
0x4b: {  	_ =	shalt  }
0x4c: {  	_ =	shalt  }
0x4d: {  	_ =	shalt  }
0x4e: {  	_ =	shalt  }
0x4f: {  	_ =	shalt  }
0x50: {  	_ =	shalt  }
0x51: {  	_ =	shalt  }
0x52: {  	_ =	shalt  }
0x53: {  	_ =	shalt  }
0x54: {  	_ =	shalt  }
0x55: {  	_ =	shalt  }
0x56: {  	_ =	shalt  }
0x57: {  	_ =	shalt  }
0x58: {  	_ =	shalt  }
0x59: {  	_ =	shalt  }
0x5a: {  	_ =	shalt  }
0x5b: {  	_ =	shalt  }
0x5c: {  	_ =	shalt  }
0x5d: {  	_ =	shalt  }
0x5e: {  	_ =	shalt  }
0x5f: {  	_ =	shalt  }
0x60: {  	_ =	shalt  }
0x61: {  	_ =	shalt  }
0x62: {  	_ =	shalt  }
0x63: {  	_ =	shalt  }
0x64: {  	_ =	shalt  }
0x65: {  	_ =	shalt  }
0x66: {  	_ =	shalt  }
0x67: {  	_ =	shalt  }
0x68: {  	_ =	shalt  }
0x69: {  	_ =	shalt  }
0x6a: {  	_ =	shalt  }
0x6b: {  	_ =	shalt  }
0x6c: {  	_ =	shalt  }
0x6d: {  	_ =	shalt  }
0x6e: {  	_ =	shalt  }
0x6f: {  	_ =	shalt  }
0x70: {  	_ =	shalt  }
0x71: {  	_ =	shalt  }
0x72: {  	_ =	shalt  }
0x73: {  	_ =	shalt  }
0x74: {  	_ =	shalt  }
0x75: {  	_ =	shalt  }
0x76: {  	_ =	shalt  }
0x77: {  	_ =	shalt  }
0x78: {  	_ =	shalt  }
0x79: {  	_ =	shalt  }
0x7a: {  	_ =	shalt  }
0x7b: {  	_ =	shalt  }
0x7c: {  	_ =	shalt  }
0x7d: {  	_ =	shalt  }
0x7e: {  	_ =	shalt  }
0x7f: {  	_ =	shalt  }
0x80: {  	_ =	shalt  }
0x81: {  	_ =	shalt  }
0x82: {  	_ =	shalt  }
0x83: {  	_ =	shalt  }
0x84: {  	_ =	shalt  }
0x85: {  	_ =	shalt  }
0x86: {  	_ =	shalt  }
0x87: {  	_ =	shalt  }
.Lfunc_end0:
.L_simem_size_0:
called_computation_lowered:
.L_overlay_start_0:
0x88: {  	s2 =	sld [smem:$0x3FD9]  }
0x89: {  	s3 =	sld [smem:$0x3FFE];
	_ =	sdelay $0x1  }
0x8a: {  	s1 =	srdreg.scid  }
0x8b: {  	s0 =	sand.u32 $0x1, s1  }
0x8c: {  	s17 =	sshll.u32 s0, $0xA;
	s2 =	sadd.s32 s3, s2  }
0x8d: {  	s2 =	sadd.s32 s2, s17  }
0x8e: {  	[smem:$0x3FC4] =	sst s2  }
0x8f: {  	_ = 	snop  }
0x90: {  	s2 =	sld [smem:$0x3FD0];
	(tm) =	ssettm $0x1  }
0x91: {  	s18 =	sld [smem:$0x3FFB];
	_ =	sdelay $0x3  }
0x92: {  	_ =	strace s18  }
0x93: {  	s3 =	sld [smem:$0x3FFC];
	_ =	sdelay $0x3  }
0x94: {  	_ =	strace s3  }
0x95: {  	s3 =	sld [smem:$0x3FFD];
	_ =	sdelay $0x3  }
0x96: {  	_ =	strace s3  }
0x97: {  	_ =	strace $0x8FFFFFFF  }
0x98: {  	s19 =	sld [smem:$0x3FDB];
	_ =	sdelay $0x1  }
0x99: {  	s4 =	simm.s32 $_scs_section_size  }
0x9a: {  	s5 =	simm.s32 $_size__tile_overlayer_lowered;
	s6 =	simm.s32 $_tile_overlayer_lowered  }
0x9b: {  	s22 =	simm.s32 $0x1BFF;
	s21 =	sshll.u32 s6, $0x1;
	s3 =	sadd.s32 s4, s19  }
0x9c: {  	s7 =	simm.s32 $0x0;
	s20 =	sshll.u32 s5, $0x1;
	s5 =	sadd.s32 s21, s3  }
0x9d: {  	[timem:s7], [sflag:s22] =	dma.local [hbm:s5], s20  }
0x9e: {  	_ =	swait.ge [sflag:s22], s20  }
0x9f: {  	s4 =	ssub.s32 $0x0, s20;
	[sflag:s22] =	ssyncset.done $0x0  }
0xa0: {  	[sflag:s22] =	ssyncadd.s32 s4;
	_ =	sdelay $0x1  }
0xa1: {  	s23 =	simm.s32 $0x1B8B  }
0xa2: {  	_ =	swait.ge [sflag:s23], $0x1  }
0xa3: {  	[sflag:s23] =	ssyncset.done $0x0  }
0xa4: {  	s25 =	simm.s32 $0x1B8E;
	s24 =	sld [smem:$0x3FFE];
	[sflag:s23] =	ssyncadd.s32 $0xFFFFFFFF  }
0xa5: {  	s26 =	simm.s32 $execute0_lowered;
	[smem:$0x3FD2] =	sst s25  }
0xa6: {  	s5 =	sshll.u32 s26, $0x1;
	_ =	strace $0x80000046;
	[dreg:$0x1] =	wrdreg $0xFFFFFFFF  }
0xa7: {  	s28 =	simm.s32 $_size_execute0_lowered;
	s3 =	sadd.s32 s3, s5;
	[dreg:$0x0] =	wrdreg $0x0  }
0xa8: {  	s5 =	sshll.u32 s28, $0x1;
	[dreg:$0x2] =	wrdreg s3  }
0xa9: {  	[dreg:$0x3] =	wrdreg s5  }
0xaa: {  	[dreg:$0x4] =	wrdreg $0xC0  }
0xab: {  	_ =	task [dreg:s7], $0x5FFFF  }
0xac: {  	[dreg:$0x1] =	wrdreg $0xFFFFFFFF  }
0xad: {  	[dreg:$0x0] =	wrdreg $0x60  }
0xae: {  	[dreg:$0x2] =	wrdreg s24  }
0xaf: {  	[dreg:$0x3] =	wrdreg s2  }
0xb0: {  	[dreg:$0x4] =	wrdreg $0xB0000  }
0xb1: {  	[dreg:$0x5] =	wrdreg $0x9  }
0xb2: {  	_ =	task.clear_ibuf [dreg:s7], $0x6FFFF;
	_ =	strace $0x90000046  }
0xb3: {  	s29 =	simm.s32 $0x9;
	_ =	strace $0x80000048  }
0xb4: {  	_ =	swait.ge [sflag:s29], $0x1  }
0xb5: {  	[sflag:s29] =	ssyncadd.s32 $0xFFFFFFFF  }
0xb6: {  	_ =	strace $0x90000048  }
0xb7: {  	_ =	sfence  }
0xb8: {  	s30 =	sld [smem:$0x0];
	_ =	sdelay $0x2  }
0xb9: {  	s31 =	sshll.u32 s1, $0xD;
	s1 =	sshrl.u32 s1, $0x2  }
0xba: {  	s3 =	sand.u32 $0x4000, s31;
	s1 =	sadd.s32 s1, s30  }
0xbb: {  	s0 =	sor.u32 s3, s0;
	s1 =	sshll.u32 s1, $0x11  }
0xbc: {  	s0 =	sor.u32 s1, s0  }
0xbd: {  	s0 =	sadd.s32 $0x8F2B, s0  }
0xbe: {  	[sflag:s0] =	ssyncadd.remote.s32 $0x1  }
0xbf: {  	_ =	sfence.sel $0xFFFF  }
0xc0: {  	[dreg:$0x0] =	wrdreg $0xFFFFFFFF;
	(pc) =	sbr.abs _section_cstart, $3  }
0xc1: {  	[dreg:$0x1] =	wrdreg $0xFFFFFFFF  }
0xc2: {  	_ =	task.clear_ibuf [dreg:s7], $0x2FFFF;
	_ =	strace $0x9FFFFFFF  }
0xc3: {  	(tm) =	ssettm $0x7FFFFFFF  }
tec
execute0_lowered:
.L_overlay_start_1:
0x0: {  	(tag) =	ssettag $0x1  }
0x1: {  	s0 =	rddreg [dreg:$0x0]  }
0x2: {  	s1 =	srdreg.scid;
	s5 =	rddreg [dreg:$0x1]  }
0x3: {  	s13 =	stileid.u32;
	s2 =	rddreg [dreg:$0x2];
	s3 =	simm.s32 $0x0  }
0x4: {  	s28 =	simm.s32 $0x4800;
	s29 =	simm.s32 $0x6800;
	s30 =	simm.s32 $0x1  }
0x5: {  	s31 =	simm.s32 $0x2;
	s1 =	sand.u32 $0x1, s1;
	s6 =	smul.u32 $0x2800, s13  }
0x6: {  	[smem:$0x7FF] =	sst s3;
	s9 =	sadd.s32 $0x33800, s0;
	s16 =	sshll.u32 s13, $0x7  }
0x7: {  	s10 =	sadd.s32 $0x33200, s0;
	s12 =	sadd.s32 $0x34000, s0;
	s19 =	smul.u32 $0x50000, s13  }
0x8: {  	s4 =	smul.u32 $0x28000, s1;
	_ =	strace $0x80000047;
	[dreg:$0xe] =	wrdreg s9  }
0x9: {  	s15 =	sshll.u32 s1, $0x4;
	[dreg:$0xf] =	wrdreg s10;
	s18 =	ssub.s32 $0x2, s1  }
0xa: {  	s9 =	sand.u32 $0x380, s16;
	s1 =	smul.u32 $0x140000, s1;
	s11 =	sshrl.u32 s18, $0x1  }
0xb: {  	s20 =	sshrl.u32 s19, $0x2;
	s19 =	simm.s32 $0x100;
	s4 =	sadd.s32 s6, s4  }
0xc: {  	s6 =	sor.u32 s13, s15;
	s13 =	smul.u32 $0x14000, s13;
	s8 =	sadd.s32 s20, s2  }
0xd: {  	[dreg:$0x7] =	wrdreg s19;
	s19 =	simm.s32 $0x8800;
	s7 =	sshrl.u32 s4, $0x3  }
0xe: {  	s4 =	sadd.s32 $0xB200, s0;
	s6 =	sshrl.u32 s6, $0x3;
	[dreg:$0x10] =	wrdreg s8  }
0xf: {  	s17 =	sadd.s32 s7, s0;
	s6 =	smul.u32 $0x14000, s6;
	s14 =	sadd.s32 $0x4000, s13  }
0x10: {  	s15 =	sadd.s32 $0x8000, s13;
	s23 =	sadd.s32 $0xC000, s13;
	s16 =	sadd.s32 $0x10000, s13  }
0x11: {  	s13 =	sadd.s32 s13, s1;
	s21 =	sadd.s32 s14, s2;
	s22 =	sadd.s32 s15, s2  }
0x12: {  	s10 =	sadd.s32 s23, s2;
	s13 =	sshrl.u32 s13, $0x3;
	s25 =	sadd.s32 s1, s14  }
0x13: {  	s26 =	sadd.s32 s1, s15;
	s15 =	sadd.s32 $0x1200, s17;
	s17 =	sadd.s32 s7, s5  }
0x14: {  	s5 =	simm.s32 $0x280;
	s7 =	simm.s32 $0x780;
	[dreg:$0x11] =	wrdreg s21  }
0x15: {  	s6 =	sor.u32 s9, s6;
	[dreg:$0x12] =	wrdreg s22;
	s24 =	sadd.s32 s12, s13  }
0x16: {  	s9 =	sadd.s32 s1, s23;
	s13 =	sshrl.u32 s26, $0x3;
	[dreg:$0x4] =	wrdreg s15  }
0x17: {  	s1 =	sadd.s32 s1, s16;
	[dreg:$0x5] =	wrdreg s17;
	s21 =	simm.s32 $0x140  }
0x18: {  	s22 =	simm.s32 $0x480;
	s23 =	simm.s32 $0x180;
	[dreg:$0x13] =	wrdreg s10  }
0x19: {  	s26 =	simm.s32 $0x200;
	s15 =	simm.s32 $0x680;
	[dreg:$0x16] =	wrdreg s24  }
0x1a: {  	s17 =	simm.s32 $0x3C0;
	s6 =	sshrl.u32 s6, $0x3;
	[dreg:$0x8] =	wrdreg s21  }
0x1b: {  	s9 =	sshrl.u32 s9, $0x3;
	s1 =	sshrl.u32 s1, $0x3;
	[dreg:$0x9] =	wrdreg s22  }
0x1c: {  	s21 =	simm.s32 $0x800;
	[dreg:$0xa] =	wrdreg s23;
	s24 =	simm.s32 $0x1C0  }
0x1d: {  	s22 =	simm.s32 $0x3;
	s23 =	simm.s32 $0x400;
	[dreg:$0xd] =	wrdreg s26  }
0x1e: {  	s26 =	simm.s32 $0x80;
	s0 =	sadd.s32 s6, s0;
	s6 =	ssub.s32 s18, s11  }
0x1f: {  	s11 =	sadd.s32 s16, s2;
	s14 =	sadd.s32 s12, s9;
	[dreg:$0xb] =	wrdreg s24  }
0x20: {  	s18 =	simm.s32 $0xC0;
	s1 =	sadd.s32 s12, s1;
	[dreg:$0x19] =	wrdreg s14  }
0x21: {  	s24 =	simm.s32 $0x40;
	s16 =	simm.s32 $0x380;
	[dreg:$0x1a] =	wrdreg s1  }
0x22: {  	s9 =	simm.s32 $0x0;
	s0 =	sadd.s32 $0x84000, s0;
	[dreg:$0x6] =	wrdreg s18  }
0x23: {  	s20 =	smax.u32 s6, $0x1;
	s1 =	simm.s32 $0x240;
	[dreg:$0x1c] =	wrdreg s9  }
0x24: {  	s6 =	simm.s32 $0x2C0;
	s14 =	simm.s32 $0x340;
	[dreg:$0x14] =	wrdreg s11  }
0x25: {  	s18 =	simm.s32 $0x700;
	[dreg:$0x15] =	wrdreg s0;
	s0 =	sshrl.u32 s25, $0x3  }
0x26: {  	[dreg:$0x1b] =	wrdreg s20;
	s20 =	simm.s32 $0x4;
	s25 =	simm.s32 $0x500  }
0x27: {  	s0 =	sadd.s32 s12, s0;
	[dreg:$0xc] =	wrdreg s25;
	s25 =	simm.s32 $0x2800  }
0x28: {  	[dreg:$0x17] =	wrdreg s0;
	s0 =	sadd.s32 s12, s13;
	s12 =	simm.s32 $0x600  }
0x29: {  	v0 =	vimm.f32 $1.000000000e+00;
	s13 =	simm.s32 $0x300;
	[dreg:$0x18] =	wrdreg s0;
	s0 =	simm.s32 $0x580  }
.LBB2_1:
0x2a: {  	s9 =	rddreg [dreg:$0xf]  }
0x2b: {  	[tilespmem:s19], [sflag:$0x4] =	stream.linear.gather [hbm4b:s9+s3], $0x2800, $0x38;
	[tilespmem:$0x1F000] =	vst v63  }
0x2c: {  	_ =	swait.ge [sflag:s20], $0x2800  }
0x2d: {  	[sflag:s20] =	ssyncset.done $0x0  }
0x2e: {  	s9 =	rddreg [dreg:$0xe];
	[sflag:s20] =	ssyncadd.s32 $0xFFFFD800  }
0x2f: {  	[tilespmem:s21], [sflag:$0x4] =	stream.linear.gather [hbm4b:s9+s3], $0x4000, $0x38;
	[tilespmem:$0x1F000] =	vst v63  }
0x30: {  	_ =	swait.ge [sflag:s20], $0x4000  }
0x31: {  	[sflag:s20] =	ssyncset.done $0x0  }
0x32: {  	[sflag:s20] =	ssyncadd.s32 $0xFFFFC000  }
0x33: {  	[spmem:s8] =	stream.linear.scatter [tilespmem:s21], [sflag:$0x3], $0x4000, $0x38;
	[tilespmem:$0x1F000] =	vst v63  }
0x34: {  	s9 =	rddreg [dreg:$0x11]  }
0x35: {  	[spmem:s9] =	stream.linear.scatter [tilespmem:s21], [sflag:$0x3], $0x4000, $0x38;
	[tilespmem:$0x1F000] =	vst v63  }
0x36: {  	s9 =	rddreg [dreg:$0x12]  }
0x37: {  	[spmem:s9] =	stream.linear.scatter [tilespmem:s21], [sflag:$0x3], $0x4000, $0x38;
	[tilespmem:$0x1F000] =	vst v63  }
0x38: {  	_ = 	snop  }
0x39: {  	[spmem:s10] =	stream.linear.scatter [tilespmem:s21], [sflag:$0x3], $0x4000, $0x38;
	[tilespmem:$0x1F000] =	vst v63  }
0x3a: {  	_ = 	snop  }
0x3b: {  	[spmem:s11] =	stream.linear.scatter [tilespmem:s21], [sflag:$0x3], $0x4000, $0x38;
	[tilespmem:$0x1F000] =	vst v63  }
0x3c: {  	_ =	swait.ge [sflag:s22], $0x4000  }
0x3d: {  	[sflag:s22] =	ssyncset.done $0x0  }
0x3e: {  	[sflag:s22] =	ssyncadd.s32 $0xFFFFC000  }
0x3f: {  	_ =	swait.ge [sflag:s22], $0x4000  }
0x40: {  	[sflag:s22] =	ssyncset.done $0x0  }
0x41: {  	[sflag:s22] =	ssyncadd.s32 $0xFFFFC000  }
0x42: {  	_ =	swait.ge [sflag:s22], $0x4000  }
0x43: {  	[sflag:s22] =	ssyncset.done $0x0  }
0x44: {  	[sflag:s22] =	ssyncadd.s32 $0xFFFFC000  }
0x45: {  	_ =	swait.ge [sflag:s22], $0x4000  }
0x46: {  	[sflag:s22] =	ssyncset.done $0x0  }
0x47: {  	[sflag:s22] =	ssyncadd.s32 $0xFFFFC000  }
0x48: {  	_ =	swait.ge [sflag:s22], $0x4000  }
0x49: {  	[sflag:s22] =	ssyncset.done $0x0  }
0x4a: {  	[sflag:s22] =	ssyncadd.s32 $0xFFFFC000  }
0x4b: {  	s9 =	simm.s32 $0x0;
	[bflag:$0x0] =	sbarrier.arrive $0xFFFF  }
.LBB2_2:
0x4c: {  	s10 =	rddreg [dreg:$0x5]  }
0x4d: {  	s10 =	sadd.s32 s9, s10  }
0x4e: {  	[tilespmem:s3], [sflag:$0x4] =	stream.linear.gather [hbm4b:s10+s3], $0x400, $0x38;
	[tilespmem:$0x1F000] =	vst v63  }
0x4f: {  	_ =	swait.ge [sflag:s20], $0x400  }
0x50: {  	s8 =	rddreg [dreg:$0x4];
	[sflag:s20] =	ssyncset.done $0x0  }
0x51: {  	[sflag:s20] =	ssyncadd.s32 $0xFFFFFC00;
	s10 =	sadd.s32 s9, s8  }
0x52: {  	[tilespmem:s23], [sflag:$0x4] =	stream.linear.gather [hbm4b:s10+s3], $0x400, $0x38;
	[tilespmem:$0x1F000] =	vst v63  }
0x53: {  	_ =	swait.ge [sflag:s20], $0x400  }
0x54: {  	[sflag:s20] =	ssyncset.done $0x0  }
0x55: {  	[sflag:s20] =	ssyncadd.s32 $0xFFFFFC00  }
0x56: {  	[tilespmem:s21], [sflag:$0x1] =	stream.indirect.gather [hbm4b:s4+s24], $0x80, s3, s24, $0xb8;
	[tilespmem:$0x1F000] =	vst v63  }
0x57: {  	_ = 	snop  }
0x58: {  	[tilespmem:s25], [sflag:$0x2] =	stream.indirect.gather [hbm4b:s4+s24], $0x80, s24, s24, $0xb8;
	[tilespmem:$0x1F000] =	vst v63  }
0x59: {  	_ = 	snop  }
0x5a: {  	[tilespmem:s28], [sflag:$0x1] =	stream.indirect.gather [hbm4b:s4+s24], $0x80, s26, s24, $0xb8;
	[tilespmem:$0x1F000] =	vst v63  }
0x5b: {  	s11 =	rddreg [dreg:$0x6]  }
0x5c: {  	[tilespmem:s29], [sflag:$0x2] =	stream.indirect.gather [hbm4b:s4+s24], $0x80, s11, s24, $0xb8;
	[tilespmem:$0x1F000] =	vst v63  }
0x5d: {  	_ =	swait.ge [sflag:s30], $0x2000  }
0x5e: {  	[sflag:s30] =	ssyncset.done $0x0  }
0x5f: {  	[sflag:s30] =	ssyncadd.s32 $0xFFFFE000  }
0x60: {  	_ =	swait.ge [sflag:s31], $0x2000  }
0x61: {  	[sflag:s31] =	ssyncset.done $0x0  }
0x62: {  	[sflag:s31] =	ssyncadd.s32 $0xFFFFE000  }
0x63: {  	[spmem:s2] =	stream.indirect.scatter.add.f32 [tilespmem:s21], [sflag:$0x3], $0x80, s23, s26, $0xb8;
	[tilespmem:$0x1F000] =	vst v63  }
0x64: {  	v1 =	vld [tilespmem:$0x400];
	_ =	sdelay $0x7  }
0x65: {  	[tilespmem:v1+s19+$0x0] =	vst.idx.add.f32.msk $0xffff, v0  }
0x66: {  	v1 =	vld [tilespmem:$0x410];
	_ =	sdelay $0x7  }
0x67: {  	[tilespmem:v1+s19+$0x0] =	vst.idx.add.f32.msk $0xffff, v0  }
0x68: {  	v1 =	vld [tilespmem:$0x420];
	_ =	sdelay $0x7  }
0x69: {  	[tilespmem:v1+s19+$0x0] =	vst.idx.add.f32.msk $0xffff, v0  }
0x6a: {  	v1 =	vld [tilespmem:$0x430];
	_ =	sdelay $0x7  }
0x6b: {  	[tilespmem:v1+s19+$0x0] =	vst.idx.add.f32.msk $0xffff, v0  }
0x6c: {  	v1 =	vld [tilespmem:$0x440];
	_ =	sdelay $0x7  }
0x6d: {  	[tilespmem:v1+s19+$0x0] =	vst.idx.add.f32.msk $0xffff, v0  }
0x6e: {  	v1 =	vld [tilespmem:$0x450];
	_ =	sdelay $0x7  }
0x6f: {  	[tilespmem:v1+s19+$0x0] =	vst.idx.add.f32.msk $0xffff, v0  }
0x70: {  	v1 =	vld [tilespmem:$0x460];
	_ =	sdelay $0x7  }
0x71: {  	[tilespmem:v1+s19+$0x0] =	vst.idx.add.f32.msk $0xffff, v0  }
0x72: {  	v1 =	vld [tilespmem:$0x470];
	_ =	sdelay $0x7  }
0x73: {  	[tilespmem:v1+s19+$0x0] =	vst.idx.add.f32.msk $0xffff, v0  }
0x74: {  	_ =	swait.ge [sflag:s22], $0x4000  }
0x75: {  	[sflag:s22] =	ssyncset.done $0x0  }
0x76: {  	s8 =	rddreg [dreg:$0x7];
	[sflag:s22] =	ssyncadd.s32 $0xFFFFC000  }
0x77: {  	[tilespmem:s21], [sflag:$0x1] =	stream.indirect.gather [hbm4b:s4+s24], $0x80, s8, s24, $0xb8;
	[tilespmem:$0x1F000] =	vst v63  }
0x78: {  	s11 =	rddreg [dreg:$0x8]  }
0x79: {  	[tilespmem:s25], [sflag:$0x2] =	stream.indirect.gather [hbm4b:s4+s24], $0x80, s11, s24, $0xb8;
	[tilespmem:$0x1F000] =	vst v63  }
0x7a: {  	_ =	swait.ge [sflag:s30], $0x2000  }
0x7b: {  	[sflag:s30] =	ssyncset.done $0x0  }
0x7c: {  	[sflag:s30] =	ssyncadd.s32 $0xFFFFE000  }
0x7d: {  	_ =	swait.ge [sflag:s31], $0x2000  }
0x7e: {  	[sflag:s31] =	ssyncset.done $0x0  }
0x7f: {  	s8 =	rddreg [dreg:$0x9];
	[sflag:s31] =	ssyncadd.s32 $0xFFFFE000  }
0x80: {  	[spmem:s2] =	stream.indirect.scatter.add.f32 [tilespmem:s28], [sflag:$0x3], $0x80, s8, s26, $0xb8;
	[tilespmem:$0x1F000] =	vst v63  }
0x81: {  	v1 =	vld [tilespmem:$0x480];
	_ =	sdelay $0x7  }
0x82: {  	[tilespmem:v1+s19+$0x0] =	vst.idx.add.f32.msk $0xffff, v0  }
0x83: {  	v1 =	vld [tilespmem:$0x490];
	_ =	sdelay $0x7  }
0x84: {  	[tilespmem:v1+s19+$0x0] =	vst.idx.add.f32.msk $0xffff, v0  }
0x85: {  	v1 =	vld [tilespmem:$0x4A0];
	_ =	sdelay $0x7  }
0x86: {  	[tilespmem:v1+s19+$0x0] =	vst.idx.add.f32.msk $0xffff, v0  }
0x87: {  	v1 =	vld [tilespmem:$0x4B0];
	_ =	sdelay $0x7  }
0x88: {  	[tilespmem:v1+s19+$0x0] =	vst.idx.add.f32.msk $0xffff, v0  }
0x89: {  	v1 =	vld [tilespmem:$0x4C0];
	_ =	sdelay $0x7  }
0x8a: {  	[tilespmem:v1+s19+$0x0] =	vst.idx.add.f32.msk $0xffff, v0  }
0x8b: {  	v1 =	vld [tilespmem:$0x4D0];
	_ =	sdelay $0x7  }
0x8c: {  	[tilespmem:v1+s19+$0x0] =	vst.idx.add.f32.msk $0xffff, v0  }
0x8d: {  	v1 =	vld [tilespmem:$0x4E0];
	_ =	sdelay $0x7  }
0x8e: {  	[tilespmem:v1+s19+$0x0] =	vst.idx.add.f32.msk $0xffff, v0  }
0x8f: {  	v1 =	vld [tilespmem:$0x4F0];
	_ =	sdelay $0x7  }
0x90: {  	[tilespmem:v1+s19+$0x0] =	vst.idx.add.f32.msk $0xffff, v0  }
0x91: {  	_ =	swait.ge [sflag:s22], $0x4000  }
0x92: {  	[sflag:s22] =	ssyncset.done $0x0  }
0x93: {  	s11 =	rddreg [dreg:$0xa];
	[sflag:s22] =	ssyncadd.s32 $0xFFFFC000  }
0x94: {  	[tilespmem:s28], [sflag:$0x1] =	stream.indirect.gather [hbm4b:s4+s24], $0x80, s11, s24, $0xb8;
	[tilespmem:$0x1F000] =	vst v63  }
0x95: {  	s8 =	rddreg [dreg:$0xb]  }
0x96: {  	[tilespmem:s29], [sflag:$0x2] =	stream.indirect.gather [hbm4b:s4+s24], $0x80, s8, s24, $0xb8;
	[tilespmem:$0x1F000] =	vst v63  }
0x97: {  	_ =	swait.ge [sflag:s30], $0x2000  }
0x98: {  	[sflag:s30] =	ssyncset.done $0x0  }
0x99: {  	[sflag:s30] =	ssyncadd.s32 $0xFFFFE000  }
0x9a: {  	_ =	swait.ge [sflag:s31], $0x2000  }
0x9b: {  	[sflag:s31] =	ssyncset.done $0x0  }
0x9c: {  	s8 =	rddreg [dreg:$0xc];
	[sflag:s31] =	ssyncadd.s32 $0xFFFFE000  }
0x9d: {  	[spmem:s2] =	stream.indirect.scatter.add.f32 [tilespmem:s21], [sflag:$0x3], $0x80, s8, s26, $0xb8;
	[tilespmem:$0x1F000] =	vst v63  }
0x9e: {  	v1 =	vld [tilespmem:$0x500];
	_ =	sdelay $0x7  }
0x9f: {  	[tilespmem:v1+s19+$0x0] =	vst.idx.add.f32.msk $0xffff, v0  }
0xa0: {  	v1 =	vld [tilespmem:$0x510];
	_ =	sdelay $0x7  }
0xa1: {  	[tilespmem:v1+s19+$0x0] =	vst.idx.add.f32.msk $0xffff, v0  }
0xa2: {  	v1 =	vld [tilespmem:$0x520];
	_ =	sdelay $0x7  }
0xa3: {  	[tilespmem:v1+s19+$0x0] =	vst.idx.add.f32.msk $0xffff, v0  }
0xa4: {  	v1 =	vld [tilespmem:$0x530];
	_ =	sdelay $0x7  }
0xa5: {  	[tilespmem:v1+s19+$0x0] =	vst.idx.add.f32.msk $0xffff, v0  }
0xa6: {  	v1 =	vld [tilespmem:$0x540];
	_ =	sdelay $0x7  }
0xa7: {  	[tilespmem:v1+s19+$0x0] =	vst.idx.add.f32.msk $0xffff, v0  }
0xa8: {  	v1 =	vld [tilespmem:$0x550];
	_ =	sdelay $0x7  }
0xa9: {  	[tilespmem:v1+s19+$0x0] =	vst.idx.add.f32.msk $0xffff, v0  }
0xaa: {  	v1 =	vld [tilespmem:$0x560];
	_ =	sdelay $0x7  }
0xab: {  	[tilespmem:v1+s19+$0x0] =	vst.idx.add.f32.msk $0xffff, v0  }
0xac: {  	v1 =	vld [tilespmem:$0x570];
	_ =	sdelay $0x7  }
0xad: {  	[tilespmem:v1+s19+$0x0] =	vst.idx.add.f32.msk $0xffff, v0  }
0xae: {  	_ =	swait.ge [sflag:s22], $0x4000  }
0xaf: {  	[sflag:s22] =	ssyncset.done $0x0  }
0xb0: {  	s11 =	rddreg [dreg:$0xd];
	[sflag:s22] =	ssyncadd.s32 $0xFFFFC000  }
0xb1: {  	[tilespmem:s21], [sflag:$0x1] =	stream.indirect.gather [hbm4b:s4+s24], $0x80, s11, s24, $0xb8;
	[tilespmem:$0x1F000] =	vst v63  }
0xb2: {  	_ = 	snop  }
0xb3: {  	[tilespmem:s25], [sflag:$0x2] =	stream.indirect.gather [hbm4b:s4+s24], $0x80, s1, s24, $0xb8;
	[tilespmem:$0x1F000] =	vst v63  }
0xb4: {  	_ =	swait.ge [sflag:s30], $0x2000  }
0xb5: {  	[sflag:s30] =	ssyncset.done $0x0  }
0xb6: {  	[sflag:s30] =	ssyncadd.s32 $0xFFFFE000  }
0xb7: {  	_ =	swait.ge [sflag:s31], $0x2000  }
0xb8: {  	[sflag:s31] =	ssyncset.done $0x0  }
0xb9: {  	[sflag:s31] =	ssyncadd.s32 $0xFFFFE000  }
0xba: {  	[spmem:s2] =	stream.indirect.scatter.add.f32 [tilespmem:s28], [sflag:$0x3], $0x80, s0, s26, $0xb8;
	[tilespmem:$0x1F000] =	vst v63  }
0xbb: {  	v1 =	vld [tilespmem:$0x580];
	_ =	sdelay $0x7  }
0xbc: {  	[tilespmem:v1+s19+$0x0] =	vst.idx.add.f32.msk $0xffff, v0  }
0xbd: {  	v1 =	vld [tilespmem:$0x590];
	_ =	sdelay $0x7  }
0xbe: {  	[tilespmem:v1+s19+$0x0] =	vst.idx.add.f32.msk $0xffff, v0  }
0xbf: {  	v1 =	vld [tilespmem:$0x5A0];
	_ =	sdelay $0x7  }
0xc0: {  	[tilespmem:v1+s19+$0x0] =	vst.idx.add.f32.msk $0xffff, v0  }
0xc1: {  	v1 =	vld [tilespmem:$0x5B0];
	_ =	sdelay $0x7  }
0xc2: {  	[tilespmem:v1+s19+$0x0] =	vst.idx.add.f32.msk $0xffff, v0  }
0xc3: {  	v1 =	vld [tilespmem:$0x5C0];
	_ =	sdelay $0x7  }
0xc4: {  	[tilespmem:v1+s19+$0x0] =	vst.idx.add.f32.msk $0xffff, v0  }
0xc5: {  	v1 =	vld [tilespmem:$0x5D0];
	_ =	sdelay $0x7  }
0xc6: {  	[tilespmem:v1+s19+$0x0] =	vst.idx.add.f32.msk $0xffff, v0  }
0xc7: {  	v1 =	vld [tilespmem:$0x5E0];
	_ =	sdelay $0x7  }
0xc8: {  	[tilespmem:v1+s19+$0x0] =	vst.idx.add.f32.msk $0xffff, v0  }
0xc9: {  	v1 =	vld [tilespmem:$0x5F0];
	_ =	sdelay $0x7  }
0xca: {  	[tilespmem:v1+s19+$0x0] =	vst.idx.add.f32.msk $0xffff, v0  }
0xcb: {  	_ =	swait.ge [sflag:s22], $0x4000  }
0xcc: {  	[sflag:s22] =	ssyncset.done $0x0  }
0xcd: {  	[sflag:s22] =	ssyncadd.s32 $0xFFFFC000  }
0xce: {  	[tilespmem:s28], [sflag:$0x1] =	stream.indirect.gather [hbm4b:s4+s24], $0x80, s5, s24, $0xb8;
	[tilespmem:$0x1F000] =	vst v63  }
0xcf: {  	_ = 	snop  }
0xd0: {  	[tilespmem:s29], [sflag:$0x2] =	stream.indirect.gather [hbm4b:s4+s24], $0x80, s6, s24, $0xb8;
	[tilespmem:$0x1F000] =	vst v63  }
0xd1: {  	_ =	swait.ge [sflag:s30], $0x2000  }
0xd2: {  	[sflag:s30] =	ssyncset.done $0x0  }
0xd3: {  	[sflag:s30] =	ssyncadd.s32 $0xFFFFE000  }
0xd4: {  	_ =	swait.ge [sflag:s31], $0x2000  }
0xd5: {  	[sflag:s31] =	ssyncset.done $0x0  }
0xd6: {  	[sflag:s31] =	ssyncadd.s32 $0xFFFFE000  }
0xd7: {  	[spmem:s2] =	stream.indirect.scatter.add.f32 [tilespmem:s21], [sflag:$0x3], $0x80, s12, s26, $0xb8;
	[tilespmem:$0x1F000] =	vst v63  }
0xd8: {  	v1 =	vld [tilespmem:$0x600];
	_ =	sdelay $0x7  }
0xd9: {  	[tilespmem:v1+s19+$0x0] =	vst.idx.add.f32.msk $0xffff, v0  }
0xda: {  	v1 =	vld [tilespmem:$0x610];
	_ =	sdelay $0x7  }
0xdb: {  	[tilespmem:v1+s19+$0x0] =	vst.idx.add.f32.msk $0xffff, v0  }
0xdc: {  	v1 =	vld [tilespmem:$0x620];
	_ =	sdelay $0x7  }
0xdd: {  	[tilespmem:v1+s19+$0x0] =	vst.idx.add.f32.msk $0xffff, v0  }
0xde: {  	v1 =	vld [tilespmem:$0x630];
	_ =	sdelay $0x7  }
0xdf: {  	[tilespmem:v1+s19+$0x0] =	vst.idx.add.f32.msk $0xffff, v0  }
0xe0: {  	v1 =	vld [tilespmem:$0x640];
	_ =	sdelay $0x7  }
0xe1: {  	[tilespmem:v1+s19+$0x0] =	vst.idx.add.f32.msk $0xffff, v0  }
0xe2: {  	v1 =	vld [tilespmem:$0x650];
	_ =	sdelay $0x7  }
0xe3: {  	[tilespmem:v1+s19+$0x0] =	vst.idx.add.f32.msk $0xffff, v0  }
0xe4: {  	v1 =	vld [tilespmem:$0x660];
	_ =	sdelay $0x7  }
0xe5: {  	[tilespmem:v1+s19+$0x0] =	vst.idx.add.f32.msk $0xffff, v0  }
0xe6: {  	v1 =	vld [tilespmem:$0x670];
	_ =	sdelay $0x7  }
0xe7: {  	[tilespmem:v1+s19+$0x0] =	vst.idx.add.f32.msk $0xffff, v0  }
0xe8: {  	_ =	swait.ge [sflag:s22], $0x4000  }
0xe9: {  	[sflag:s22] =	ssyncset.done $0x0  }
0xea: {  	[sflag:s22] =	ssyncadd.s32 $0xFFFFC000  }
0xeb: {  	[tilespmem:s21], [sflag:$0x1] =	stream.indirect.gather [hbm4b:s4+s24], $0x80, s13, s24, $0xb8;
	[tilespmem:$0x1F000] =	vst v63  }
0xec: {  	_ = 	snop  }
0xed: {  	[tilespmem:s25], [sflag:$0x2] =	stream.indirect.gather [hbm4b:s4+s24], $0x80, s14, s24, $0xb8;
	[tilespmem:$0x1F000] =	vst v63  }
0xee: {  	_ =	swait.ge [sflag:s30], $0x2000  }
0xef: {  	[sflag:s30] =	ssyncset.done $0x0  }
0xf0: {  	[sflag:s30] =	ssyncadd.s32 $0xFFFFE000  }
0xf1: {  	_ =	swait.ge [sflag:s31], $0x2000  }
0xf2: {  	[sflag:s31] =	ssyncset.done $0x0  }
0xf3: {  	[sflag:s31] =	ssyncadd.s32 $0xFFFFE000  }
0xf4: {  	[spmem:s2] =	stream.indirect.scatter.add.f32 [tilespmem:s28], [sflag:$0x3], $0x80, s15, s26, $0xb8;
	[tilespmem:$0x1F000] =	vst v63  }
0xf5: {  	v1 =	vld [tilespmem:$0x680];
	_ =	sdelay $0x7  }
0xf6: {  	[tilespmem:v1+s19+$0x0] =	vst.idx.add.f32.msk $0xffff, v0  }
0xf7: {  	v1 =	vld [tilespmem:$0x690];
	_ =	sdelay $0x7  }
0xf8: {  	[tilespmem:v1+s19+$0x0] =	vst.idx.add.f32.msk $0xffff, v0  }
0xf9: {  	v1 =	vld [tilespmem:$0x6A0];
	_ =	sdelay $0x7  }
0xfa: {  	[tilespmem:v1+s19+$0x0] =	vst.idx.add.f32.msk $0xffff, v0  }
0xfb: {  	v1 =	vld [tilespmem:$0x6B0];
	_ =	sdelay $0x7  }
0xfc: {  	[tilespmem:v1+s19+$0x0] =	vst.idx.add.f32.msk $0xffff, v0  }
0xfd: {  	v1 =	vld [tilespmem:$0x6C0];
	_ =	sdelay $0x7  }
0xfe: {  	[tilespmem:v1+s19+$0x0] =	vst.idx.add.f32.msk $0xffff, v0  }
0xff: {  	v1 =	vld [tilespmem:$0x6D0];
	_ =	sdelay $0x7  }
0x100: {  	[tilespmem:v1+s19+$0x0] =	vst.idx.add.f32.msk $0xffff, v0  }
0x101: {  	v1 =	vld [tilespmem:$0x6E0];
	_ =	sdelay $0x7  }
0x102: {  	[tilespmem:v1+s19+$0x0] =	vst.idx.add.f32.msk $0xffff, v0  }
0x103: {  	v1 =	vld [tilespmem:$0x6F0];
	_ =	sdelay $0x7  }
0x104: {  	[tilespmem:v1+s19+$0x0] =	vst.idx.add.f32.msk $0xffff, v0  }
0x105: {  	_ =	swait.ge [sflag:s22], $0x4000  }
0x106: {  	[sflag:s22] =	ssyncset.done $0x0  }
0x107: {  	[sflag:s22] =	ssyncadd.s32 $0xFFFFC000  }
0x108: {  	[tilespmem:s28], [sflag:$0x1] =	stream.indirect.gather [hbm4b:s4+s24], $0x80, s16, s24, $0xb8;
	[tilespmem:$0x1F000] =	vst v63  }
0x109: {  	_ = 	snop  }
0x10a: {  	[tilespmem:s29], [sflag:$0x2] =	stream.indirect.gather [hbm4b:s4+s24], $0x80, s17, s24, $0xb8;
	[tilespmem:$0x1F000] =	vst v63  }
0x10b: {  	_ =	swait.ge [sflag:s30], $0x2000  }
0x10c: {  	[sflag:s30] =	ssyncset.done $0x0  }
0x10d: {  	[sflag:s30] =	ssyncadd.s32 $0xFFFFE000  }
0x10e: {  	_ =	swait.ge [sflag:s31], $0x2000  }
0x10f: {  	[sflag:s31] =	ssyncset.done $0x0  }
0x110: {  	[sflag:s31] =	ssyncadd.s32 $0xFFFFE000  }
0x111: {  	[spmem:s2] =	stream.indirect.scatter.add.f32 [tilespmem:s21], [sflag:$0x3], $0x80, s18, s26, $0xb8;
	[tilespmem:$0x1F000] =	vst v63  }
0x112: {  	v1 =	vld [tilespmem:$0x700];
	_ =	sdelay $0x7  }
0x113: {  	[tilespmem:v1+s19+$0x0] =	vst.idx.add.f32.msk $0xffff, v0  }
0x114: {  	v1 =	vld [tilespmem:$0x710];
	_ =	sdelay $0x7  }
0x115: {  	[tilespmem:v1+s19+$0x0] =	vst.idx.add.f32.msk $0xffff, v0  }
0x116: {  	v1 =	vld [tilespmem:$0x720];
	_ =	sdelay $0x7  }
0x117: {  	[tilespmem:v1+s19+$0x0] =	vst.idx.add.f32.msk $0xffff, v0  }
0x118: {  	v1 =	vld [tilespmem:$0x730];
	_ =	sdelay $0x7  }
0x119: {  	[tilespmem:v1+s19+$0x0] =	vst.idx.add.f32.msk $0xffff, v0  }
0x11a: {  	v1 =	vld [tilespmem:$0x740];
	_ =	sdelay $0x7  }
0x11b: {  	[tilespmem:v1+s19+$0x0] =	vst.idx.add.f32.msk $0xffff, v0  }
0x11c: {  	v1 =	vld [tilespmem:$0x750];
	_ =	sdelay $0x7  }
0x11d: {  	[tilespmem:v1+s19+$0x0] =	vst.idx.add.f32.msk $0xffff, v0  }
0x11e: {  	v1 =	vld [tilespmem:$0x760];
	_ =	sdelay $0x7  }
0x11f: {  	[tilespmem:v1+s19+$0x0] =	vst.idx.add.f32.msk $0xffff, v0  }
0x120: {  	v1 =	vld [tilespmem:$0x770];
	_ =	sdelay $0x7  }
0x121: {  	[tilespmem:v1+s19+$0x0] =	vst.idx.add.f32.msk $0xffff, v0  }
0x122: {  	_ =	swait.ge [sflag:s30], $0x2000  }
0x123: {  	[sflag:s30] =	ssyncset.done $0x0  }
0x124: {  	[sflag:s30] =	ssyncadd.s32 $0xFFFFE000  }
0x125: {  	_ =	swait.ge [sflag:s31], $0x2000  }
0x126: {  	[sflag:s31] =	ssyncset.done $0x0  }
0x127: {  	[sflag:s31] =	ssyncadd.s32 $0xFFFFE000  }
0x128: {  	[spmem:s2] =	stream.indirect.scatter.add.f32 [tilespmem:s28], [sflag:$0x3], $0x80, s7, s26, $0xb8;
	[tilespmem:$0x1F000] =	vst v63  }
0x129: {  	v1 =	vld [tilespmem:$0x780];
	_ =	sdelay $0x7  }
0x12a: {  	[tilespmem:v1+s19+$0x0] =	vst.idx.add.f32.msk $0xffff, v0  }
0x12b: {  	v1 =	vld [tilespmem:$0x790];
	_ =	sdelay $0x7  }
0x12c: {  	[tilespmem:v1+s19+$0x0] =	vst.idx.add.f32.msk $0xffff, v0  }
0x12d: {  	v1 =	vld [tilespmem:$0x7A0];
	_ =	sdelay $0x7  }
0x12e: {  	[tilespmem:v1+s19+$0x0] =	vst.idx.add.f32.msk $0xffff, v0  }
0x12f: {  	v1 =	vld [tilespmem:$0x7B0];
	_ =	sdelay $0x7  }
0x130: {  	[tilespmem:v1+s19+$0x0] =	vst.idx.add.f32.msk $0xffff, v0  }
0x131: {  	v1 =	vld [tilespmem:$0x7C0];
	_ =	sdelay $0x7  }
0x132: {  	[tilespmem:v1+s19+$0x0] =	vst.idx.add.f32.msk $0xffff, v0  }
0x133: {  	v1 =	vld [tilespmem:$0x7D0];
	_ =	sdelay $0x7  }
0x134: {  	[tilespmem:v1+s19+$0x0] =	vst.idx.add.f32.msk $0xffff, v0  }
0x135: {  	v1 =	vld [tilespmem:$0x7E0];
	_ =	sdelay $0x7  }
0x136: {  	[tilespmem:v1+s19+$0x0] =	vst.idx.add.f32.msk $0xffff, v0  }
0x137: {  	v1 =	vld [tilespmem:$0x7F0];
	_ =	sdelay $0x7  }
0x138: {  	[tilespmem:v1+s19+$0x0] =	vst.idx.add.f32.msk $0xffff, v0  }
0x139: {  	p0 =	sne.s32 s9, $0x480;
	_ =	swait.ge [sflag:s22], $0x4000  }
.Ltmp0:
0x13a: {  	[sflag:s22] =	ssyncset.done $0x0;
	(pc) =	sbr.rel @p0 .LBB2_2-.Ltmp0, $4  }
0x13b: {  	[sflag:s22] =	ssyncadd.s32 $0xFFFFC000  }
0x13c: {  	_ =	swait.ge [sflag:s22], $0x4000  }
0x13d: {  	[sflag:s22] =	ssyncset.done $0x0  }
0x13e: {  	s9 =	sadd.s32 $0x80, s9;
	[sflag:s22] =	ssyncadd.s32 $0xFFFFC000  }
0x13f: {  	[bflag:$0x0] =	sbarrier.arrive $0xFFFF  }
0x140: {  	s8 =	rddreg [dreg:$0x15]  }
0x141: {  	[hbm4b:s8+s26] =	stream.strided.scatter [tilespmem:s19], [sflag:$0x3], $0x2800, s23, s26, $0x38;
	[tilespmem:$0x1F000] =	vst v63  }
0x142: {  	s1 =	rddreg [dreg:$0x10]  }
0x143: {  	[tilespmem:s21], [sflag:$0x1] =	stream.linear.gather [spmem:s1], $0x4000, $0x38;
	[tilespmem:$0x1F000] =	vst v63  }
0x144: {  	s11 =	rddreg [dreg:$0x11]  }
0x145: {  	[tilespmem:s28], [sflag:$0x1] =	stream.linear.gather [spmem:s11], $0x4000, $0x38;
	[tilespmem:$0x1F000] =	vst v63  }
0x146: {  	_ =	swait.ge [sflag:s30], $0x4000  }
0x147: {  	[sflag:s30] =	ssyncset.done $0x0  }
0x148: {  	s9 =	rddreg [dreg:$0x16];
	[sflag:s30] =	ssyncadd.s32 $0xFFFFC000  }
0x149: {  	[hbm4b:s9+s3] =	stream.linear.scatter [tilespmem:s21], [sflag:$0x3], $0x4000, $0x38;
	[tilespmem:$0x1F000] =	vst v63  }
0x14a: {  	_ =	swait.ge [sflag:s22], $0x4000  }
0x14b: {  	[sflag:s22] =	ssyncset.done $0x0  }
0x14c: {  	s10 =	rddreg [dreg:$0x12];
	[sflag:s22] =	ssyncadd.s32 $0xFFFFC000  }
0x14d: {  	[tilespmem:s21], [sflag:$0x1] =	stream.linear.gather [spmem:s10], $0x4000, $0x38;
	[tilespmem:$0x1F000] =	vst v63  }
0x14e: {  	_ =	swait.ge [sflag:s30], $0x4000  }
0x14f: {  	[sflag:s30] =	ssyncset.done $0x0  }
0x150: {  	s9 =	rddreg [dreg:$0x17];
	[sflag:s30] =	ssyncadd.s32 $0xFFFFC000  }
0x151: {  	[hbm4b:s9+s3] =	stream.linear.scatter [tilespmem:s28], [sflag:$0x3], $0x4000, $0x38;
	[tilespmem:$0x1F000] =	vst v63  }
0x152: {  	_ =	swait.ge [sflag:s22], $0x4000  }
0x153: {  	[sflag:s22] =	ssyncset.done $0x0  }
0x154: {  	s10 =	rddreg [dreg:$0x13];
	[sflag:s22] =	ssyncadd.s32 $0xFFFFC000  }
0x155: {  	[tilespmem:s28], [sflag:$0x1] =	stream.linear.gather [spmem:s10], $0x4000, $0x38;
	[tilespmem:$0x1F000] =	vst v63  }
0x156: {  	_ =	swait.ge [sflag:s30], $0x4000  }
0x157: {  	[sflag:s30] =	ssyncset.done $0x0  }
0x158: {  	s11 =	rddreg [dreg:$0x18];
	[sflag:s30] =	ssyncadd.s32 $0xFFFFC000  }
0x159: {  	[hbm4b:s11+s3] =	stream.linear.scatter [tilespmem:s21], [sflag:$0x3], $0x4000, $0x38;
	[tilespmem:$0x1F000] =	vst v63  }
0x15a: {  	_ =	swait.ge [sflag:s22], $0x4000  }
0x15b: {  	[sflag:s22] =	ssyncset.done $0x0  }
0x15c: {  	s11 =	rddreg [dreg:$0x14];
	[sflag:s22] =	ssyncadd.s32 $0xFFFFC000  }
0x15d: {  	[tilespmem:s21], [sflag:$0x1] =	stream.linear.gather [spmem:s11], $0x4000, $0x38;
	[tilespmem:$0x1F000] =	vst v63  }
0x15e: {  	_ =	swait.ge [sflag:s30], $0x4000  }
0x15f: {  	[sflag:s30] =	ssyncset.done $0x0  }
0x160: {  	s8 =	rddreg [dreg:$0x19];
	[sflag:s30] =	ssyncadd.s32 $0xFFFFC000  }
0x161: {  	[hbm4b:s8+s3] =	stream.linear.scatter [tilespmem:s28], [sflag:$0x3], $0x4000, $0x38;
	[tilespmem:$0x1F000] =	vst v63  }
0x162: {  	_ =	swait.ge [sflag:s30], $0x4000  }
0x163: {  	[sflag:s30] =	ssyncset.done $0x0  }
0x164: {  	s8 =	rddreg [dreg:$0x1a];
	[sflag:s30] =	ssyncadd.s32 $0xFFFFC000  }
0x165: {  	[hbm4b:s8+s3] =	stream.linear.scatter [tilespmem:s21], [sflag:$0x3], $0x4000, $0x38;
	[tilespmem:$0x1F000] =	vst v63  }
0x166: {  	_ =	swait.ge [sflag:s22], $0x4000  }
0x167: {  	[sflag:s22] =	ssyncset.done $0x0  }
0x168: {  	[sflag:s22] =	ssyncadd.s32 $0xFFFFC000  }
0x169: {  	_ =	swait.ge [sflag:s22], $0x4000  }
0x16a: {  	[sflag:s22] =	ssyncset.done $0x0  }
0x16b: {  	[sflag:s22] =	ssyncadd.s32 $0xFFFFC000  }
0x16c: {  	_ =	swait.ge [sflag:s22], $0x2800  }
0x16d: {  	s9 =	rddreg [dreg:$0x1c]  }
0x16e: {  	s8 =	sadd.s32 $0x1, s9;
	s9 =	rddreg [dreg:$0x1b]  }
0x16f: {  	p0 =	sne.s32 s8, s9  }
.Ltmp1:
0x170: {  	_ = 	snop;
	(pc) =	sbr.rel @p0 .LBB2_1-.Ltmp1, $4  }
0x171: {  	_ = 	snop  }
0x172: {  	[sflag:s22] =	ssyncset.done $0x0  }
0x173: {  	[sflag:s22] =	ssyncadd.s32 $0xFFFFD800  }
0x174: {  	[dreg:$0x1c] =	wrdreg s8;
	s8 =	smov.u32 s1;
	s1 =	simm.s32 $0x240  }
0x175: {  	_ =	sfence.sel $0x180000  }
0x176: {  	[bflag:$0x0] =	sbarrier.arrive $0xFFFF  }
0x177: {  	_ =	strace $0x90000047  }
0x178: {  	s0 =	stileid.u32;
	[bflag:$0x2] =	sbarrier.arrive $0xFFFF  }
0x179: {  	p0 =	sne.s32 s0, $0x0;
	s0 =	rddreg [dreg:$0x3]  }
0x17a: {  	s0 =	sadd.s32 @!p0 $0x100000, s0  }
0x17b: {  	[sflag:s0] =	ssyncadd.tile.s32 @!p0 $0x1;
	_ =	shalt  }
.Lfunc_end2:
_tile_overlayer_lowered:
.L_overlay_start_2:
0x17c: {  	(tag) =	ssettag $0x2  }
0x17d: {  	s0 =	rddreg [dreg:$0x0];
	s2 =	stileid.u32  }
0x17e: {  	s1 =	rddreg [dreg:$0x1];
	p0 =	sne.s32 s2, $0x0  }
0x17f: {  	s3 =	rddreg [dreg:$0x2];
	[bflag:$0x3] =	sbarrier.arrive $0xFFFF;
	s2 =	simm.s32 @!p0 $0x1C04  }
0x180: {  	[timem:s3], [sflag:s2] =	dma.local @!p0 [hbm:s0], s1  }
0x181: {  	s0 =	simm.s32 @!p0 $0x4  }
0x182: {  	_ =	swait.ge @!p0 [sflag:s0], s1  }
0x183: {  	s1 =	ssub.s32 @!p0 $0x0, s1;
	[sflag:s0] =	ssyncset.done @!p0 $0x0  }
0x184: {  	[sflag:s0] =	ssyncadd.s32 @!p0 s1  }
0x185: {  	[bflag:$0x3] =	sbarrier.arrive $0xFFFF  }
0x186: {  	_ =	shalt  }

</sc_bundles>
